<compile_context>
chip_gen: v7x
topology: tpu7x:2x2x1
jax: 0.10.2.dev20260603
libtpu: 0.0.44.dev20260713+nightly
codegen_flags: <defaults>
</compile_context>

<pallas_src>
import functools

import jax
import jax.numpy as jnp
from jax import lax
from jax.experimental import pallas as pl
from jax.experimental.pallas import tpu as pltpu
from jax.experimental.pallas import tpu_sc as plsc

_B = 1024
_M = 16
_C = 128
_NNZ = 512
_NT = 34

_LANES = 16
_NW = 32
_CCHUNKS = _C // _LANES
_MPTR_PAD = 32

_SPLIT = 704
_BB = 64


def _sc_tensor_product(x1, x2, w, cg, p12, paw, mptr_pad):
    b_sc = x1.shape[0]
    bpw = b_sc // _NW
    mesh = plsc.VectorSubcoreMesh(core_axis_name="c", subcore_axis_name="s")

    @functools.partial(
        pl.kernel,
        mesh=mesh,
        out_type=jax.ShapeDtypeStruct((b_sc, _M, _C), jnp.float32),
        compiler_params=pltpu.CompilerParams(needs_layout_passes=False),
        scratch_types=[
            pltpu.SMEM((_NNZ,), jnp.int32),
            pltpu.SMEM((_NNZ,), jnp.int32),
            pltpu.SMEM((_NNZ,), jnp.float32),
            pltpu.SMEM((_MPTR_PAD,), jnp.int32),
            pltpu.VMEM((_NNZ,), jnp.int32),
            pltpu.VMEM((_NNZ,), jnp.int32),
            pltpu.VMEM((_NNZ,), jnp.float32),
            pltpu.VMEM((_MPTR_PAD,), jnp.int32),
            pltpu.VMEM((_M, _C), jnp.float32),
            pltpu.VMEM((_M, _C), jnp.float32),
            pltpu.VMEM((_NT, _C), jnp.float32),
            pltpu.VMEM((_M, _C), jnp.float32),
            pltpu.VMEM((_M, _C), jnp.float32),
            pltpu.VMEM((_NT, _C), jnp.float32),
            pltpu.VMEM((_M, _C), jnp.float32),
            pltpu.VMEM((_M, _C), jnp.float32),
            pltpu.SemaphoreType.DMA,
            pltpu.SemaphoreType.DMA,
            pltpu.SemaphoreType.DMA,
            pltpu.SemaphoreType.DMA,
        ],
    )
    def k(x1_hbm, x2_hbm, w_hbm, cg_hbm, p12_hbm, paw_hbm, mptr_hbm,
          out_hbm, p12_s, paw_s, cg_s, mptr_s, p12_b, paw_b, cg_b, mptr_b,
          x1_va, x2_va, w_va, x1_vb, x2_vb, w_vb, out_va, out_vb,
          sem_a, sem_b, sem_oa, sem_ob):
        wid = lax.axis_index("c") * 16 + lax.axis_index("s")

        pltpu.sync_copy(p12_hbm, p12_b)
        pltpu.sync_copy(paw_hbm, paw_b)
        pltpu.sync_copy(cg_hbm, cg_b)
        pltpu.sync_copy(mptr_hbm, mptr_b)

        @plsc.parallel_loop(0, _NNZ, _LANES)
        def fill_body(base):
            v12 = p12_b[pl.ds(base, _LANES)]
            vaw = paw_b[pl.ds(base, _LANES)]
            vcg = cg_b[pl.ds(base, _LANES)]
            for j in range(_LANES):
                p12_s[base + j] = v12[j]
                paw_s[base + j] = vaw[j]
                cg_s[base + j] = vcg[j]

        @plsc.parallel_loop(0, _MPTR_PAD, _LANES)
        def fill_mptr(base):
            vmp = mptr_b[pl.ds(base, _LANES)]
            for j in range(_LANES):
                mptr_s[base + j] = vmp[j]

        b0 = wid * bpw
        bufs = ((x1_va, x2_va, w_va, sem_a), (x1_vb, x2_vb, w_vb, sem_b))
        obufs = ((out_va, sem_oa), (out_vb, sem_ob))

        def start_copies(b, buf):
            x1d, x2d, wd, sem = buf
            pltpu.async_copy(x1_hbm.at[b], x1d, sem)
            pltpu.async_copy(x2_hbm.at[b], x2d, sem)
            pltpu.async_copy(w_hbm.at[b], wd, sem)

        def wait_copies(buf):
            x1d, x2d, wd, sem = buf
            pltpu.make_async_copy(x1_hbm.at[b0], x1d, sem).wait()
            pltpu.make_async_copy(x2_hbm.at[b0], x2d, sem).wait()
            pltpu.make_async_copy(w_hbm.at[b0], wd, sem).wait()

        def compute(b, i2, buf, obuf):
            x1d, x2d, wd, _ = buf
            out_v, sem_o = obuf

            @pl.when(i2 > 0)
            def _():
                pltpu.make_async_copy(out_v, out_hbm.at[b0], sem_o).wait()

            def seg_body(m, carry2):
                st = mptr_s[m]
                en = mptr_s[m + 1]
                zero = jnp.zeros((_LANES,), jnp.float32)
                init = (zero,) * _CCHUNKS

                @plsc.parallel_loop(st, en, 1, unroll=2, carry=init)
                def acc_fin(n, acc):
                    s12 = p12_s[n]
                    aws = paw_s[n]
                    cgs = cg_s[n]
                    o1 = s12 & 255
                    o2 = lax.shift_right_logical(s12, 8)
                    new = []
                    for kk in range(_CCHUNKS):
                        g1 = x1d[o1, pl.ds(kk * _LANES, _LANES)]
                        g2 = x2d[o2, pl.ds(kk * _LANES, _LANES)]
                        gw = wd[aws, pl.ds(kk * _LANES, _LANES)]
                        new.append(acc[kk] + g1 * g2 * gw * cgs)
                    return tuple(new)

                for kk in range(_CCHUNKS):
                    out_v[m, pl.ds(kk * _LANES, _LANES)] = acc_fin[kk]
                return carry2
            lax.fori_loop(0, _M, seg_body, 0)

            pltpu.async_copy(out_v, out_hbm.at[b], sem_o)

        start_copies(b0, bufs[0])

        def batch_pair(i2, carry):
            for par in range(2):
                i = i2 * 2 + par
                b = b0 + i
                buf = bufs[par]
                nxt = bufs[1 - par]
                wait_copies(buf)
                start_copies(b0 + jnp.minimum(i + 1, bpw - 1), nxt)
                compute(b, i2, buf, obufs[par])
            return carry
        lax.fori_loop(0, bpw // 2, batch_pair, 0)
        wait_copies(bufs[0])
        for out_v, sem_o in obufs:
            pltpu.make_async_copy(out_v, out_hbm.at[b0], sem_o).wait()

    return k(x1, x2, w, cg, p12, paw, mptr_pad)


def _tc_body(p12_ref, paw_ref, cg_ref, mptr_ref, x1_ref, x2_ref, w_ref,
             out_ref):
    for m in range(_M):
        st = mptr_ref[m]
        en = mptr_ref[m + 1]

        def e_body(n, acc):
            s12 = p12_ref[n]
            aws = paw_ref[n]
            cgs = cg_ref[n]
            o1 = s12 & 255
            o2 = lax.shift_right_logical(s12, 8)
            g1 = x1_ref[o1]
            g2 = x2_ref[o2]
            gw = w_ref[aws]
            return acc + g1 * g2 * gw * cgs

        acc = lax.fori_loop(st, en, e_body,
                            jnp.zeros((_BB, _C), jnp.float32))
        out_ref[m] = acc


def _tc_tensor_product(x1t, x2t, wt, cg, p12, paw, mptr):
    b_tc = x1t.shape[1]
    grid = (b_tc // _BB,)
    return pl.pallas_call(
        _tc_body,
        grid=grid,
        in_specs=[
            pl.BlockSpec(memory_space=pltpu.SMEM),
            pl.BlockSpec(memory_space=pltpu.SMEM),
            pl.BlockSpec(memory_space=pltpu.SMEM),
            pl.BlockSpec(memory_space=pltpu.SMEM),
            pl.BlockSpec((_M, _BB, _C), lambda i: (0, i, 0)),
            pl.BlockSpec((_M, _BB, _C), lambda i: (0, i, 0)),
            pl.BlockSpec((_NT, _BB, _C), lambda i: (0, i, 0)),
        ],
        out_specs=pl.BlockSpec((_M, _BB, _C), lambda i: (0, i, 0)),
        out_shape=jax.ShapeDtypeStruct((_M, b_tc, _C), jnp.float32),
        compiler_params=pltpu.CompilerParams(
            dimension_semantics=("arbitrary",)),
    )(p12, paw, cg, mptr, x1t, x2t, wt)


def kernel(x1, x2, weight, CG_vals, l_ind_M1M2, M1, M2, M_ptr_M1M2):
    p12 = M1 | (M2 << 8)
    mptr_pad = jnp.concatenate(
        [M_ptr_M1M2, jnp.zeros((_MPTR_PAD - _M - 1,), jnp.int32)])

    out_sc = _sc_tensor_product(
        x1[_SPLIT:], x2[_SPLIT:], weight[_SPLIT:],
        CG_vals, p12, l_ind_M1M2, mptr_pad)
    out_tct = _tc_tensor_product(
        jnp.swapaxes(x1[:_SPLIT], 0, 1),
        jnp.swapaxes(x2[:_SPLIT], 0, 1),
        jnp.swapaxes(weight[:_SPLIT], 0, 1),
        CG_vals, p12, l_ind_M1M2, M_ptr_M1M2)
    out_tc = jnp.swapaxes(out_tct, 0, 1)
    return jnp.concatenate([out_tc, out_sc], axis=0)

# --- scband reference (transcript-rebuilt; emitter-appended) ---
"""Pipeline reference for scband-weighted-tensor-product-5231270166733 (READ-ONLY COPY).

The authoritative reference and input builder live on the scoring server;
editing this copy changes nothing except your own understanding.
"""

import jax, jax.numpy as jnp
import numpy as np

B = 1024      # batch of node/edge pairs
M = 16        # (lmax+1)^2 spherical components for lmax=3
C = 128       # channels (channel-wise tp: C1 == C2 == C)
NNZ = 512     # number of nonzero Clebsch-Gordan entries
NT = 34       # number of (l, l1, l2) coupling paths for lmax=3


def setup_inputs(seed: int = 0) -> dict:
    key = jax.random.key(seed)
    k1, k2, k3, k4, k5, k6, k7 = jax.random.split(key, 7)
    x1 = jax.random.normal(k1, (B, M, C), dtype=jnp.float32)
    x2 = jax.random.normal(k2, (B, M, C), dtype=jnp.float32)
    # external per-pair weights: [B, num_paths, C] (channel-wise)
    weight = jax.random.normal(k3, (B, NT, C), dtype=jnp.float32)
    # sparse CG coefficient values and their index structure
    CG_vals = jax.random.normal(k4, (NNZ,), dtype=jnp.float32)
    l_ind_M1M2 = jax.random.randint(k5, (NNZ,), 0, NT, dtype=jnp.int32)
    M1 = jax.random.randint(k6, (NNZ,), 0, M, dtype=jnp.int32)
    M2 = jax.random.randint(k7, (NNZ,), 0, M, dtype=jnp.int32)
    # CSR-style pointer over output M components: entries are sorted by output m
    M_ptr_M1M2 = jnp.asarray(np.round(np.linspace(0, NNZ, M + 1)).astype(np.int32))
    return {
        "x1": x1,
        "x2": x2,
        "weight": weight,
        "CG_vals": CG_vals,
        "l_ind_M1M2": l_ind_M1M2,
        "M1": M1,
        "M2": M2,
        "M_ptr_M1M2": M_ptr_M1M2,
    }


def reference(x1, x2, weight, CG_vals, l_ind_M1M2, M1, M2, M_ptr_M1M2):
    # _weighted_tensor_product_cw (channel-wise weighted tensor product)
    # x1: [B, M, C], x2: [B, M, C], weight: [B, NT, C]
    x1g = jnp.take(x1, M1, axis=1)                 # [B, NNZ, C]  gather by m1 index
    x2g = jnp.take(x2, M2, axis=1)                 # [B, NNZ, C]  gather by m2 index
    inter = x2g * x1g * CG_vals[None, :, None]     # scale by CG coefficients
    w = jnp.take(weight, l_ind_M1M2, axis=1)       # [B, NNZ, C]  gather path weights
    ret = inter * w
    # segment-sum over NNZ entries into M output components via CSR ptr
    counts = M_ptr_M1M2[1:] - M_ptr_M1M2[:-1]
    seg_ids = jnp.repeat(jnp.arange(M, dtype=jnp.int32), counts, total_repeat_length=NNZ)
    out = jnp.zeros((x1.shape[0], M, ret.shape[-1]), dtype=ret.dtype)
    out = out.at[:, seg_ids, :].add(ret)           # scatter-add (segment reduce)
    return out

if __name__ == "__main__":
    import jax
    _d = setup_inputs()
    print(jax.jit(kernel)(*tuple(_d.values())))

</pallas_src>

<mosaic_0001>
#map = affine_map<(d0, d1) -> (0, 0, 0)>
#map1 = affine_map<(d0, d1) -> (0)>
module attributes {stable_mosaic.version = 14 : i64} {
  func.func @k(%arg0: i32, %arg1: i32, %arg2: memref<320x16x128xf32, #tpu.memory_space<hbm>>, %arg3: memref<320x16x128xf32, #tpu.memory_space<hbm>>, %arg4: memref<320x34x128xf32, #tpu.memory_space<hbm>>, %arg5: memref<512xf32, #tpu.memory_space<hbm>>, %arg6: memref<512xi32, #tpu.memory_space<hbm>>, %arg7: memref<512xi32, #tpu.memory_space<hbm>>, %arg8: memref<32xi32, #tpu.memory_space<hbm>>, %arg9: memref<320x16x128xf32, #tpu.memory_space<hbm>>, %arg10: memref<512xi32, #tpu.memory_space<smem>>, %arg11: memref<512xi32, #tpu.memory_space<smem>>, %arg12: memref<512xf32, #tpu.memory_space<smem>>, %arg13: memref<32xi32, #tpu.memory_space<smem>>, %arg14: memref<512xi32, #tpu.memory_space<vmem>>, %arg15: memref<512xi32, #tpu.memory_space<vmem>>, %arg16: memref<512xf32, #tpu.memory_space<vmem>>, %arg17: memref<32xi32, #tpu.memory_space<vmem>>, %arg18: memref<16x128xf32, #tpu.memory_space<vmem>>, %arg19: memref<16x128xf32, #tpu.memory_space<vmem>>, %arg20: memref<34x128xf32, #tpu.memory_space<vmem>>, %arg21: memref<16x128xf32, #tpu.memory_space<vmem>>, %arg22: memref<16x128xf32, #tpu.memory_space<vmem>>, %arg23: memref<34x128xf32, #tpu.memory_space<vmem>>, %arg24: memref<16x128xf32, #tpu.memory_space<vmem>>, %arg25: memref<16x128xf32, #tpu.memory_space<vmem>>, %arg26: memref<!tpu.dma_semaphore, #tpu.memory_space<semaphore_mem>>, %arg27: memref<!tpu.dma_semaphore, #tpu.memory_space<semaphore_mem>>, %arg28: memref<!tpu.dma_semaphore, #tpu.memory_space<semaphore_mem>>, %arg29: memref<!tpu.dma_semaphore, #tpu.memory_space<semaphore_mem>>) attributes {dimension_semantics = [#tpu.dimension_semantics<core_parallel>, #tpu.dimension_semantics<subcore_parallel>], iteration_bounds = array<i64: 2, 16>, scalar_prefetch = 0 : i64, scratch_operands = 20 : i64, tpu.core_type = #tpu.core_type<sc_vector_subcore>, window_params = [{transform_indices = #map}, {transform_indices = #map}, {transform_indices = #map}, {transform_indices = #map1}, {transform_indices = #map1}, {transform_indices = #map1}, {transform_indices = #map1}, {transform_indices = #map}]} {
    %mul3A = arith.constant 16 : i32
    %mul3A_0 = arith.muli %arg0, %mul3A : i32
    %add3A = arith.addi %mul3A_0, %arg1 : i32
    "tpu.region"() ({
      %run_scoped3A = tpu.sem_alloc : memref<!tpu.dma_semaphore, #tpu.memory_space<semaphore_mem>>
      tpu.enqueue_dma source(%arg6 : memref<512xi32, #tpu.memory_space<hbm>>) target(%arg14 : memref<512xi32, #tpu.memory_space<vmem>>) target_semaphore(%run_scoped3A : memref<!tpu.dma_semaphore, #tpu.memory_space<semaphore_mem>>)
      tpu.wait_dma2 semaphore(%run_scoped3A : memref<!tpu.dma_semaphore, #tpu.memory_space<semaphore_mem>>) src(%arg6 : memref<512xi32, #tpu.memory_space<hbm>>) dst(%arg14 : memref<512xi32, #tpu.memory_space<vmem>>)
      tpu.yield
    }) : () -> ()
    "tpu.region"() ({
      %run_scoped3A = tpu.sem_alloc : memref<!tpu.dma_semaphore, #tpu.memory_space<semaphore_mem>>
      tpu.enqueue_dma source(%arg7 : memref<512xi32, #tpu.memory_space<hbm>>) target(%arg15 : memref<512xi32, #tpu.memory_space<vmem>>) target_semaphore(%run_scoped3A : memref<!tpu.dma_semaphore, #tpu.memory_space<semaphore_mem>>)
      tpu.wait_dma2 semaphore(%run_scoped3A : memref<!tpu.dma_semaphore, #tpu.memory_space<semaphore_mem>>) src(%arg7 : memref<512xi32, #tpu.memory_space<hbm>>) dst(%arg15 : memref<512xi32, #tpu.memory_space<vmem>>)
      tpu.yield
    }) : () -> ()
    "tpu.region"() ({
      %run_scoped3A = tpu.sem_alloc : memref<!tpu.dma_semaphore, #tpu.memory_space<semaphore_mem>>
      tpu.enqueue_dma source(%arg5 : memref<512xf32, #tpu.memory_space<hbm>>) target(%arg16 : memref<512xf32, #tpu.memory_space<vmem>>) target_semaphore(%run_scoped3A : memref<!tpu.dma_semaphore, #tpu.memory_space<semaphore_mem>>)
      tpu.wait_dma2 semaphore(%run_scoped3A : memref<!tpu.dma_semaphore, #tpu.memory_space<semaphore_mem>>) src(%arg5 : memref<512xf32, #tpu.memory_space<hbm>>) dst(%arg16 : memref<512xf32, #tpu.memory_space<vmem>>)
      tpu.yield
    }) : () -> ()
    "tpu.region"() ({
      %run_scoped3A = tpu.sem_alloc : memref<!tpu.dma_semaphore, #tpu.memory_space<semaphore_mem>>
      tpu.enqueue_dma source(%arg8 : memref<32xi32, #tpu.memory_space<hbm>>) target(%arg17 : memref<32xi32, #tpu.memory_space<vmem>>) target_semaphore(%run_scoped3A : memref<!tpu.dma_semaphore, #tpu.memory_space<semaphore_mem>>)
      tpu.wait_dma2 semaphore(%run_scoped3A : memref<!tpu.dma_semaphore, #tpu.memory_space<semaphore_mem>>) src(%arg8 : memref<32xi32, #tpu.memory_space<hbm>>) dst(%arg17 : memref<32xi32, #tpu.memory_space<vmem>>)
      tpu.yield
    }) : () -> ()
    %parallel_loop3A = arith.constant 0 : i32
    %parallel_loop3A_1 = arith.constant 512 : i32
    %parallel_loop3A_2 = arith.constant 16 : i32
    scf.for %parallel_loop3A_75 = %parallel_loop3A to %parallel_loop3A_1 step %parallel_loop3A_2  : i32 {
      %parallel_loop3A_76 = arith.index_cast %parallel_loop3A_75 : i32 to index
      %parallel_loop3A_77 = tpu.vector_load %arg14[%parallel_loop3A_76] {strides = array<i32>} : memref<512xi32, #tpu.memory_space<vmem>>, vector<16xi32>,
      %parallel_loop3A_78 = arith.index_cast %parallel_loop3A_75 : i32 to index
      %parallel_loop3A_79 = tpu.vector_load %arg15[%parallel_loop3A_78] {strides = array<i32>} : memref<512xi32, #tpu.memory_space<vmem>>, vector<16xi32>,
      %parallel_loop3A_80 = arith.index_cast %parallel_loop3A_75 : i32 to index
      %parallel_loop3A_81 = tpu.vector_load %arg16[%parallel_loop3A_80] {strides = array<i32>} : memref<512xf32, #tpu.memory_space<vmem>>, vector<16xf32>,
      %parallel_loop3A_82 = vector.extract_strided_slice %parallel_loop3A_77 {offsets = [0], sizes = [1], strides = [1]} : vector<16xi32> to vector<1xi32>
      %parallel_loop3A_83 = vector.extract %parallel_loop3A_82[0] : i32 from vector<1xi32>
      %parallel_loop3A_84 = arith.constant 0 : i32
      %parallel_loop3A_85 = arith.addi %parallel_loop3A_75, %parallel_loop3A_84 : i32
      %parallel_loop3A_86 = arith.index_cast %parallel_loop3A_85 : i32 to index
      %parallel_loop3A_87 = memref.load %arg10[%parallel_loop3A_86] : memref<512xi32, #tpu.memory_space<smem>>
      memref.store %parallel_loop3A_83, %arg10[%parallel_loop3A_86] : memref<512xi32, #tpu.memory_space<smem>>
      %parallel_loop3A_88 = vector.extract_strided_slice %parallel_loop3A_79 {offsets = [0], sizes = [1], strides = [1]} : vector<16xi32> to vector<1xi32>
      %parallel_loop3A_89 = vector.extract %parallel_loop3A_88[0] : i32 from vector<1xi32>
      %parallel_loop3A_90 = arith.constant 0 : i32
      %parallel_loop3A_91 = arith.addi %parallel_loop3A_75, %parallel_loop3A_90 : i32
      %parallel_loop3A_92 = arith.index_cast %parallel_loop3A_91 : i32 to index
      %parallel_loop3A_93 = memref.load %arg11[%parallel_loop3A_92] : memref<512xi32, #tpu.memory_space<smem>>
      memref.store %parallel_loop3A_89, %arg11[%parallel_loop3A_92] : memref<512xi32, #tpu.memory_space<smem>>
      %parallel_loop3A_94 = vector.extract_strided_slice %parallel_loop3A_81 {offsets = [0], sizes = [1], strides = [1]} : vector<16xf32> to vector<1xf32>
      %parallel_loop3A_95 = vector.extract %parallel_loop3A_94[0] : f32 from vector<1xf32>
      %parallel_loop3A_96 = arith.constant 0 : i32
      %parallel_loop3A_97 = arith.addi %parallel_loop3A_75, %parallel_loop3A_96 : i32
      %parallel_loop3A_98 = arith.index_cast %parallel_loop3A_97 : i32 to index
      %parallel_loop3A_99 = memref.load %arg12[%parallel_loop3A_98] : memref<512xf32, #tpu.memory_space<smem>>
      memref.store %parallel_loop3A_95, %arg12[%parallel_loop3A_98] : memref<512xf32, #tpu.memory_space<smem>>
      %parallel_loop3A_100 = vector.extract_strided_slice %parallel_loop3A_77 {offsets = [1], sizes = [1], strides = [1]} : vector<16xi32> to vector<1xi32>
      %parallel_loop3A_101 = vector.extract %parallel_loop3A_100[0] : i32 from vector<1xi32>
      %parallel_loop3A_102 = arith.constant 1 : i32
      %parallel_loop3A_103 = arith.addi %parallel_loop3A_75, %parallel_loop3A_102 : i32
      %parallel_loop3A_104 = arith.index_cast %parallel_loop3A_103 : i32 to index
      %parallel_loop3A_105 = memref.load %arg10[%parallel_loop3A_104] : memref<512xi32, #tpu.memory_space<smem>>
      memref.store %parallel_loop3A_101, %arg10[%parallel_loop3A_104] : memref<512xi32, #tpu.memory_space<smem>>
      %parallel_loop3A_106 = vector.extract_strided_slice %parallel_loop3A_79 {offsets = [1], sizes = [1], strides = [1]} : vector<16xi32> to vector<1xi32>
      %parallel_loop3A_107 = vector.extract %parallel_loop3A_106[0] : i32 from vector<1xi32>
      %parallel_loop3A_108 = arith.constant 1 : i32
      %parallel_loop3A_109 = arith.addi %parallel_loop3A_75, %parallel_loop3A_108 : i32
      %parallel_loop3A_110 = arith.index_cast %parallel_loop3A_109 : i32 to index
      %parallel_loop3A_111 = memref.load %arg11[%parallel_loop3A_110] : memref<512xi32, #tpu.memory_space<smem>>
      memref.store %parallel_loop3A_107, %arg11[%parallel_loop3A_110] : memref<512xi32, #tpu.memory_space<smem>>
      %parallel_loop3A_112 = vector.extract_strided_slice %parallel_loop3A_81 {offsets = [1], sizes = [1], strides = [1]} : vector<16xf32> to vector<1xf32>
      %parallel_loop3A_113 = vector.extract %parallel_loop3A_112[0] : f32 from vector<1xf32>
      %parallel_loop3A_114 = arith.constant 1 : i32
      %parallel_loop3A_115 = arith.addi %parallel_loop3A_75, %parallel_loop3A_114 : i32
      %parallel_loop3A_116 = arith.index_cast %parallel_loop3A_115 : i32 to index
      %parallel_loop3A_117 = memref.load %arg12[%parallel_loop3A_116] : memref<512xf32, #tpu.memory_space<smem>>
      memref.store %parallel_loop3A_113, %arg12[%parallel_loop3A_116] : memref<512xf32, #tpu.memory_space<smem>>
      %parallel_loop3A_118 = vector.extract_strided_slice %parallel_loop3A_77 {offsets = [2], sizes = [1], strides = [1]} : vector<16xi32> to vector<1xi32>
      %parallel_loop3A_119 = vector.extract %parallel_loop3A_118[0] : i32 from vector<1xi32>
      %parallel_loop3A_120 = arith.constant 2 : i32
      %parallel_loop3A_121 = arith.addi %parallel_loop3A_75, %parallel_loop3A_120 : i32
      %parallel_loop3A_122 = arith.index_cast %parallel_loop3A_121 : i32 to index
      %parallel_loop3A_123 = memref.load %arg10[%parallel_loop3A_122] : memref<512xi32, #tpu.memory_space<smem>>
      memref.store %parallel_loop3A_119, %arg10[%parallel_loop3A_122] : memref<512xi32, #tpu.memory_space<smem>>
      %parallel_loop3A_124 = vector.extract_strided_slice %parallel_loop3A_79 {offsets = [2], sizes = [1], strides = [1]} : vector<16xi32> to vector<1xi32>
      %parallel_loop3A_125 = vector.extract %parallel_loop3A_124[0] : i32 from vector<1xi32>
      %parallel_loop3A_126 = arith.constant 2 : i32
      %parallel_loop3A_127 = arith.addi %parallel_loop3A_75, %parallel_loop3A_126 : i32
      %parallel_loop3A_128 = arith.index_cast %parallel_loop3A_127 : i32 to index
      %parallel_loop3A_129 = memref.load %arg11[%parallel_loop3A_128] : memref<512xi32, #tpu.memory_space<smem>>
      memref.store %parallel_loop3A_125, %arg11[%parallel_loop3A_128] : memref<512xi32, #tpu.memory_space<smem>>
      %parallel_loop3A_130 = vector.extract_strided_slice %parallel_loop3A_81 {offsets = [2], sizes = [1], strides = [1]} : vector<16xf32> to vector<1xf32>
      %parallel_loop3A_131 = vector.extract %parallel_loop3A_130[0] : f32 from vector<1xf32>
      %parallel_loop3A_132 = arith.constant 2 : i32
      %parallel_loop3A_133 = arith.addi %parallel_loop3A_75, %parallel_loop3A_132 : i32
      %parallel_loop3A_134 = arith.index_cast %parallel_loop3A_133 : i32 to index
      %parallel_loop3A_135 = memref.load %arg12[%parallel_loop3A_134] : memref<512xf32, #tpu.memory_space<smem>>
      memref.store %parallel_loop3A_131, %arg12[%parallel_loop3A_134] : memref<512xf32, #tpu.memory_space<smem>>
      %parallel_loop3A_136 = vector.extract_strided_slice %parallel_loop3A_77 {offsets = [3], sizes = [1], strides = [1]} : vector<16xi32> to vector<1xi32>
      %parallel_loop3A_137 = vector.extract %parallel_loop3A_136[0] : i32 from vector<1xi32>
      %parallel_loop3A_138 = arith.constant 3 : i32
      %parallel_loop3A_139 = arith.addi %parallel_loop3A_75, %parallel_loop3A_138 : i32
      %parallel_loop3A_140 = arith.index_cast %parallel_loop3A_139 : i32 to index
      %parallel_loop3A_141 = memref.load %arg10[%parallel_loop3A_140] : memref<512xi32, #tpu.memory_space<smem>>
      memref.store %parallel_loop3A_137, %arg10[%parallel_loop3A_140] : memref<512xi32, #tpu.memory_space<smem>>
      %parallel_loop3A_142 = vector.extract_strided_slice %parallel_loop3A_79 {offsets = [3], sizes = [1], strides = [1]} : vector<16xi32> to vector<1xi32>
      %parallel_loop3A_143 = vector.extract %parallel_loop3A_142[0] : i32 from vector<1xi32>
      %parallel_loop3A_144 = arith.constant 3 : i32
      %parallel_loop3A_145 = arith.addi %parallel_loop3A_75, %parallel_loop3A_144 : i32
      %parallel_loop3A_146 = arith.index_cast %parallel_loop3A_145 : i32 to index
      %parallel_loop3A_147 = memref.load %arg11[%parallel_loop3A_146] : memref<512xi32, #tpu.memory_space<smem>>
      memref.store %parallel_loop3A_143, %arg11[%parallel_loop3A_146] : memref<512xi32, #tpu.memory_space<smem>>
      %parallel_loop3A_148 = vector.extract_strided_slice %parallel_loop3A_81 {offsets = [3], sizes = [1], strides = [1]} : vector<16xf32> to vector<1xf32>
      %parallel_loop3A_149 = vector.extract %parallel_loop3A_148[0] : f32 from vector<1xf32>
      %parallel_loop3A_150 = arith.constant 3 : i32
      %parallel_loop3A_151 = arith.addi %parallel_loop3A_75, %parallel_loop3A_150 : i32
      %parallel_loop3A_152 = arith.index_cast %parallel_loop3A_151 : i32 to index
      %parallel_loop3A_153 = memref.load %arg12[%parallel_loop3A_152] : memref<512xf32, #tpu.memory_space<smem>>
      memref.store %parallel_loop3A_149, %arg12[%parallel_loop3A_152] : memref<512xf32, #tpu.memory_space<smem>>
      %parallel_loop3A_154 = vector.extract_strided_slice %parallel_loop3A_77 {offsets = [4], sizes = [1], strides = [1]} : vector<16xi32> to vector<1xi32>
      %parallel_loop3A_155 = vector.extract %parallel_loop3A_154[0] : i32 from vector<1xi32>
      %parallel_loop3A_156 = arith.constant 4 : i32
      %parallel_loop3A_157 = arith.addi %parallel_loop3A_75, %parallel_loop3A_156 : i32
      %parallel_loop3A_158 = arith.index_cast %parallel_loop3A_157 : i32 to index
      %parallel_loop3A_159 = memref.load %arg10[%parallel_loop3A_158] : memref<512xi32, #tpu.memory_space<smem>>
      memref.store %parallel_loop3A_155, %arg10[%parallel_loop3A_158] : memref<512xi32, #tpu.memory_space<smem>>
      %parallel_loop3A_160 = vector.extract_strided_slice %parallel_loop3A_79 {offsets = [4], sizes = [1], strides = [1]} : vector<16xi32> to vector<1xi32>
      %parallel_loop3A_161 = vector.extract %parallel_loop3A_160[0] : i32 from vector<1xi32>
      %parallel_loop3A_162 = arith.constant 4 : i32
      %parallel_loop3A_163 = arith.addi %parallel_loop3A_75, %parallel_loop3A_162 : i32
      %parallel_loop3A_164 = arith.index_cast %parallel_loop3A_163 : i32 to index
      %parallel_loop3A_165 = memref.load %arg11[%parallel_loop3A_164] : memref<512xi32, #tpu.memory_space<smem>>
      memref.store %parallel_loop3A_161, %arg11[%parallel_loop3A_164] : memref<512xi32, #tpu.memory_space<smem>>
      %parallel_loop3A_166 = vector.extract_strided_slice %parallel_loop3A_81 {offsets = [4], sizes = [1], strides = [1]} : vector<16xf32> to vector<1xf32>
      %parallel_loop3A_167 = vector.extract %parallel_loop3A_166[0] : f32 from vector<1xf32>
      %parallel_loop3A_168 = arith.constant 4 : i32
      %parallel_loop3A_169 = arith.addi %parallel_loop3A_75, %parallel_loop3A_168 : i32
      %parallel_loop3A_170 = arith.index_cast %parallel_loop3A_169 : i32 to index
      %parallel_loop3A_171 = memref.load %arg12[%parallel_loop3A_170] : memref<512xf32, #tpu.memory_space<smem>>
      memref.store %parallel_loop3A_167, %arg12[%parallel_loop3A_170] : memref<512xf32, #tpu.memory_space<smem>>
      %parallel_loop3A_172 = vector.extract_strided_slice %parallel_loop3A_77 {offsets = [5], sizes = [1], strides = [1]} : vector<16xi32> to vector<1xi32>
      %parallel_loop3A_173 = vector.extract %parallel_loop3A_172[0] : i32 from vector<1xi32>
      %parallel_loop3A_174 = arith.constant 5 : i32
      %parallel_loop3A_175 = arith.addi %parallel_loop3A_75, %parallel_loop3A_174 : i32
      %parallel_loop3A_176 = arith.index_cast %parallel_loop3A_175 : i32 to index
      %parallel_loop3A_177 = memref.load %arg10[%parallel_loop3A_176] : memref<512xi32, #tpu.memory_space<smem>>
      memref.store %parallel_loop3A_173, %arg10[%parallel_loop3A_176] : memref<512xi32, #tpu.memory_space<smem>>
      %parallel_loop3A_178 = vector.extract_strided_slice %parallel_loop3A_79 {offsets = [5], sizes = [1], strides = [1]} : vector<16xi32> to vector<1xi32>
      %parallel_loop3A_179 = vector.extract %parallel_loop3A_178[0] : i32 from vector<1xi32>
      %parallel_loop3A_180 = arith.constant 5 : i32
      %parallel_loop3A_181 = arith.addi %parallel_loop3A_75, %parallel_loop3A_180 : i32
      %parallel_loop3A_182 = arith.index_cast %parallel_loop3A_181 : i32 to index
      %parallel_loop3A_183 = memref.load %arg11[%parallel_loop3A_182] : memref<512xi32, #tpu.memory_space<smem>>
      memref.store %parallel_loop3A_179, %arg11[%parallel_loop3A_182] : memref<512xi32, #tpu.memory_space<smem>>
      %parallel_loop3A_184 = vector.extract_strided_slice %parallel_loop3A_81 {offsets = [5], sizes = [1], strides = [1]} : vector<16xf32> to vector<1xf32>
      %parallel_loop3A_185 = vector.extract %parallel_loop3A_184[0] : f32 from vector<1xf32>
      %parallel_loop3A_186 = arith.constant 5 : i32
      %parallel_loop3A_187 = arith.addi %parallel_loop3A_75, %parallel_loop3A_186 : i32
      %parallel_loop3A_188 = arith.index_cast %parallel_loop3A_187 : i32 to index
      %parallel_loop3A_189 = memref.load %arg12[%parallel_loop3A_188] : memref<512xf32, #tpu.memory_space<smem>>
      memref.store %parallel_loop3A_185, %arg12[%parallel_loop3A_188] : memref<512xf32, #tpu.memory_space<smem>>
      %parallel_loop3A_190 = vector.extract_strided_slice %parallel_loop3A_77 {offsets = [6], sizes = [1], strides = [1]} : vector<16xi32> to vector<1xi32>
      %parallel_loop3A_191 = vector.extract %parallel_loop3A_190[0] : i32 from vector<1xi32>
      %parallel_loop3A_192 = arith.constant 6 : i32
      %parallel_loop3A_193 = arith.addi %parallel_loop3A_75, %parallel_loop3A_192 : i32
      %parallel_loop3A_194 = arith.index_cast %parallel_loop3A_193 : i32 to index
      %parallel_loop3A_195 = memref.load %arg10[%parallel_loop3A_194] : memref<512xi32, #tpu.memory_space<smem>>
      memref.store %parallel_loop3A_191, %arg10[%parallel_loop3A_194] : memref<512xi32, #tpu.memory_space<smem>>
      %parallel_loop3A_196 = vector.extract_strided_slice %parallel_loop3A_79 {offsets = [6], sizes = [1], strides = [1]} : vector<16xi32> to vector<1xi32>
      %parallel_loop3A_197 = vector.extract %parallel_loop3A_196[0] : i32 from vector<1xi32>
      %parallel_loop3A_198 = arith.constant 6 : i32
      %parallel_loop3A_199 = arith.addi %parallel_loop3A_75, %parallel_loop3A_198 : i32
      %parallel_loop3A_200 = arith.index_cast %parallel_loop3A_199 : i32 to index
      %parallel_loop3A_201 = memref.load %arg11[%parallel_loop3A_200] : memref<512xi32, #tpu.memory_space<smem>>
      memref.store %parallel_loop3A_197, %arg11[%parallel_loop3A_200] : memref<512xi32, #tpu.memory_space<smem>>
      %parallel_loop3A_202 = vector.extract_strided_slice %parallel_loop3A_81 {offsets = [6], sizes = [1], strides = [1]} : vector<16xf32> to vector<1xf32>
      %parallel_loop3A_203 = vector.extract %parallel_loop3A_202[0] : f32 from vector<1xf32>
      %parallel_loop3A_204 = arith.constant 6 : i32
      %parallel_loop3A_205 = arith.addi %parallel_loop3A_75, %parallel_loop3A_204 : i32
      %parallel_loop3A_206 = arith.index_cast %parallel_loop3A_205 : i32 to index
      %parallel_loop3A_207 = memref.load %arg12[%parallel_loop3A_206] : memref<512xf32, #tpu.memory_space<smem>>
      memref.store %parallel_loop3A_203, %arg12[%parallel_loop3A_206] : memref<512xf32, #tpu.memory_space<smem>>
      %parallel_loop3A_208 = vector.extract_strided_slice %parallel_loop3A_77 {offsets = [7], sizes = [1], strides = [1]} : vector<16xi32> to vector<1xi32>
      %parallel_loop3A_209 = vector.extract %parallel_loop3A_208[0] : i32 from vector<1xi32>
      %parallel_loop3A_210 = arith.constant 7 : i32
      %parallel_loop3A_211 = arith.addi %parallel_loop3A_75, %parallel_loop3A_210 : i32
      %parallel_loop3A_212 = arith.index_cast %parallel_loop3A_211 : i32 to index
      %parallel_loop3A_213 = memref.load %arg10[%parallel_loop3A_212] : memref<512xi32, #tpu.memory_space<smem>>
      memref.store %parallel_loop3A_209, %arg10[%parallel_loop3A_212] : memref<512xi32, #tpu.memory_space<smem>>
      %parallel_loop3A_214 = vector.extract_strided_slice %parallel_loop3A_79 {offsets = [7], sizes = [1], strides = [1]} : vector<16xi32> to vector<1xi32>
      %parallel_loop3A_215 = vector.extract %parallel_loop3A_214[0] : i32 from vector<1xi32>
      %parallel_loop3A_216 = arith.constant 7 : i32
      %parallel_loop3A_217 = arith.addi %parallel_loop3A_75, %parallel_loop3A_216 : i32
      %parallel_loop3A_218 = arith.index_cast %parallel_loop3A_217 : i32 to index
      %parallel_loop3A_219 = memref.load %arg11[%parallel_loop3A_218] : memref<512xi32, #tpu.memory_space<smem>>
      memref.store %parallel_loop3A_215, %arg11[%parallel_loop3A_218] : memref<512xi32, #tpu.memory_space<smem>>
      %parallel_loop3A_220 = vector.extract_strided_slice %parallel_loop3A_81 {offsets = [7], sizes = [1], strides = [1]} : vector<16xf32> to vector<1xf32>
      %parallel_loop3A_221 = vector.extract %parallel_loop3A_220[0] : f32 from vector<1xf32>
      %parallel_loop3A_222 = arith.constant 7 : i32
      %parallel_loop3A_223 = arith.addi %parallel_loop3A_75, %parallel_loop3A_222 : i32
      %parallel_loop3A_224 = arith.index_cast %parallel_loop3A_223 : i32 to index
      %parallel_loop3A_225 = memref.load %arg12[%parallel_loop3A_224] : memref<512xf32, #tpu.memory_space<smem>>
      memref.store %parallel_loop3A_221, %arg12[%parallel_loop3A_224] : memref<512xf32, #tpu.memory_space<smem>>
      %parallel_loop3A_226 = vector.extract_strided_slice %parallel_loop3A_77 {offsets = [8], sizes = [1], strides = [1]} : vector<16xi32> to vector<1xi32>
      %parallel_loop3A_227 = vector.extract %parallel_loop3A_226[0] : i32 from vector<1xi32>
      %parallel_loop3A_228 = arith.constant 8 : i32
      %parallel_loop3A_229 = arith.addi %parallel_loop3A_75, %parallel_loop3A_228 : i32
      %parallel_loop3A_230 = arith.index_cast %parallel_loop3A_229 : i32 to index
      %parallel_loop3A_231 = memref.load %arg10[%parallel_loop3A_230] : memref<512xi32, #tpu.memory_space<smem>>
      memref.store %parallel_loop3A_227, %arg10[%parallel_loop3A_230] : memref<512xi32, #tpu.memory_space<smem>>
      %parallel_loop3A_232 = vector.extract_strided_slice %parallel_loop3A_79 {offsets = [8], sizes = [1], strides = [1]} : vector<16xi32> to vector<1xi32>
      %parallel_loop3A_233 = vector.extract %parallel_loop3A_232[0] : i32 from vector<1xi32>
      %parallel_loop3A_234 = arith.constant 8 : i32
      %parallel_loop3A_235 = arith.addi %parallel_loop3A_75, %parallel_loop3A_234 : i32
      %parallel_loop3A_236 = arith.index_cast %parallel_loop3A_235 : i32 to index
      %parallel_loop3A_237 = memref.load %arg11[%parallel_loop3A_236] : memref<512xi32, #tpu.memory_space<smem>>
      memref.store %parallel_loop3A_233, %arg11[%parallel_loop3A_236] : memref<512xi32, #tpu.memory_space<smem>>
      %parallel_loop3A_238 = vector.extract_strided_slice %parallel_loop3A_81 {offsets = [8], sizes = [1], strides = [1]} : vector<16xf32> to vector<1xf32>
      %parallel_loop3A_239 = vector.extract %parallel_loop3A_238[0] : f32 from vector<1xf32>
      %parallel_loop3A_240 = arith.constant 8 : i32
      %parallel_loop3A_241 = arith.addi %parallel_loop3A_75, %parallel_loop3A_240 : i32
      %parallel_loop3A_242 = arith.index_cast %parallel_loop3A_241 : i32 to index
      %parallel_loop3A_243 = memref.load %arg12[%parallel_loop3A_242] : memref<512xf32, #tpu.memory_space<smem>>
      memref.store %parallel_loop3A_239, %arg12[%parallel_loop3A_242] : memref<512xf32, #tpu.memory_space<smem>>
      %parallel_loop3A_244 = vector.extract_strided_slice %parallel_loop3A_77 {offsets = [9], sizes = [1], strides = [1]} : vector<16xi32> to vector<1xi32>
      %parallel_loop3A_245 = vector.extract %parallel_loop3A_244[0] : i32 from vector<1xi32>
      %parallel_loop3A_246 = arith.constant 9 : i32
      %parallel_loop3A_247 = arith.addi %parallel_loop3A_75, %parallel_loop3A_246 : i32
      %parallel_loop3A_248 = arith.index_cast %parallel_loop3A_247 : i32 to index
      %parallel_loop3A_249 = memref.load %arg10[%parallel_loop3A_248] : memref<512xi32, #tpu.memory_space<smem>>
      memref.store %parallel_loop3A_245, %arg10[%parallel_loop3A_248] : memref<512xi32, #tpu.memory_space<smem>>
      %parallel_loop3A_250 = vector.extract_strided_slice %parallel_loop3A_79 {offsets = [9], sizes = [1], strides = [1]} : vector<16xi32> to vector<1xi32>
      %parallel_loop3A_251 = vector.extract %parallel_loop3A_250[0] : i32 from vector<1xi32>
      %parallel_loop3A_252 = arith.constant 9 : i32
      %parallel_loop3A_253 = arith.addi %parallel_loop3A_75, %parallel_loop3A_252 : i32
      %parallel_loop3A_254 = arith.index_cast %parallel_loop3A_253 : i32 to index
      %parallel_loop3A_255 = memref.load %arg11[%parallel_loop3A_254] : memref<512xi32, #tpu.memory_space<smem>>
      memref.store %parallel_loop3A_251, %arg11[%parallel_loop3A_254] : memref<512xi32, #tpu.memory_space<smem>>
      %parallel_loop3A_256 = vector.extract_strided_slice %parallel_loop3A_81 {offsets = [9], sizes = [1], strides = [1]} : vector<16xf32> to vector<1xf32>
      %parallel_loop3A_257 = vector.extract %parallel_loop3A_256[0] : f32 from vector<1xf32>
      %parallel_loop3A_258 = arith.constant 9 : i32
      %parallel_loop3A_259 = arith.addi %parallel_loop3A_75, %parallel_loop3A_258 : i32
      %parallel_loop3A_260 = arith.index_cast %parallel_loop3A_259 : i32 to index
      %parallel_loop3A_261 = memref.load %arg12[%parallel_loop3A_260] : memref<512xf32, #tpu.memory_space<smem>>
      memref.store %parallel_loop3A_257, %arg12[%parallel_loop3A_260] : memref<512xf32, #tpu.memory_space<smem>>
      %parallel_loop3A_262 = vector.extract_strided_slice %parallel_loop3A_77 {offsets = [10], sizes = [1], strides = [1]} : vector<16xi32> to vector<1xi32>
      %parallel_loop3A_263 = vector.extract %parallel_loop3A_262[0] : i32 from vector<1xi32>
      %parallel_loop3A_264 = arith.constant 10 : i32
      %parallel_loop3A_265 = arith.addi %parallel_loop3A_75, %parallel_loop3A_264 : i32
      %parallel_loop3A_266 = arith.index_cast %parallel_loop3A_265 : i32 to index
      %parallel_loop3A_267 = memref.load %arg10[%parallel_loop3A_266] : memref<512xi32, #tpu.memory_space<smem>>
      memref.store %parallel_loop3A_263, %arg10[%parallel_loop3A_266] : memref<512xi32, #tpu.memory_space<smem>>
      %parallel_loop3A_268 = vector.extract_strided_slice %parallel_loop3A_79 {offsets = [10], sizes = [1], strides = [1]} : vector<16xi32> to vector<1xi32>
      %parallel_loop3A_269 = vector.extract %parallel_loop3A_268[0] : i32 from vector<1xi32>
      %parallel_loop3A_270 = arith.constant 10 : i32
      %parallel_loop3A_271 = arith.addi %parallel_loop3A_75, %parallel_loop3A_270 : i32
      %parallel_loop3A_272 = arith.index_cast %parallel_loop3A_271 : i32 to index
      %parallel_loop3A_273 = memref.load %arg11[%parallel_loop3A_272] : memref<512xi32, #tpu.memory_space<smem>>
      memref.store %parallel_loop3A_269, %arg11[%parallel_loop3A_272] : memref<512xi32, #tpu.memory_space<smem>>
      %parallel_loop3A_274 = vector.extract_strided_slice %parallel_loop3A_81 {offsets = [10], sizes = [1], strides = [1]} : vector<16xf32> to vector<1xf32>
      %parallel_loop3A_275 = vector.extract %parallel_loop3A_274[0] : f32 from vector<1xf32>
      %parallel_loop3A_276 = arith.constant 10 : i32
      %parallel_loop3A_277 = arith.addi %parallel_loop3A_75, %parallel_loop3A_276 : i32
      %parallel_loop3A_278 = arith.index_cast %parallel_loop3A_277 : i32 to index
      %parallel_loop3A_279 = memref.load %arg12[%parallel_loop3A_278] : memref<512xf32, #tpu.memory_space<smem>>
      memref.store %parallel_loop3A_275, %arg12[%parallel_loop3A_278] : memref<512xf32, #tpu.memory_space<smem>>
      %parallel_loop3A_280 = vector.extract_strided_slice %parallel_loop3A_77 {offsets = [11], sizes = [1], strides = [1]} : vector<16xi32> to vector<1xi32>
      %parallel_loop3A_281 = vector.extract %parallel_loop3A_280[0] : i32 from vector<1xi32>
      %parallel_loop3A_282 = arith.constant 11 : i32
      %parallel_loop3A_283 = arith.addi %parallel_loop3A_75, %parallel_loop3A_282 : i32
      %parallel_loop3A_284 = arith.index_cast %parallel_loop3A_283 : i32 to index
      %parallel_loop3A_285 = memref.load %arg10[%parallel_loop3A_284] : memref<512xi32, #tpu.memory_space<smem>>
      memref.store %parallel_loop3A_281, %arg10[%parallel_loop3A_284] : memref<512xi32, #tpu.memory_space<smem>>
      %parallel_loop3A_286 = vector.extract_strided_slice %parallel_loop3A_79 {offsets = [11], sizes = [1], strides = [1]} : vector<16xi32> to vector<1xi32>
      %parallel_loop3A_287 = vector.extract %parallel_loop3A_286[0] : i32 from vector<1xi32>
      %parallel_loop3A_288 = arith.constant 11 : i32
      %parallel_loop3A_289 = arith.addi %parallel_loop3A_75, %parallel_loop3A_288 : i32
      %parallel_loop3A_290 = arith.index_cast %parallel_loop3A_289 : i32 to index
      %parallel_loop3A_291 = memref.load %arg11[%parallel_loop3A_290] : memref<512xi32, #tpu.memory_space<smem>>
      memref.store %parallel_loop3A_287, %arg11[%parallel_loop3A_290] : memref<512xi32, #tpu.memory_space<smem>>
      %parallel_loop3A_292 = vector.extract_strided_slice %parallel_loop3A_81 {offsets = [11], sizes = [1], strides = [1]} : vector<16xf32> to vector<1xf32>
      %parallel_loop3A_293 = vector.extract %parallel_loop3A_292[0] : f32 from vector<1xf32>
      %parallel_loop3A_294 = arith.constant 11 : i32
      %parallel_loop3A_295 = arith.addi %parallel_loop3A_75, %parallel_loop3A_294 : i32
      %parallel_loop3A_296 = arith.index_cast %parallel_loop3A_295 : i32 to index
      %parallel_loop3A_297 = memref.load %arg12[%parallel_loop3A_296] : memref<512xf32, #tpu.memory_space<smem>>
      memref.store %parallel_loop3A_293, %arg12[%parallel_loop3A_296] : memref<512xf32, #tpu.memory_space<smem>>
      %parallel_loop3A_298 = vector.extract_strided_slice %parallel_loop3A_77 {offsets = [12], sizes = [1], strides = [1]} : vector<16xi32> to vector<1xi32>
      %parallel_loop3A_299 = vector.extract %parallel_loop3A_298[0] : i32 from vector<1xi32>
      %parallel_loop3A_300 = arith.constant 12 : i32
      %parallel_loop3A_301 = arith.addi %parallel_loop3A_75, %parallel_loop3A_300 : i32
      %parallel_loop3A_302 = arith.index_cast %parallel_loop3A_301 : i32 to index
      %parallel_loop3A_303 = memref.load %arg10[%parallel_loop3A_302] : memref<512xi32, #tpu.memory_space<smem>>
      memref.store %parallel_loop3A_299, %arg10[%parallel_loop3A_302] : memref<512xi32, #tpu.memory_space<smem>>
      %parallel_loop3A_304 = vector.extract_strided_slice %parallel_loop3A_79 {offsets = [12], sizes = [1], strides = [1]} : vector<16xi32> to vector<1xi32>
      %parallel_loop3A_305 = vector.extract %parallel_loop3A_304[0] : i32 from vector<1xi32>
      %parallel_loop3A_306 = arith.constant 12 : i32
      %parallel_loop3A_307 = arith.addi %parallel_loop3A_75, %parallel_loop3A_306 : i32
      %parallel_loop3A_308 = arith.index_cast %parallel_loop3A_307 : i32 to index
      %parallel_loop3A_309 = memref.load %arg11[%parallel_loop3A_308] : memref<512xi32, #tpu.memory_space<smem>>
      memref.store %parallel_loop3A_305, %arg11[%parallel_loop3A_308] : memref<512xi32, #tpu.memory_space<smem>>
      %parallel_loop3A_310 = vector.extract_strided_slice %parallel_loop3A_81 {offsets = [12], sizes = [1], strides = [1]} : vector<16xf32> to vector<1xf32>
      %parallel_loop3A_311 = vector.extract %parallel_loop3A_310[0] : f32 from vector<1xf32>
      %parallel_loop3A_312 = arith.constant 12 : i32
      %parallel_loop3A_313 = arith.addi %parallel_loop3A_75, %parallel_loop3A_312 : i32
      %parallel_loop3A_314 = arith.index_cast %parallel_loop3A_313 : i32 to index
      %parallel_loop3A_315 = memref.load %arg12[%parallel_loop3A_314] : memref<512xf32, #tpu.memory_space<smem>>
      memref.store %parallel_loop3A_311, %arg12[%parallel_loop3A_314] : memref<512xf32, #tpu.memory_space<smem>>
      %parallel_loop3A_316 = vector.extract_strided_slice %parallel_loop3A_77 {offsets = [13], sizes = [1], strides = [1]} : vector<16xi32> to vector<1xi32>
      %parallel_loop3A_317 = vector.extract %parallel_loop3A_316[0] : i32 from vector<1xi32>
      %parallel_loop3A_318 = arith.constant 13 : i32
      %parallel_loop3A_319 = arith.addi %parallel_loop3A_75, %parallel_loop3A_318 : i32
      %parallel_loop3A_320 = arith.index_cast %parallel_loop3A_319 : i32 to index
      %parallel_loop3A_321 = memref.load %arg10[%parallel_loop3A_320] : memref<512xi32, #tpu.memory_space<smem>>
      memref.store %parallel_loop3A_317, %arg10[%parallel_loop3A_320] : memref<512xi32, #tpu.memory_space<smem>>
      %parallel_loop3A_322 = vector.extract_strided_slice %parallel_loop3A_79 {offsets = [13], sizes = [1], strides = [1]} : vector<16xi32> to vector<1xi32>
      %parallel_loop3A_323 = vector.extract %parallel_loop3A_322[0] : i32 from vector<1xi32>
      %parallel_loop3A_324 = arith.constant 13 : i32
      %parallel_loop3A_325 = arith.addi %parallel_loop3A_75, %parallel_loop3A_324 : i32
      %parallel_loop3A_326 = arith.index_cast %parallel_loop3A_325 : i32 to index
      %parallel_loop3A_327 = memref.load %arg11[%parallel_loop3A_326] : memref<512xi32, #tpu.memory_space<smem>>
      memref.store %parallel_loop3A_323, %arg11[%parallel_loop3A_326] : memref<512xi32, #tpu.memory_space<smem>>
      %parallel_loop3A_328 = vector.extract_strided_slice %parallel_loop3A_81 {offsets = [13], sizes = [1], strides = [1]} : vector<16xf32> to vector<1xf32>
      %parallel_loop3A_329 = vector.extract %parallel_loop3A_328[0] : f32 from vector<1xf32>
      %parallel_loop3A_330 = arith.constant 13 : i32
      %parallel_loop3A_331 = arith.addi %parallel_loop3A_75, %parallel_loop3A_330 : i32
      %parallel_loop3A_332 = arith.index_cast %parallel_loop3A_331 : i32 to index
      %parallel_loop3A_333 = memref.load %arg12[%parallel_loop3A_332] : memref<512xf32, #tpu.memory_space<smem>>
      memref.store %parallel_loop3A_329, %arg12[%parallel_loop3A_332] : memref<512xf32, #tpu.memory_space<smem>>
      %parallel_loop3A_334 = vector.extract_strided_slice %parallel_loop3A_77 {offsets = [14], sizes = [1], strides = [1]} : vector<16xi32> to vector<1xi32>
      %parallel_loop3A_335 = vector.extract %parallel_loop3A_334[0] : i32 from vector<1xi32>
      %parallel_loop3A_336 = arith.constant 14 : i32
      %parallel_loop3A_337 = arith.addi %parallel_loop3A_75, %parallel_loop3A_336 : i32
      %parallel_loop3A_338 = arith.index_cast %parallel_loop3A_337 : i32 to index
      %parallel_loop3A_339 = memref.load %arg10[%parallel_loop3A_338] : memref<512xi32, #tpu.memory_space<smem>>
      memref.store %parallel_loop3A_335, %arg10[%parallel_loop3A_338] : memref<512xi32, #tpu.memory_space<smem>>
      %parallel_loop3A_340 = vector.extract_strided_slice %parallel_loop3A_79 {offsets = [14], sizes = [1], strides = [1]} : vector<16xi32> to vector<1xi32>
      %parallel_loop3A_341 = vector.extract %parallel_loop3A_340[0] : i32 from vector<1xi32>
      %parallel_loop3A_342 = arith.constant 14 : i32
      %parallel_loop3A_343 = arith.addi %parallel_loop3A_75, %parallel_loop3A_342 : i32
      %parallel_loop3A_344 = arith.index_cast %parallel_loop3A_343 : i32 to index
      %parallel_loop3A_345 = memref.load %arg11[%parallel_loop3A_344] : memref<512xi32, #tpu.memory_space<smem>>
      memref.store %parallel_loop3A_341, %arg11[%parallel_loop3A_344] : memref<512xi32, #tpu.memory_space<smem>>
      %parallel_loop3A_346 = vector.extract_strided_slice %parallel_loop3A_81 {offsets = [14], sizes = [1], strides = [1]} : vector<16xf32> to vector<1xf32>
      %parallel_loop3A_347 = vector.extract %parallel_loop3A_346[0] : f32 from vector<1xf32>
      %parallel_loop3A_348 = arith.constant 14 : i32
      %parallel_loop3A_349 = arith.addi %parallel_loop3A_75, %parallel_loop3A_348 : i32
      %parallel_loop3A_350 = arith.index_cast %parallel_loop3A_349 : i32 to index
      %parallel_loop3A_351 = memref.load %arg12[%parallel_loop3A_350] : memref<512xf32, #tpu.memory_space<smem>>
      memref.store %parallel_loop3A_347, %arg12[%parallel_loop3A_350] : memref<512xf32, #tpu.memory_space<smem>>
      %parallel_loop3A_352 = vector.extract_strided_slice %parallel_loop3A_77 {offsets = [15], sizes = [1], strides = [1]} : vector<16xi32> to vector<1xi32>
      %parallel_loop3A_353 = vector.extract %parallel_loop3A_352[0] : i32 from vector<1xi32>
      %parallel_loop3A_354 = arith.constant 15 : i32
      %parallel_loop3A_355 = arith.addi %parallel_loop3A_75, %parallel_loop3A_354 : i32
      %parallel_loop3A_356 = arith.index_cast %parallel_loop3A_355 : i32 to index
      %parallel_loop3A_357 = memref.load %arg10[%parallel_loop3A_356] : memref<512xi32, #tpu.memory_space<smem>>
      memref.store %parallel_loop3A_353, %arg10[%parallel_loop3A_356] : memref<512xi32, #tpu.memory_space<smem>>
      %parallel_loop3A_358 = vector.extract_strided_slice %parallel_loop3A_79 {offsets = [15], sizes = [1], strides = [1]} : vector<16xi32> to vector<1xi32>
      %parallel_loop3A_359 = vector.extract %parallel_loop3A_358[0] : i32 from vector<1xi32>
      %parallel_loop3A_360 = arith.constant 15 : i32
      %parallel_loop3A_361 = arith.addi %parallel_loop3A_75, %parallel_loop3A_360 : i32
      %parallel_loop3A_362 = arith.index_cast %parallel_loop3A_361 : i32 to index
      %parallel_loop3A_363 = memref.load %arg11[%parallel_loop3A_362] : memref<512xi32, #tpu.memory_space<smem>>
      memref.store %parallel_loop3A_359, %arg11[%parallel_loop3A_362] : memref<512xi32, #tpu.memory_space<smem>>
      %parallel_loop3A_364 = vector.extract_strided_slice %parallel_loop3A_81 {offsets = [15], sizes = [1], strides = [1]} : vector<16xf32> to vector<1xf32>
      %parallel_loop3A_365 = vector.extract %parallel_loop3A_364[0] : f32 from vector<1xf32>
      %parallel_loop3A_366 = arith.constant 15 : i32
      %parallel_loop3A_367 = arith.addi %parallel_loop3A_75, %parallel_loop3A_366 : i32
      %parallel_loop3A_368 = arith.index_cast %parallel_loop3A_367 : i32 to index
      %parallel_loop3A_369 = memref.load %arg12[%parallel_loop3A_368] : memref<512xf32, #tpu.memory_space<smem>>
      memref.store %parallel_loop3A_365, %arg12[%parallel_loop3A_368] : memref<512xf32, #tpu.memory_space<smem>>
    } {sc.loop_unroll_factor = 1 : i64, sc.parallel_access}
    %parallel_loop3A_3 = arith.constant 0 : i32
    %parallel_loop3A_4 = arith.constant 32 : i32
    %parallel_loop3A_5 = arith.constant 16 : i32
    scf.for %parallel_loop3A_75 = %parallel_loop3A_3 to %parallel_loop3A_4 step %parallel_loop3A_5  : i32 {
      %parallel_loop3A_76 = arith.index_cast %parallel_loop3A_75 : i32 to index
      %parallel_loop3A_77 = tpu.vector_load %arg17[%parallel_loop3A_76] {strides = array<i32>} : memref<32xi32, #tpu.memory_space<vmem>>, vector<16xi32>,
      %parallel_loop3A_78 = vector.extract_strided_slice %parallel_loop3A_77 {offsets = [0], sizes = [1], strides = [1]} : vector<16xi32> to vector<1xi32>
      %parallel_loop3A_79 = vector.extract %parallel_loop3A_78[0] : i32 from vector<1xi32>
      %parallel_loop3A_80 = arith.constant 0 : i32
      %parallel_loop3A_81 = arith.addi %parallel_loop3A_75, %parallel_loop3A_80 : i32
      %parallel_loop3A_82 = arith.index_cast %parallel_loop3A_81 : i32 to index
      %parallel_loop3A_83 = memref.load %arg13[%parallel_loop3A_82] : memref<32xi32, #tpu.memory_space<smem>>
      memref.store %parallel_loop3A_79, %arg13[%parallel_loop3A_82] : memref<32xi32, #tpu.memory_space<smem>>
      %parallel_loop3A_84 = vector.extract_strided_slice %parallel_loop3A_77 {offsets = [1], sizes = [1], strides = [1]} : vector<16xi32> to vector<1xi32>
      %parallel_loop3A_85 = vector.extract %parallel_loop3A_84[0] : i32 from vector<1xi32>
      %parallel_loop3A_86 = arith.constant 1 : i32
      %parallel_loop3A_87 = arith.addi %parallel_loop3A_75, %parallel_loop3A_86 : i32
      %parallel_loop3A_88 = arith.index_cast %parallel_loop3A_87 : i32 to index
      %parallel_loop3A_89 = memref.load %arg13[%parallel_loop3A_88] : memref<32xi32, #tpu.memory_space<smem>>
      memref.store %parallel_loop3A_85, %arg13[%parallel_loop3A_88] : memref<32xi32, #tpu.memory_space<smem>>
      %parallel_loop3A_90 = vector.extract_strided_slice %parallel_loop3A_77 {offsets = [2], sizes = [1], strides = [1]} : vector<16xi32> to vector<1xi32>
      %parallel_loop3A_91 = vector.extract %parallel_loop3A_90[0] : i32 from vector<1xi32>
      %parallel_loop3A_92 = arith.constant 2 : i32
      %parallel_loop3A_93 = arith.addi %parallel_loop3A_75, %parallel_loop3A_92 : i32
      %parallel_loop3A_94 = arith.index_cast %parallel_loop3A_93 : i32 to index
      %parallel_loop3A_95 = memref.load %arg13[%parallel_loop3A_94] : memref<32xi32, #tpu.memory_space<smem>>
      memref.store %parallel_loop3A_91, %arg13[%parallel_loop3A_94] : memref<32xi32, #tpu.memory_space<smem>>
      %parallel_loop3A_96 = vector.extract_strided_slice %parallel_loop3A_77 {offsets = [3], sizes = [1], strides = [1]} : vector<16xi32> to vector<1xi32>
      %parallel_loop3A_97 = vector.extract %parallel_loop3A_96[0] : i32 from vector<1xi32>
      %parallel_loop3A_98 = arith.constant 3 : i32
      %parallel_loop3A_99 = arith.addi %parallel_loop3A_75, %parallel_loop3A_98 : i32
      %parallel_loop3A_100 = arith.index_cast %parallel_loop3A_99 : i32 to index
      %parallel_loop3A_101 = memref.load %arg13[%parallel_loop3A_100] : memref<32xi32, #tpu.memory_space<smem>>
      memref.store %parallel_loop3A_97, %arg13[%parallel_loop3A_100] : memref<32xi32, #tpu.memory_space<smem>>
      %parallel_loop3A_102 = vector.extract_strided_slice %parallel_loop3A_77 {offsets = [4], sizes = [1], strides = [1]} : vector<16xi32> to vector<1xi32>
      %parallel_loop3A_103 = vector.extract %parallel_loop3A_102[0] : i32 from vector<1xi32>
      %parallel_loop3A_104 = arith.constant 4 : i32
      %parallel_loop3A_105 = arith.addi %parallel_loop3A_75, %parallel_loop3A_104 : i32
      %parallel_loop3A_106 = arith.index_cast %parallel_loop3A_105 : i32 to index
      %parallel_loop3A_107 = memref.load %arg13[%parallel_loop3A_106] : memref<32xi32, #tpu.memory_space<smem>>
      memref.store %parallel_loop3A_103, %arg13[%parallel_loop3A_106] : memref<32xi32, #tpu.memory_space<smem>>
      %parallel_loop3A_108 = vector.extract_strided_slice %parallel_loop3A_77 {offsets = [5], sizes = [1], strides = [1]} : vector<16xi32> to vector<1xi32>
      %parallel_loop3A_109 = vector.extract %parallel_loop3A_108[0] : i32 from vector<1xi32>
      %parallel_loop3A_110 = arith.constant 5 : i32
      %parallel_loop3A_111 = arith.addi %parallel_loop3A_75, %parallel_loop3A_110 : i32
      %parallel_loop3A_112 = arith.index_cast %parallel_loop3A_111 : i32 to index
      %parallel_loop3A_113 = memref.load %arg13[%parallel_loop3A_112] : memref<32xi32, #tpu.memory_space<smem>>
      memref.store %parallel_loop3A_109, %arg13[%parallel_loop3A_112] : memref<32xi32, #tpu.memory_space<smem>>
      %parallel_loop3A_114 = vector.extract_strided_slice %parallel_loop3A_77 {offsets = [6], sizes = [1], strides = [1]} : vector<16xi32> to vector<1xi32>
      %parallel_loop3A_115 = vector.extract %parallel_loop3A_114[0] : i32 from vector<1xi32>
      %parallel_loop3A_116 = arith.constant 6 : i32
      %parallel_loop3A_117 = arith.addi %parallel_loop3A_75, %parallel_loop3A_116 : i32
      %parallel_loop3A_118 = arith.index_cast %parallel_loop3A_117 : i32 to index
      %parallel_loop3A_119 = memref.load %arg13[%parallel_loop3A_118] : memref<32xi32, #tpu.memory_space<smem>>
      memref.store %parallel_loop3A_115, %arg13[%parallel_loop3A_118] : memref<32xi32, #tpu.memory_space<smem>>
      %parallel_loop3A_120 = vector.extract_strided_slice %parallel_loop3A_77 {offsets = [7], sizes = [1], strides = [1]} : vector<16xi32> to vector<1xi32>
      %parallel_loop3A_121 = vector.extract %parallel_loop3A_120[0] : i32 from vector<1xi32>
      %parallel_loop3A_122 = arith.constant 7 : i32
      %parallel_loop3A_123 = arith.addi %parallel_loop3A_75, %parallel_loop3A_122 : i32
      %parallel_loop3A_124 = arith.index_cast %parallel_loop3A_123 : i32 to index
      %parallel_loop3A_125 = memref.load %arg13[%parallel_loop3A_124] : memref<32xi32, #tpu.memory_space<smem>>
      memref.store %parallel_loop3A_121, %arg13[%parallel_loop3A_124] : memref<32xi32, #tpu.memory_space<smem>>
      %parallel_loop3A_126 = vector.extract_strided_slice %parallel_loop3A_77 {offsets = [8], sizes = [1], strides = [1]} : vector<16xi32> to vector<1xi32>
      %parallel_loop3A_127 = vector.extract %parallel_loop3A_126[0] : i32 from vector<1xi32>
      %parallel_loop3A_128 = arith.constant 8 : i32
      %parallel_loop3A_129 = arith.addi %parallel_loop3A_75, %parallel_loop3A_128 : i32
      %parallel_loop3A_130 = arith.index_cast %parallel_loop3A_129 : i32 to index
      %parallel_loop3A_131 = memref.load %arg13[%parallel_loop3A_130] : memref<32xi32, #tpu.memory_space<smem>>
      memref.store %parallel_loop3A_127, %arg13[%parallel_loop3A_130] : memref<32xi32, #tpu.memory_space<smem>>
      %parallel_loop3A_132 = vector.extract_strided_slice %parallel_loop3A_77 {offsets = [9], sizes = [1], strides = [1]} : vector<16xi32> to vector<1xi32>
      %parallel_loop3A_133 = vector.extract %parallel_loop3A_132[0] : i32 from vector<1xi32>
      %parallel_loop3A_134 = arith.constant 9 : i32
      %parallel_loop3A_135 = arith.addi %parallel_loop3A_75, %parallel_loop3A_134 : i32
      %parallel_loop3A_136 = arith.index_cast %parallel_loop3A_135 : i32 to index
      %parallel_loop3A_137 = memref.load %arg13[%parallel_loop3A_136] : memref<32xi32, #tpu.memory_space<smem>>
      memref.store %parallel_loop3A_133, %arg13[%parallel_loop3A_136] : memref<32xi32, #tpu.memory_space<smem>>
      %parallel_loop3A_138 = vector.extract_strided_slice %parallel_loop3A_77 {offsets = [10], sizes = [1], strides = [1]} : vector<16xi32> to vector<1xi32>
      %parallel_loop3A_139 = vector.extract %parallel_loop3A_138[0] : i32 from vector<1xi32>
      %parallel_loop3A_140 = arith.constant 10 : i32
      %parallel_loop3A_141 = arith.addi %parallel_loop3A_75, %parallel_loop3A_140 : i32
      %parallel_loop3A_142 = arith.index_cast %parallel_loop3A_141 : i32 to index
      %parallel_loop3A_143 = memref.load %arg13[%parallel_loop3A_142] : memref<32xi32, #tpu.memory_space<smem>>
      memref.store %parallel_loop3A_139, %arg13[%parallel_loop3A_142] : memref<32xi32, #tpu.memory_space<smem>>
      %parallel_loop3A_144 = vector.extract_strided_slice %parallel_loop3A_77 {offsets = [11], sizes = [1], strides = [1]} : vector<16xi32> to vector<1xi32>
      %parallel_loop3A_145 = vector.extract %parallel_loop3A_144[0] : i32 from vector<1xi32>
      %parallel_loop3A_146 = arith.constant 11 : i32
      %parallel_loop3A_147 = arith.addi %parallel_loop3A_75, %parallel_loop3A_146 : i32
      %parallel_loop3A_148 = arith.index_cast %parallel_loop3A_147 : i32 to index
      %parallel_loop3A_149 = memref.load %arg13[%parallel_loop3A_148] : memref<32xi32, #tpu.memory_space<smem>>
      memref.store %parallel_loop3A_145, %arg13[%parallel_loop3A_148] : memref<32xi32, #tpu.memory_space<smem>>
      %parallel_loop3A_150 = vector.extract_strided_slice %parallel_loop3A_77 {offsets = [12], sizes = [1], strides = [1]} : vector<16xi32> to vector<1xi32>
      %parallel_loop3A_151 = vector.extract %parallel_loop3A_150[0] : i32 from vector<1xi32>
      %parallel_loop3A_152 = arith.constant 12 : i32
      %parallel_loop3A_153 = arith.addi %parallel_loop3A_75, %parallel_loop3A_152 : i32
      %parallel_loop3A_154 = arith.index_cast %parallel_loop3A_153 : i32 to index
      %parallel_loop3A_155 = memref.load %arg13[%parallel_loop3A_154] : memref<32xi32, #tpu.memory_space<smem>>
      memref.store %parallel_loop3A_151, %arg13[%parallel_loop3A_154] : memref<32xi32, #tpu.memory_space<smem>>
      %parallel_loop3A_156 = vector.extract_strided_slice %parallel_loop3A_77 {offsets = [13], sizes = [1], strides = [1]} : vector<16xi32> to vector<1xi32>
      %parallel_loop3A_157 = vector.extract %parallel_loop3A_156[0] : i32 from vector<1xi32>
      %parallel_loop3A_158 = arith.constant 13 : i32
      %parallel_loop3A_159 = arith.addi %parallel_loop3A_75, %parallel_loop3A_158 : i32
      %parallel_loop3A_160 = arith.index_cast %parallel_loop3A_159 : i32 to index
      %parallel_loop3A_161 = memref.load %arg13[%parallel_loop3A_160] : memref<32xi32, #tpu.memory_space<smem>>
      memref.store %parallel_loop3A_157, %arg13[%parallel_loop3A_160] : memref<32xi32, #tpu.memory_space<smem>>
      %parallel_loop3A_162 = vector.extract_strided_slice %parallel_loop3A_77 {offsets = [14], sizes = [1], strides = [1]} : vector<16xi32> to vector<1xi32>
      %parallel_loop3A_163 = vector.extract %parallel_loop3A_162[0] : i32 from vector<1xi32>
      %parallel_loop3A_164 = arith.constant 14 : i32
      %parallel_loop3A_165 = arith.addi %parallel_loop3A_75, %parallel_loop3A_164 : i32
      %parallel_loop3A_166 = arith.index_cast %parallel_loop3A_165 : i32 to index
      %parallel_loop3A_167 = memref.load %arg13[%parallel_loop3A_166] : memref<32xi32, #tpu.memory_space<smem>>
      memref.store %parallel_loop3A_163, %arg13[%parallel_loop3A_166] : memref<32xi32, #tpu.memory_space<smem>>
      %parallel_loop3A_168 = vector.extract_strided_slice %parallel_loop3A_77 {offsets = [15], sizes = [1], strides = [1]} : vector<16xi32> to vector<1xi32>
      %parallel_loop3A_169 = vector.extract %parallel_loop3A_168[0] : i32 from vector<1xi32>
      %parallel_loop3A_170 = arith.constant 15 : i32
      %parallel_loop3A_171 = arith.addi %parallel_loop3A_75, %parallel_loop3A_170 : i32
      %parallel_loop3A_172 = arith.index_cast %parallel_loop3A_171 : i32 to index
      %parallel_loop3A_173 = memref.load %arg13[%parallel_loop3A_172] : memref<32xi32, #tpu.memory_space<smem>>
      memref.store %parallel_loop3A_169, %arg13[%parallel_loop3A_172] : memref<32xi32, #tpu.memory_space<smem>>
    } {sc.loop_unroll_factor = 1 : i64, sc.parallel_access}
    %mul3A_6 = arith.constant 10 : i32
    %mul3A_7 = arith.muli %add3A, %mul3A_6 : i32
    %dma_start3A = arith.constant 0 : i32
    %dma_start3A_8 = arith.constant 0 : i32
    %dma_start3A_9 = tpu.memref_slice %arg2[%mul3A_7, %dma_start3A, %dma_start3A_8] : memref<320x16x128xf32, #tpu.memory_space<hbm>> -> memref<1x16x128xf32, #tpu.memory_space<hbm>>
    %dma_start3A_10 = tpu.memref_squeeze %dma_start3A_9 : memref<1x16x128xf32, #tpu.memory_space<hbm>> -> memref<16x128xf32, #tpu.memory_space<hbm>>
    %dma_start3A_11 = arith.constant 0 : i32
    %dma_start3A_12 = arith.constant 0 : i32
    %dma_start3A_13 = tpu.memref_slice %arg2[%mul3A_7, %dma_start3A_11, %dma_start3A_12] : memref<320x16x128xf32, #tpu.memory_space<hbm>> -> memref<1x16x128xf32, #tpu.memory_space<hbm>>
    %dma_start3A_14 = tpu.memref_squeeze %dma_start3A_13 : memref<1x16x128xf32, #tpu.memory_space<hbm>> -> memref<16x128xf32, #tpu.memory_space<hbm>>
    tpu.enqueue_dma source(%dma_start3A_14 : memref<16x128xf32, #tpu.memory_space<hbm>>) target(%arg18 : memref<16x128xf32, #tpu.memory_space<vmem>>) target_semaphore(%arg26 : memref<!tpu.dma_semaphore, #tpu.memory_space<semaphore_mem>>)
    %dma_start3A_15 = arith.constant 0 : i32
    %dma_start3A_16 = arith.constant 0 : i32
    %dma_start3A_17 = tpu.memref_slice %arg3[%mul3A_7, %dma_start3A_15, %dma_start3A_16] : memref<320x16x128xf32, #tpu.memory_space<hbm>> -> memref<1x16x128xf32, #tpu.memory_space<hbm>>
    %dma_start3A_18 = tpu.memref_squeeze %dma_start3A_17 : memref<1x16x128xf32, #tpu.memory_space<hbm>> -> memref<16x128xf32, #tpu.memory_space<hbm>>
    %dma_start3A_19 = arith.constant 0 : i32
    %dma_start3A_20 = arith.constant 0 : i32
    %dma_start3A_21 = tpu.memref_slice %arg3[%mul3A_7, %dma_start3A_19, %dma_start3A_20] : memref<320x16x128xf32, #tpu.memory_space<hbm>> -> memref<1x16x128xf32, #tpu.memory_space<hbm>>
    %dma_start3A_22 = tpu.memref_squeeze %dma_start3A_21 : memref<1x16x128xf32, #tpu.memory_space<hbm>> -> memref<16x128xf32, #tpu.memory_space<hbm>>
    tpu.enqueue_dma source(%dma_start3A_22 : memref<16x128xf32, #tpu.memory_space<hbm>>) target(%arg19 : memref<16x128xf32, #tpu.memory_space<vmem>>) target_semaphore(%arg26 : memref<!tpu.dma_semaphore, #tpu.memory_space<semaphore_mem>>)
    %dma_start3A_23 = arith.constant 0 : i32
    %dma_start3A_24 = arith.constant 0 : i32
    %dma_start3A_25 = tpu.memref_slice %arg4[%mul3A_7, %dma_start3A_23, %dma_start3A_24] : memref<320x34x128xf32, #tpu.memory_space<hbm>> -> memref<1x34x128xf32, #tpu.memory_space<hbm>>
    %dma_start3A_26 = tpu.memref_squeeze %dma_start3A_25 : memref<1x34x128xf32, #tpu.memory_space<hbm>> -> memref<34x128xf32, #tpu.memory_space<hbm>>
    %dma_start3A_27 = arith.constant 0 : i32
    %dma_start3A_28 = arith.constant 0 : i32
    %dma_start3A_29 = tpu.memref_slice %arg4[%mul3A_7, %dma_start3A_27, %dma_start3A_28] : memref<320x34x128xf32, #tpu.memory_space<hbm>> -> memref<1x34x128xf32, #tpu.memory_space<hbm>>
    %dma_start3A_30 = tpu.memref_squeeze %dma_start3A_29 : memref<1x34x128xf32, #tpu.memory_space<hbm>> -> memref<34x128xf32, #tpu.memory_space<hbm>>
    tpu.enqueue_dma source(%dma_start3A_30 : memref<34x128xf32, #tpu.memory_space<hbm>>) target(%arg20 : memref<34x128xf32, #tpu.memory_space<vmem>>) target_semaphore(%arg26 : memref<!tpu.dma_semaphore, #tpu.memory_space<semaphore_mem>>)
    %scan3A = arith.constant 0 : i32
    %scan3A_31 = arith.constant 0 : i32
    %scan3A_32 = arith.constant 5 : i32
    %scan3A_33 = arith.addi %scan3A_31, %scan3A_32 : i32
    %scan3A_34 = arith.constant 1 : i32
    scf.for %scan3A_75 = %scan3A_31 to %scan3A_33 step %scan3A_34  : i32 {
      %mul3A_76 = arith.constant 2 : i32
      %mul3A_77 = arith.muli %scan3A_75, %mul3A_76 : i32
      %add3A_78 = arith.constant 0 : i32
      %add3A_79 = arith.addi %mul3A_77, %add3A_78 : i32
      %add3A_80 = arith.addi %mul3A_7, %add3A_79 : i32
      %dma_wait3A_81 = arith.constant 0 : i32
      %dma_wait3A_82 = arith.constant 0 : i32
      %dma_wait3A_83 = tpu.memref_slice %arg2[%mul3A_7, %dma_wait3A_81, %dma_wait3A_82] : memref<320x16x128xf32, #tpu.memory_space<hbm>> -> memref<1x16x128xf32, #tpu.memory_space<hbm>>
      %dma_wait3A_84 = tpu.memref_squeeze %dma_wait3A_83 : memref<1x16x128xf32, #tpu.memory_space<hbm>> -> memref<16x128xf32, #tpu.memory_space<hbm>>
      %dma_wait3A_85 = arith.constant 0 : i32
      %dma_wait3A_86 = arith.constant 0 : i32
      %dma_wait3A_87 = tpu.memref_slice %arg2[%mul3A_7, %dma_wait3A_85, %dma_wait3A_86] : memref<320x16x128xf32, #tpu.memory_space<hbm>> -> memref<1x16x128xf32, #tpu.memory_space<hbm>>
      %dma_wait3A_88 = tpu.memref_squeeze %dma_wait3A_87 : memref<1x16x128xf32, #tpu.memory_space<hbm>> -> memref<16x128xf32, #tpu.memory_space<hbm>>
      tpu.wait_dma2 semaphore(%arg26 : memref<!tpu.dma_semaphore, #tpu.memory_space<semaphore_mem>>) src(%dma_wait3A_88 : memref<16x128xf32, #tpu.memory_space<hbm>>) dst(%arg18 : memref<16x128xf32, #tpu.memory_space<vmem>>)
      %dma_wait3A_89 = arith.constant 0 : i32
      %dma_wait3A_90 = arith.constant 0 : i32
      %dma_wait3A_91 = tpu.memref_slice %arg3[%mul3A_7, %dma_wait3A_89, %dma_wait3A_90] : memref<320x16x128xf32, #tpu.memory_space<hbm>> -> memref<1x16x128xf32, #tpu.memory_space<hbm>>
      %dma_wait3A_92 = tpu.memref_squeeze %dma_wait3A_91 : memref<1x16x128xf32, #tpu.memory_space<hbm>> -> memref<16x128xf32, #tpu.memory_space<hbm>>
      %dma_wait3A_93 = arith.constant 0 : i32
      %dma_wait3A_94 = arith.constant 0 : i32
      %dma_wait3A_95 = tpu.memref_slice %arg3[%mul3A_7, %dma_wait3A_93, %dma_wait3A_94] : memref<320x16x128xf32, #tpu.memory_space<hbm>> -> memref<1x16x128xf32, #tpu.memory_space<hbm>>
      %dma_wait3A_96 = tpu.memref_squeeze %dma_wait3A_95 : memref<1x16x128xf32, #tpu.memory_space<hbm>> -> memref<16x128xf32, #tpu.memory_space<hbm>>
      tpu.wait_dma2 semaphore(%arg26 : memref<!tpu.dma_semaphore, #tpu.memory_space<semaphore_mem>>) src(%dma_wait3A_96 : memref<16x128xf32, #tpu.memory_space<hbm>>) dst(%arg19 : memref<16x128xf32, #tpu.memory_space<vmem>>)
      %dma_wait3A_97 = arith.constant 0 : i32
      %dma_wait3A_98 = arith.constant 0 : i32
      %dma_wait3A_99 = tpu.memref_slice %arg4[%mul3A_7, %dma_wait3A_97, %dma_wait3A_98] : memref<320x34x128xf32, #tpu.memory_space<hbm>> -> memref<1x34x128xf32, #tpu.memory_space<hbm>>
      %dma_wait3A_100 = tpu.memref_squeeze %dma_wait3A_99 : memref<1x34x128xf32, #tpu.memory_space<hbm>> -> memref<34x128xf32, #tpu.memory_space<hbm>>
      %dma_wait3A_101 = arith.constant 0 : i32
      %dma_wait3A_102 = arith.constant 0 : i32
      %dma_wait3A_103 = tpu.memref_slice %arg4[%mul3A_7, %dma_wait3A_101, %dma_wait3A_102] : memref<320x34x128xf32, #tpu.memory_space<hbm>> -> memref<1x34x128xf32, #tpu.memory_space<hbm>>
      %dma_wait3A_104 = tpu.memref_squeeze %dma_wait3A_103 : memref<1x34x128xf32, #tpu.memory_space<hbm>> -> memref<34x128xf32, #tpu.memory_space<hbm>>
      tpu.wait_dma2 semaphore(%arg26 : memref<!tpu.dma_semaphore, #tpu.memory_space<semaphore_mem>>) src(%dma_wait3A_104 : memref<34x128xf32, #tpu.memory_space<hbm>>) dst(%arg20 : memref<34x128xf32, #tpu.memory_space<vmem>>)
      %add3A_105 = arith.constant 1 : i32
      %add3A_106 = arith.addi %add3A_79, %add3A_105 : i32
      %min3A = arith.constant 9 : i32
      %min3A_107 = arith.minsi %add3A_106, %min3A : i32
      %add3A_108 = arith.addi %mul3A_7, %min3A_107 : i32
      %dma_start3A_109 = arith.constant 0 : i32
      %dma_start3A_110 = arith.constant 0 : i32
      %dma_start3A_111 = tpu.memref_slice %arg2[%add3A_108, %dma_start3A_109, %dma_start3A_110] : memref<320x16x128xf32, #tpu.memory_space<hbm>> -> memref<1x16x128xf32, #tpu.memory_space<hbm>>
      %dma_start3A_112 = tpu.memref_squeeze %dma_start3A_111 : memref<1x16x128xf32, #tpu.memory_space<hbm>> -> memref<16x128xf32, #tpu.memory_space<hbm>>
      %dma_start3A_113 = arith.constant 0 : i32
      %dma_start3A_114 = arith.constant 0 : i32
      %dma_start3A_115 = tpu.memref_slice %arg2[%add3A_108, %dma_start3A_113, %dma_start3A_114] : memref<320x16x128xf32, #tpu.memory_space<hbm>> -> memref<1x16x128xf32, #tpu.memory_space<hbm>>
      %dma_start3A_116 = tpu.memref_squeeze %dma_start3A_115 : memref<1x16x128xf32, #tpu.memory_space<hbm>> -> memref<16x128xf32, #tpu.memory_space<hbm>>
      tpu.enqueue_dma source(%dma_start3A_116 : memref<16x128xf32, #tpu.memory_space<hbm>>) target(%arg21 : memref<16x128xf32, #tpu.memory_space<vmem>>) target_semaphore(%arg27 : memref<!tpu.dma_semaphore, #tpu.memory_space<semaphore_mem>>)
      %dma_start3A_117 = arith.constant 0 : i32
      %dma_start3A_118 = arith.constant 0 : i32
      %dma_start3A_119 = tpu.memref_slice %arg3[%add3A_108, %dma_start3A_117, %dma_start3A_118] : memref<320x16x128xf32, #tpu.memory_space<hbm>> -> memref<1x16x128xf32, #tpu.memory_space<hbm>>
      %dma_start3A_120 = tpu.memref_squeeze %dma_start3A_119 : memref<1x16x128xf32, #tpu.memory_space<hbm>> -> memref<16x128xf32, #tpu.memory_space<hbm>>
      %dma_start3A_121 = arith.constant 0 : i32
      %dma_start3A_122 = arith.constant 0 : i32
      %dma_start3A_123 = tpu.memref_slice %arg3[%add3A_108, %dma_start3A_121, %dma_start3A_122] : memref<320x16x128xf32, #tpu.memory_space<hbm>> -> memref<1x16x128xf32, #tpu.memory_space<hbm>>
      %dma_start3A_124 = tpu.memref_squeeze %dma_start3A_123 : memref<1x16x128xf32, #tpu.memory_space<hbm>> -> memref<16x128xf32, #tpu.memory_space<hbm>>
      tpu.enqueue_dma source(%dma_start3A_124 : memref<16x128xf32, #tpu.memory_space<hbm>>) target(%arg22 : memref<16x128xf32, #tpu.memory_space<vmem>>) target_semaphore(%arg27 : memref<!tpu.dma_semaphore, #tpu.memory_space<semaphore_mem>>)
      %dma_start3A_125 = arith.constant 0 : i32
      %dma_start3A_126 = arith.constant 0 : i32
      %dma_start3A_127 = tpu.memref_slice %arg4[%add3A_108, %dma_start3A_125, %dma_start3A_126] : memref<320x34x128xf32, #tpu.memory_space<hbm>> -> memref<1x34x128xf32, #tpu.memory_space<hbm>>
      %dma_start3A_128 = tpu.memref_squeeze %dma_start3A_127 : memref<1x34x128xf32, #tpu.memory_space<hbm>> -> memref<34x128xf32, #tpu.memory_space<hbm>>
      %dma_start3A_129 = arith.constant 0 : i32
      %dma_start3A_130 = arith.constant 0 : i32
      %dma_start3A_131 = tpu.memref_slice %arg4[%add3A_108, %dma_start3A_129, %dma_start3A_130] : memref<320x34x128xf32, #tpu.memory_space<hbm>> -> memref<1x34x128xf32, #tpu.memory_space<hbm>>
      %dma_start3A_132 = tpu.memref_squeeze %dma_start3A_131 : memref<1x34x128xf32, #tpu.memory_space<hbm>> -> memref<34x128xf32, #tpu.memory_space<hbm>>
      tpu.enqueue_dma source(%dma_start3A_132 : memref<34x128xf32, #tpu.memory_space<hbm>>) target(%arg23 : memref<34x128xf32, #tpu.memory_space<vmem>>) target_semaphore(%arg27 : memref<!tpu.dma_semaphore, #tpu.memory_space<semaphore_mem>>)
      %gt3A = arith.constant 0 : i32
      %gt3A_133 = arith.cmpi sgt, %scan3A_75, %gt3A : i32
      %convert_element_type3A = arith.extui %gt3A_133 : i1 to i32
      %cond3A = arith.constant 0 : i32
      %cond3A_134 = arith.cmpi ne, %convert_element_type3A, %cond3A : i32
      scf.if %cond3A_134 {
        %dma_wait3A_226 = arith.constant 0 : i32
        %dma_wait3A_227 = arith.constant 0 : i32
        %dma_wait3A_228 = tpu.memref_slice %arg9[%mul3A_7, %dma_wait3A_226, %dma_wait3A_227] : memref<320x16x128xf32, #tpu.memory_space<hbm>> -> memref<1x16x128xf32, #tpu.memory_space<hbm>>
        %dma_wait3A_229 = tpu.memref_squeeze %dma_wait3A_228 : memref<1x16x128xf32, #tpu.memory_space<hbm>> -> memref<16x128xf32, #tpu.memory_space<hbm>>
        %dma_wait3A_230 = arith.constant 0 : i32
        %dma_wait3A_231 = arith.constant 0 : i32
        %dma_wait3A_232 = tpu.memref_slice %arg9[%mul3A_7, %dma_wait3A_230, %dma_wait3A_231] : memref<320x16x128xf32, #tpu.memory_space<hbm>> -> memref<1x16x128xf32, #tpu.memory_space<hbm>>
        %dma_wait3A_233 = tpu.memref_squeeze %dma_wait3A_232 : memref<1x16x128xf32, #tpu.memory_space<hbm>> -> memref<16x128xf32, #tpu.memory_space<hbm>>
        tpu.wait_dma2 semaphore(%arg28 : memref<!tpu.dma_semaphore, #tpu.memory_space<semaphore_mem>>) src(%arg24 : memref<16x128xf32, #tpu.memory_space<vmem>>) dst(%dma_wait3A_233 : memref<16x128xf32, #tpu.memory_space<hbm>>)
      } else {
      }
      %scan3A_135 = arith.constant 0 : i32
      %scan3A_136 = arith.constant 0 : i32
      %scan3A_137 = arith.constant 16 : i32
      %scan3A_138 = arith.addi %scan3A_136, %scan3A_137 : i32
      %scan3A_139 = arith.constant 1 : i32
      scf.for %scan3A_226 = %scan3A_136 to %scan3A_138 step %scan3A_139  : i32 {
        %get3A = arith.index_cast %scan3A_226 : i32 to index
        %get3A_227 = memref.load %arg13[%get3A] : memref<32xi32, #tpu.memory_space<smem>>
        %add3A_228 = arith.constant 1 : i32
        %add3A_229 = arith.addi %scan3A_226, %add3A_228 : i32
        %get3A_230 = arith.index_cast %add3A_229 : i32 to index
        %get3A_231 = memref.load %arg13[%get3A_230] : memref<32xi32, #tpu.memory_space<smem>>
        %broadcast_in_dim3A = arith.constant 0.000000e+00 : f32
        %broadcast_in_dim3A_232 = vector.broadcast %broadcast_in_dim3A : f32 to vector<16xf32>
        %parallel_loop3A_233 = arith.constant 1 : i32
        %parallel_loop3A_234:8 = scf.for %parallel_loop3A_258 = %get3A_227 to %get3A_231 step %parallel_loop3A_233 iter_args(%parallel_loop3A_259 = %broadcast_in_dim3A_232, %parallel_loop3A_260 = %broadcast_in_dim3A_232, %parallel_loop3A_261 = %broadcast_in_dim3A_232, %parallel_loop3A_262 = %broadcast_in_dim3A_232, %parallel_loop3A_263 = %broadcast_in_dim3A_232, %parallel_loop3A_264 = %broadcast_in_dim3A_232, %parallel_loop3A_265 = %broadcast_in_dim3A_232, %parallel_loop3A_266 = %broadcast_in_dim3A_232) -> (vector<16xf32>, vector<16xf32>, vector<16xf32>, vector<16xf32>, vector<16xf32>, vector<16xf32>, vector<16xf32>, vector<16xf32>)  : i32 {
          %parallel_loop3A_267 = arith.index_cast %parallel_loop3A_258 : i32 to index
          %parallel_loop3A_268 = memref.load %arg10[%parallel_loop3A_267] : memref<512xi32, #tpu.memory_space<smem>>
          %parallel_loop3A_269 = arith.index_cast %parallel_loop3A_258 : i32 to index
          %parallel_loop3A_270 = memref.load %arg11[%parallel_loop3A_269] : memref<512xi32, #tpu.memory_space<smem>>
          %parallel_loop3A_271 = arith.index_cast %parallel_loop3A_258 : i32 to index
          %parallel_loop3A_272 = memref.load %arg12[%parallel_loop3A_271] : memref<512xf32, #tpu.memory_space<smem>>
          %parallel_loop3A_273 = arith.constant 255 : i32
          %parallel_loop3A_274 = arith.andi %parallel_loop3A_268, %parallel_loop3A_273 : i32
          %parallel_loop3A_275 = arith.constant 8 : i32
          %parallel_loop3A_276 = arith.shrui %parallel_loop3A_268, %parallel_loop3A_275 : i32
          %parallel_loop3A_277 = arith.index_cast %parallel_loop3A_274 : i32 to index
          %parallel_loop3A_278 = arith.constant 0 : index
          %parallel_loop3A_279 = tpu.vector_load %arg18[%parallel_loop3A_277, %parallel_loop3A_278] {strides = array<i32>} : memref<16x128xf32, #tpu.memory_space<vmem>>, vector<16xf32>,
          %parallel_loop3A_280 = arith.index_cast %parallel_loop3A_276 : i32 to index
          %parallel_loop3A_281 = arith.constant 0 : index
          %parallel_loop3A_282 = tpu.vector_load %arg19[%parallel_loop3A_280, %parallel_loop3A_281] {strides = array<i32>} : memref<16x128xf32, #tpu.memory_space<vmem>>, vector<16xf32>,
          %parallel_loop3A_283 = arith.index_cast %parallel_loop3A_270 : i32 to index
          %parallel_loop3A_284 = arith.constant 0 : index
          %parallel_loop3A_285 = tpu.vector_load %arg20[%parallel_loop3A_283, %parallel_loop3A_284] {strides = array<i32>} : memref<34x128xf32, #tpu.memory_space<vmem>>, vector<16xf32>,
          %parallel_loop3A_286 = arith.mulf %parallel_loop3A_279, %parallel_loop3A_282 : vector<16xf32>
          %parallel_loop3A_287 = arith.mulf %parallel_loop3A_286, %parallel_loop3A_285 : vector<16xf32>
          %parallel_loop3A_288 = vector.broadcast %parallel_loop3A_272 : f32 to vector<16xf32>
          %parallel_loop3A_289 = arith.mulf %parallel_loop3A_287, %parallel_loop3A_288 : vector<16xf32>
          %parallel_loop3A_290 = arith.addf %parallel_loop3A_259, %parallel_loop3A_289 : vector<16xf32>
          %parallel_loop3A_291 = arith.index_cast %parallel_loop3A_274 : i32 to index
          %parallel_loop3A_292 = arith.constant 16 : index
          %parallel_loop3A_293 = tpu.vector_load %arg18[%parallel_loop3A_291, %parallel_loop3A_292] {strides = array<i32>} : memref<16x128xf32, #tpu.memory_space<vmem>>, vector<16xf32>,
          %parallel_loop3A_294 = arith.index_cast %parallel_loop3A_276 : i32 to index
          %parallel_loop3A_295 = arith.constant 16 : index
          %parallel_loop3A_296 = tpu.vector_load %arg19[%parallel_loop3A_294, %parallel_loop3A_295] {strides = array<i32>} : memref<16x128xf32, #tpu.memory_space<vmem>>, vector<16xf32>,
          %parallel_loop3A_297 = arith.index_cast %parallel_loop3A_270 : i32 to index
          %parallel_loop3A_298 = arith.constant 16 : index
          %parallel_loop3A_299 = tpu.vector_load %arg20[%parallel_loop3A_297, %parallel_loop3A_298] {strides = array<i32>} : memref<34x128xf32, #tpu.memory_space<vmem>>, vector<16xf32>,
          %parallel_loop3A_300 = arith.mulf %parallel_loop3A_293, %parallel_loop3A_296 : vector<16xf32>
          %parallel_loop3A_301 = arith.mulf %parallel_loop3A_300, %parallel_loop3A_299 : vector<16xf32>
          %parallel_loop3A_302 = vector.broadcast %parallel_loop3A_272 : f32 to vector<16xf32>
          %parallel_loop3A_303 = arith.mulf %parallel_loop3A_301, %parallel_loop3A_302 : vector<16xf32>
          %parallel_loop3A_304 = arith.addf %parallel_loop3A_260, %parallel_loop3A_303 : vector<16xf32>
          %parallel_loop3A_305 = arith.index_cast %parallel_loop3A_274 : i32 to index
          %parallel_loop3A_306 = arith.constant 32 : index
          %parallel_loop3A_307 = tpu.vector_load %arg18[%parallel_loop3A_305, %parallel_loop3A_306] {strides = array<i32>} : memref<16x128xf32, #tpu.memory_space<vmem>>, vector<16xf32>,
          %parallel_loop3A_308 = arith.index_cast %parallel_loop3A_276 : i32 to index
          %parallel_loop3A_309 = arith.constant 32 : index
          %parallel_loop3A_310 = tpu.vector_load %arg19[%parallel_loop3A_308, %parallel_loop3A_309] {strides = array<i32>} : memref<16x128xf32, #tpu.memory_space<vmem>>, vector<16xf32>,
          %parallel_loop3A_311 = arith.index_cast %parallel_loop3A_270 : i32 to index
          %parallel_loop3A_312 = arith.constant 32 : index
          %parallel_loop3A_313 = tpu.vector_load %arg20[%parallel_loop3A_311, %parallel_loop3A_312] {strides = array<i32>} : memref<34x128xf32, #tpu.memory_space<vmem>>, vector<16xf32>,
          %parallel_loop3A_314 = arith.mulf %parallel_loop3A_307, %parallel_loop3A_310 : vector<16xf32>
          %parallel_loop3A_315 = arith.mulf %parallel_loop3A_314, %parallel_loop3A_313 : vector<16xf32>
          %parallel_loop3A_316 = vector.broadcast %parallel_loop3A_272 : f32 to vector<16xf32>
          %parallel_loop3A_317 = arith.mulf %parallel_loop3A_315, %parallel_loop3A_316 : vector<16xf32>
          %parallel_loop3A_318 = arith.addf %parallel_loop3A_261, %parallel_loop3A_317 : vector<16xf32>
          %parallel_loop3A_319 = arith.index_cast %parallel_loop3A_274 : i32 to index
          %parallel_loop3A_320 = arith.constant 48 : index
          %parallel_loop3A_321 = tpu.vector_load %arg18[%parallel_loop3A_319, %parallel_loop3A_320] {strides = array<i32>} : memref<16x128xf32, #tpu.memory_space<vmem>>, vector<16xf32>,
          %parallel_loop3A_322 = arith.index_cast %parallel_loop3A_276 : i32 to index
          %parallel_loop3A_323 = arith.constant 48 : index
          %parallel_loop3A_324 = tpu.vector_load %arg19[%parallel_loop3A_322, %parallel_loop3A_323] {strides = array<i32>} : memref<16x128xf32, #tpu.memory_space<vmem>>, vector<16xf32>,
          %parallel_loop3A_325 = arith.index_cast %parallel_loop3A_270 : i32 to index
          %parallel_loop3A_326 = arith.constant 48 : index
          %parallel_loop3A_327 = tpu.vector_load %arg20[%parallel_loop3A_325, %parallel_loop3A_326] {strides = array<i32>} : memref<34x128xf32, #tpu.memory_space<vmem>>, vector<16xf32>,
          %parallel_loop3A_328 = arith.mulf %parallel_loop3A_321, %parallel_loop3A_324 : vector<16xf32>
          %parallel_loop3A_329 = arith.mulf %parallel_loop3A_328, %parallel_loop3A_327 : vector<16xf32>
          %parallel_loop3A_330 = vector.broadcast %parallel_loop3A_272 : f32 to vector<16xf32>
          %parallel_loop3A_331 = arith.mulf %parallel_loop3A_329, %parallel_loop3A_330 : vector<16xf32>
          %parallel_loop3A_332 = arith.addf %parallel_loop3A_262, %parallel_loop3A_331 : vector<16xf32>
          %parallel_loop3A_333 = arith.index_cast %parallel_loop3A_274 : i32 to index
          %parallel_loop3A_334 = arith.constant 64 : index
          %parallel_loop3A_335 = tpu.vector_load %arg18[%parallel_loop3A_333, %parallel_loop3A_334] {strides = array<i32>} : memref<16x128xf32, #tpu.memory_space<vmem>>, vector<16xf32>,
          %parallel_loop3A_336 = arith.index_cast %parallel_loop3A_276 : i32 to index
          %parallel_loop3A_337 = arith.constant 64 : index
          %parallel_loop3A_338 = tpu.vector_load %arg19[%parallel_loop3A_336, %parallel_loop3A_337] {strides = array<i32>} : memref<16x128xf32, #tpu.memory_space<vmem>>, vector<16xf32>,
          %parallel_loop3A_339 = arith.index_cast %parallel_loop3A_270 : i32 to index
          %parallel_loop3A_340 = arith.constant 64 : index
          %parallel_loop3A_341 = tpu.vector_load %arg20[%parallel_loop3A_339, %parallel_loop3A_340] {strides = array<i32>} : memref<34x128xf32, #tpu.memory_space<vmem>>, vector<16xf32>,
          %parallel_loop3A_342 = arith.mulf %parallel_loop3A_335, %parallel_loop3A_338 : vector<16xf32>
          %parallel_loop3A_343 = arith.mulf %parallel_loop3A_342, %parallel_loop3A_341 : vector<16xf32>
          %parallel_loop3A_344 = vector.broadcast %parallel_loop3A_272 : f32 to vector<16xf32>
          %parallel_loop3A_345 = arith.mulf %parallel_loop3A_343, %parallel_loop3A_344 : vector<16xf32>
          %parallel_loop3A_346 = arith.addf %parallel_loop3A_263, %parallel_loop3A_345 : vector<16xf32>
          %parallel_loop3A_347 = arith.index_cast %parallel_loop3A_274 : i32 to index
          %parallel_loop3A_348 = arith.constant 80 : index
          %parallel_loop3A_349 = tpu.vector_load %arg18[%parallel_loop3A_347, %parallel_loop3A_348] {strides = array<i32>} : memref<16x128xf32, #tpu.memory_space<vmem>>, vector<16xf32>,
          %parallel_loop3A_350 = arith.index_cast %parallel_loop3A_276 : i32 to index
          %parallel_loop3A_351 = arith.constant 80 : index
          %parallel_loop3A_352 = tpu.vector_load %arg19[%parallel_loop3A_350, %parallel_loop3A_351] {strides = array<i32>} : memref<16x128xf32, #tpu.memory_space<vmem>>, vector<16xf32>,
          %parallel_loop3A_353 = arith.index_cast %parallel_loop3A_270 : i32 to index
          %parallel_loop3A_354 = arith.constant 80 : index
          %parallel_loop3A_355 = tpu.vector_load %arg20[%parallel_loop3A_353, %parallel_loop3A_354] {strides = array<i32>} : memref<34x128xf32, #tpu.memory_space<vmem>>, vector<16xf32>,
          %parallel_loop3A_356 = arith.mulf %parallel_loop3A_349, %parallel_loop3A_352 : vector<16xf32>
          %parallel_loop3A_357 = arith.mulf %parallel_loop3A_356, %parallel_loop3A_355 : vector<16xf32>
          %parallel_loop3A_358 = vector.broadcast %parallel_loop3A_272 : f32 to vector<16xf32>
          %parallel_loop3A_359 = arith.mulf %parallel_loop3A_357, %parallel_loop3A_358 : vector<16xf32>
          %parallel_loop3A_360 = arith.addf %parallel_loop3A_264, %parallel_loop3A_359 : vector<16xf32>
          %parallel_loop3A_361 = arith.index_cast %parallel_loop3A_274 : i32 to index
          %parallel_loop3A_362 = arith.constant 96 : index
          %parallel_loop3A_363 = tpu.vector_load %arg18[%parallel_loop3A_361, %parallel_loop3A_362] {strides = array<i32>} : memref<16x128xf32, #tpu.memory_space<vmem>>, vector<16xf32>,
          %parallel_loop3A_364 = arith.index_cast %parallel_loop3A_276 : i32 to index
          %parallel_loop3A_365 = arith.constant 96 : index
          %parallel_loop3A_366 = tpu.vector_load %arg19[%parallel_loop3A_364, %parallel_loop3A_365] {strides = array<i32>} : memref<16x128xf32, #tpu.memory_space<vmem>>, vector<16xf32>,
          %parallel_loop3A_367 = arith.index_cast %parallel_loop3A_270 : i32 to index
          %parallel_loop3A_368 = arith.constant 96 : index
          %parallel_loop3A_369 = tpu.vector_load %arg20[%parallel_loop3A_367, %parallel_loop3A_368] {strides = array<i32>} : memref<34x128xf32, #tpu.memory_space<vmem>>, vector<16xf32>,
          %parallel_loop3A_370 = arith.mulf %parallel_loop3A_363, %parallel_loop3A_366 : vector<16xf32>
          %parallel_loop3A_371 = arith.mulf %parallel_loop3A_370, %parallel_loop3A_369 : vector<16xf32>
          %parallel_loop3A_372 = vector.broadcast %parallel_loop3A_272 : f32 to vector<16xf32>
          %parallel_loop3A_373 = arith.mulf %parallel_loop3A_371, %parallel_loop3A_372 : vector<16xf32>
          %parallel_loop3A_374 = arith.addf %parallel_loop3A_265, %parallel_loop3A_373 : vector<16xf32>
          %parallel_loop3A_375 = arith.index_cast %parallel_loop3A_274 : i32 to index
          %parallel_loop3A_376 = arith.constant 112 : index
          %parallel_loop3A_377 = tpu.vector_load %arg18[%parallel_loop3A_375, %parallel_loop3A_376] {strides = array<i32>} : memref<16x128xf32, #tpu.memory_space<vmem>>, vector<16xf32>,
          %parallel_loop3A_378 = arith.index_cast %parallel_loop3A_276 : i32 to index
          %parallel_loop3A_379 = arith.constant 112 : index
          %parallel_loop3A_380 = tpu.vector_load %arg19[%parallel_loop3A_378, %parallel_loop3A_379] {strides = array<i32>} : memref<16x128xf32, #tpu.memory_space<vmem>>, vector<16xf32>,
          %parallel_loop3A_381 = arith.index_cast %parallel_loop3A_270 : i32 to index
          %parallel_loop3A_382 = arith.constant 112 : index
          %parallel_loop3A_383 = tpu.vector_load %arg20[%parallel_loop3A_381, %parallel_loop3A_382] {strides = array<i32>} : memref<34x128xf32, #tpu.memory_space<vmem>>, vector<16xf32>,
          %parallel_loop3A_384 = arith.mulf %parallel_loop3A_377, %parallel_loop3A_380 : vector<16xf32>
          %parallel_loop3A_385 = arith.mulf %parallel_loop3A_384, %parallel_loop3A_383 : vector<16xf32>
          %parallel_loop3A_386 = vector.broadcast %parallel_loop3A_272 : f32 to vector<16xf32>
          %parallel_loop3A_387 = arith.mulf %parallel_loop3A_385, %parallel_loop3A_386 : vector<16xf32>
          %parallel_loop3A_388 = arith.addf %parallel_loop3A_266, %parallel_loop3A_387 : vector<16xf32>
          scf.yield %parallel_loop3A_290, %parallel_loop3A_304, %parallel_loop3A_318, %parallel_loop3A_332, %parallel_loop3A_346, %parallel_loop3A_360, %parallel_loop3A_374, %parallel_loop3A_388 : vector<16xf32>, vector<16xf32>, vector<16xf32>, vector<16xf32>, vector<16xf32>, vector<16xf32>, vector<16xf32>, vector<16xf32>
        } {sc.loop_unroll_factor = 2 : i64, sc.parallel_access}
        %swap3A = arith.index_cast %scan3A_226 : i32 to index
        %swap3A_235 = arith.constant 0 : index
        %swap3A_236 = tpu.vector_load %arg24[%swap3A, %swap3A_235] {strides = array<i32>} : memref<16x128xf32, #tpu.memory_space<vmem>>, vector<16xf32>,
        tpu.vector_store %arg24[%swap3A, %swap3A_235], %parallel_loop3A_234#0 {strides = array<i32>} : memref<16x128xf32, #tpu.memory_space<vmem>>, vector<16xf32>,
        %swap3A_237 = arith.index_cast %scan3A_226 : i32 to index
        %swap3A_238 = arith.constant 16 : index
        %swap3A_239 = tpu.vector_load %arg24[%swap3A_237, %swap3A_238] {strides = array<i32>} : memref<16x128xf32, #tpu.memory_space<vmem>>, vector<16xf32>,
        tpu.vector_store %arg24[%swap3A_237, %swap3A_238], %parallel_loop3A_234#1 {strides = array<i32>} : memref<16x128xf32, #tpu.memory_space<vmem>>, vector<16xf32>,
        %swap3A_240 = arith.index_cast %scan3A_226 : i32 to index
        %swap3A_241 = arith.constant 32 : index
        %swap3A_242 = tpu.vector_load %arg24[%swap3A_240, %swap3A_241] {strides = array<i32>} : memref<16x128xf32, #tpu.memory_space<vmem>>, vector<16xf32>,
        tpu.vector_store %arg24[%swap3A_240, %swap3A_241], %parallel_loop3A_234#2 {strides = array<i32>} : memref<16x128xf32, #tpu.memory_space<vmem>>, vector<16xf32>,
        %swap3A_243 = arith.index_cast %scan3A_226 : i32 to index
        %swap3A_244 = arith.constant 48 : index
        %swap3A_245 = tpu.vector_load %arg24[%swap3A_243, %swap3A_244] {strides = array<i32>} : memref<16x128xf32, #tpu.memory_space<vmem>>, vector<16xf32>,
        tpu.vector_store %arg24[%swap3A_243, %swap3A_244], %parallel_loop3A_234#3 {strides = array<i32>} : memref<16x128xf32, #tpu.memory_space<vmem>>, vector<16xf32>,
        %swap3A_246 = arith.index_cast %scan3A_226 : i32 to index
        %swap3A_247 = arith.constant 64 : index
        %swap3A_248 = tpu.vector_load %arg24[%swap3A_246, %swap3A_247] {strides = array<i32>} : memref<16x128xf32, #tpu.memory_space<vmem>>, vector<16xf32>,
        tpu.vector_store %arg24[%swap3A_246, %swap3A_247], %parallel_loop3A_234#4 {strides = array<i32>} : memref<16x128xf32, #tpu.memory_space<vmem>>, vector<16xf32>,
        %swap3A_249 = arith.index_cast %scan3A_226 : i32 to index
        %swap3A_250 = arith.constant 80 : index
        %swap3A_251 = tpu.vector_load %arg24[%swap3A_249, %swap3A_250] {strides = array<i32>} : memref<16x128xf32, #tpu.memory_space<vmem>>, vector<16xf32>,
        tpu.vector_store %arg24[%swap3A_249, %swap3A_250], %parallel_loop3A_234#5 {strides = array<i32>} : memref<16x128xf32, #tpu.memory_space<vmem>>, vector<16xf32>,
        %swap3A_252 = arith.index_cast %scan3A_226 : i32 to index
        %swap3A_253 = arith.constant 96 : index
        %swap3A_254 = tpu.vector_load %arg24[%swap3A_252, %swap3A_253] {strides = array<i32>} : memref<16x128xf32, #tpu.memory_space<vmem>>, vector<16xf32>,
        tpu.vector_store %arg24[%swap3A_252, %swap3A_253], %parallel_loop3A_234#6 {strides = array<i32>} : memref<16x128xf32, #tpu.memory_space<vmem>>, vector<16xf32>,
        %swap3A_255 = arith.index_cast %scan3A_226 : i32 to index
        %swap3A_256 = arith.constant 112 : index
        %swap3A_257 = tpu.vector_load %arg24[%swap3A_255, %swap3A_256] {strides = array<i32>} : memref<16x128xf32, #tpu.memory_space<vmem>>, vector<16xf32>,
        tpu.vector_store %arg24[%swap3A_255, %swap3A_256], %parallel_loop3A_234#7 {strides = array<i32>} : memref<16x128xf32, #tpu.memory_space<vmem>>, vector<16xf32>,
      }
      %scan3A_140 = arith.constant 16 : i32
      %dma_start3A_141 = arith.constant 0 : i32
      %dma_start3A_142 = arith.constant 0 : i32
      %dma_start3A_143 = tpu.memref_slice %arg9[%add3A_80, %dma_start3A_141, %dma_start3A_142] : memref<320x16x128xf32, #tpu.memory_space<hbm>> -> memref<1x16x128xf32, #tpu.memory_space<hbm>>
      %dma_start3A_144 = tpu.memref_squeeze %dma_start3A_143 : memref<1x16x128xf32, #tpu.memory_space<hbm>> -> memref<16x128xf32, #tpu.memory_space<hbm>>
      %dma_start3A_145 = arith.constant 0 : i32
      %dma_start3A_146 = arith.constant 0 : i32
      %dma_start3A_147 = tpu.memref_slice %arg9[%add3A_80, %dma_start3A_145, %dma_start3A_146] : memref<320x16x128xf32, #tpu.memory_space<hbm>> -> memref<1x16x128xf32, #tpu.memory_space<hbm>>
      %dma_start3A_148 = tpu.memref_squeeze %dma_start3A_147 : memref<1x16x128xf32, #tpu.memory_space<hbm>> -> memref<16x128xf32, #tpu.memory_space<hbm>>
      tpu.enqueue_dma source(%arg24 : memref<16x128xf32, #tpu.memory_space<vmem>>) target(%dma_start3A_148 : memref<16x128xf32, #tpu.memory_space<hbm>>) target_semaphore(%arg28 : memref<!tpu.dma_semaphore, #tpu.memory_space<semaphore_mem>>)
      %mul3A_149 = arith.constant 2 : i32
      %mul3A_150 = arith.muli %scan3A_75, %mul3A_149 : i32
      %add3A_151 = arith.constant 1 : i32
      %add3A_152 = arith.addi %mul3A_150, %add3A_151 : i32
      %add3A_153 = arith.addi %mul3A_7, %add3A_152 : i32
      %dma_wait3A_154 = arith.constant 0 : i32
      %dma_wait3A_155 = arith.constant 0 : i32
      %dma_wait3A_156 = tpu.memref_slice %arg2[%mul3A_7, %dma_wait3A_154, %dma_wait3A_155] : memref<320x16x128xf32, #tpu.memory_space<hbm>> -> memref<1x16x128xf32, #tpu.memory_space<hbm>>
      %dma_wait3A_157 = tpu.memref_squeeze %dma_wait3A_156 : memref<1x16x128xf32, #tpu.memory_space<hbm>> -> memref<16x128xf32, #tpu.memory_space<hbm>>
      %dma_wait3A_158 = arith.constant 0 : i32
      %dma_wait3A_159 = arith.constant 0 : i32
      %dma_wait3A_160 = tpu.memref_slice %arg2[%mul3A_7, %dma_wait3A_158, %dma_wait3A_159] : memref<320x16x128xf32, #tpu.memory_space<hbm>> -> memref<1x16x128xf32, #tpu.memory_space<hbm>>
      %dma_wait3A_161 = tpu.memref_squeeze %dma_wait3A_160 : memref<1x16x128xf32, #tpu.memory_space<hbm>> -> memref<16x128xf32, #tpu.memory_space<hbm>>
      tpu.wait_dma2 semaphore(%arg27 : memref<!tpu.dma_semaphore, #tpu.memory_space<semaphore_mem>>) src(%dma_wait3A_161 : memref<16x128xf32, #tpu.memory_space<hbm>>) dst(%arg21 : memref<16x128xf32, #tpu.memory_space<vmem>>)
      %dma_wait3A_162 = arith.constant 0 : i32
      %dma_wait3A_163 = arith.constant 0 : i32
      %dma_wait3A_164 = tpu.memref_slice %arg3[%mul3A_7, %dma_wait3A_162, %dma_wait3A_163] : memref<320x16x128xf32, #tpu.memory_space<hbm>> -> memref<1x16x128xf32, #tpu.memory_space<hbm>>
      %dma_wait3A_165 = tpu.memref_squeeze %dma_wait3A_164 : memref<1x16x128xf32, #tpu.memory_space<hbm>> -> memref<16x128xf32, #tpu.memory_space<hbm>>
      %dma_wait3A_166 = arith.constant 0 : i32
      %dma_wait3A_167 = arith.constant 0 : i32
      %dma_wait3A_168 = tpu.memref_slice %arg3[%mul3A_7, %dma_wait3A_166, %dma_wait3A_167] : memref<320x16x128xf32, #tpu.memory_space<hbm>> -> memref<1x16x128xf32, #tpu.memory_space<hbm>>
      %dma_wait3A_169 = tpu.memref_squeeze %dma_wait3A_168 : memref<1x16x128xf32, #tpu.memory_space<hbm>> -> memref<16x128xf32, #tpu.memory_space<hbm>>
      tpu.wait_dma2 semaphore(%arg27 : memref<!tpu.dma_semaphore, #tpu.memory_space<semaphore_mem>>) src(%dma_wait3A_169 : memref<16x128xf32, #tpu.memory_space<hbm>>) dst(%arg22 : memref<16x128xf32, #tpu.memory_space<vmem>>)
      %dma_wait3A_170 = arith.constant 0 : i32
      %dma_wait3A_171 = arith.constant 0 : i32
      %dma_wait3A_172 = tpu.memref_slice %arg4[%mul3A_7, %dma_wait3A_170, %dma_wait3A_171] : memref<320x34x128xf32, #tpu.memory_space<hbm>> -> memref<1x34x128xf32, #tpu.memory_space<hbm>>
      %dma_wait3A_173 = tpu.memref_squeeze %dma_wait3A_172 : memref<1x34x128xf32, #tpu.memory_space<hbm>> -> memref<34x128xf32, #tpu.memory_space<hbm>>
      %dma_wait3A_174 = arith.constant 0 : i32
      %dma_wait3A_175 = arith.constant 0 : i32
      %dma_wait3A_176 = tpu.memref_slice %arg4[%mul3A_7, %dma_wait3A_174, %dma_wait3A_175] : memref<320x34x128xf32, #tpu.memory_space<hbm>> -> memref<1x34x128xf32, #tpu.memory_space<hbm>>
      %dma_wait3A_177 = tpu.memref_squeeze %dma_wait3A_176 : memref<1x34x128xf32, #tpu.memory_space<hbm>> -> memref<34x128xf32, #tpu.memory_space<hbm>>
      tpu.wait_dma2 semaphore(%arg27 : memref<!tpu.dma_semaphore, #tpu.memory_space<semaphore_mem>>) src(%dma_wait3A_177 : memref<34x128xf32, #tpu.memory_space<hbm>>) dst(%arg23 : memref<34x128xf32, #tpu.memory_space<vmem>>)
      %add3A_178 = arith.constant 1 : i32
      %add3A_179 = arith.addi %add3A_152, %add3A_178 : i32
      %min3A_180 = arith.constant 9 : i32
      %min3A_181 = arith.minsi %add3A_179, %min3A_180 : i32
      %add3A_182 = arith.addi %mul3A_7, %min3A_181 : i32
      %dma_start3A_183 = arith.constant 0 : i32
      %dma_start3A_184 = arith.constant 0 : i32
      %dma_start3A_185 = tpu.memref_slice %arg2[%add3A_182, %dma_start3A_183, %dma_start3A_184] : memref<320x16x128xf32, #tpu.memory_space<hbm>> -> memref<1x16x128xf32, #tpu.memory_space<hbm>>
      %dma_start3A_186 = tpu.memref_squeeze %dma_start3A_185 : memref<1x16x128xf32, #tpu.memory_space<hbm>> -> memref<16x128xf32, #tpu.memory_space<hbm>>
      %dma_start3A_187 = arith.constant 0 : i32
      %dma_start3A_188 = arith.constant 0 : i32
      %dma_start3A_189 = tpu.memref_slice %arg2[%add3A_182, %dma_start3A_187, %dma_start3A_188] : memref<320x16x128xf32, #tpu.memory_space<hbm>> -> memref<1x16x128xf32, #tpu.memory_space<hbm>>
      %dma_start3A_190 = tpu.memref_squeeze %dma_start3A_189 : memref<1x16x128xf32, #tpu.memory_space<hbm>> -> memref<16x128xf32, #tpu.memory_space<hbm>>
      tpu.enqueue_dma source(%dma_start3A_190 : memref<16x128xf32, #tpu.memory_space<hbm>>) target(%arg18 : memref<16x128xf32, #tpu.memory_space<vmem>>) target_semaphore(%arg26 : memref<!tpu.dma_semaphore, #tpu.memory_space<semaphore_mem>>)
      %dma_start3A_191 = arith.constant 0 : i32
      %dma_start3A_192 = arith.constant 0 : i32
      %dma_start3A_193 = tpu.memref_slice %arg3[%add3A_182, %dma_start3A_191, %dma_start3A_192] : memref<320x16x128xf32, #tpu.memory_space<hbm>> -> memref<1x16x128xf32, #tpu.memory_space<hbm>>
      %dma_start3A_194 = tpu.memref_squeeze %dma_start3A_193 : memref<1x16x128xf32, #tpu.memory_space<hbm>> -> memref<16x128xf32, #tpu.memory_space<hbm>>
      %dma_start3A_195 = arith.constant 0 : i32
      %dma_start3A_196 = arith.constant 0 : i32
      %dma_start3A_197 = tpu.memref_slice %arg3[%add3A_182, %dma_start3A_195, %dma_start3A_196] : memref<320x16x128xf32, #tpu.memory_space<hbm>> -> memref<1x16x128xf32, #tpu.memory_space<hbm>>
      %dma_start3A_198 = tpu.memref_squeeze %dma_start3A_197 : memref<1x16x128xf32, #tpu.memory_space<hbm>> -> memref<16x128xf32, #tpu.memory_space<hbm>>
      tpu.enqueue_dma source(%dma_start3A_198 : memref<16x128xf32, #tpu.memory_space<hbm>>) target(%arg19 : memref<16x128xf32, #tpu.memory_space<vmem>>) target_semaphore(%arg26 : memref<!tpu.dma_semaphore, #tpu.memory_space<semaphore_mem>>)
      %dma_start3A_199 = arith.constant 0 : i32
      %dma_start3A_200 = arith.constant 0 : i32
      %dma_start3A_201 = tpu.memref_slice %arg4[%add3A_182, %dma_start3A_199, %dma_start3A_200] : memref<320x34x128xf32, #tpu.memory_space<hbm>> -> memref<1x34x128xf32, #tpu.memory_space<hbm>>
      %dma_start3A_202 = tpu.memref_squeeze %dma_start3A_201 : memref<1x34x128xf32, #tpu.memory_space<hbm>> -> memref<34x128xf32, #tpu.memory_space<hbm>>
      %dma_start3A_203 = arith.constant 0 : i32
      %dma_start3A_204 = arith.constant 0 : i32
      %dma_start3A_205 = tpu.memref_slice %arg4[%add3A_182, %dma_start3A_203, %dma_start3A_204] : memref<320x34x128xf32, #tpu.memory_space<hbm>> -> memref<1x34x128xf32, #tpu.memory_space<hbm>>
      %dma_start3A_206 = tpu.memref_squeeze %dma_start3A_205 : memref<1x34x128xf32, #tpu.memory_space<hbm>> -> memref<34x128xf32, #tpu.memory_space<hbm>>
      tpu.enqueue_dma source(%dma_start3A_206 : memref<34x128xf32, #tpu.memory_space<hbm>>) target(%arg20 : memref<34x128xf32, #tpu.memory_space<vmem>>) target_semaphore(%arg26 : memref<!tpu.dma_semaphore, #tpu.memory_space<semaphore_mem>>)
      %gt3A_207 = arith.constant 0 : i32
      %gt3A_208 = arith.cmpi sgt, %scan3A_75, %gt3A_207 : i32
      %convert_element_type3A_209 = arith.extui %gt3A_208 : i1 to i32
      %cond3A_210 = arith.constant 0 : i32
      %cond3A_211 = arith.cmpi ne, %convert_element_type3A_209, %cond3A_210 : i32
      scf.if %cond3A_211 {
        %dma_wait3A_226 = arith.constant 0 : i32
        %dma_wait3A_227 = arith.constant 0 : i32
        %dma_wait3A_228 = tpu.memref_slice %arg9[%mul3A_7, %dma_wait3A_226, %dma_wait3A_227] : memref<320x16x128xf32, #tpu.memory_space<hbm>> -> memref<1x16x128xf32, #tpu.memory_space<hbm>>
        %dma_wait3A_229 = tpu.memref_squeeze %dma_wait3A_228 : memref<1x16x128xf32, #tpu.memory_space<hbm>> -> memref<16x128xf32, #tpu.memory_space<hbm>>
        %dma_wait3A_230 = arith.constant 0 : i32
        %dma_wait3A_231 = arith.constant 0 : i32
        %dma_wait3A_232 = tpu.memref_slice %arg9[%mul3A_7, %dma_wait3A_230, %dma_wait3A_231] : memref<320x16x128xf32, #tpu.memory_space<hbm>> -> memref<1x16x128xf32, #tpu.memory_space<hbm>>
        %dma_wait3A_233 = tpu.memref_squeeze %dma_wait3A_232 : memref<1x16x128xf32, #tpu.memory_space<hbm>> -> memref<16x128xf32, #tpu.memory_space<hbm>>
        tpu.wait_dma2 semaphore(%arg29 : memref<!tpu.dma_semaphore, #tpu.memory_space<semaphore_mem>>) src(%arg25 : memref<16x128xf32, #tpu.memory_space<vmem>>) dst(%dma_wait3A_233 : memref<16x128xf32, #tpu.memory_space<hbm>>)
      } else {
      }
      %scan3A_212 = arith.constant 0 : i32
      %scan3A_213 = arith.constant 0 : i32
      %scan3A_214 = arith.constant 16 : i32
      %scan3A_215 = arith.addi %scan3A_213, %scan3A_214 : i32
      %scan3A_216 = arith.constant 1 : i32
      scf.for %scan3A_226 = %scan3A_213 to %scan3A_215 step %scan3A_216  : i32 {
        %get3A = arith.index_cast %scan3A_226 : i32 to index
        %get3A_227 = memref.load %arg13[%get3A] : memref<32xi32, #tpu.memory_space<smem>>
        %add3A_228 = arith.constant 1 : i32
        %add3A_229 = arith.addi %scan3A_226, %add3A_228 : i32
        %get3A_230 = arith.index_cast %add3A_229 : i32 to index
        %get3A_231 = memref.load %arg13[%get3A_230] : memref<32xi32, #tpu.memory_space<smem>>
        %broadcast_in_dim3A = arith.constant 0.000000e+00 : f32
        %broadcast_in_dim3A_232 = vector.broadcast %broadcast_in_dim3A : f32 to vector<16xf32>
        %parallel_loop3A_233 = arith.constant 1 : i32
        %parallel_loop3A_234:8 = scf.for %parallel_loop3A_258 = %get3A_227 to %get3A_231 step %parallel_loop3A_233 iter_args(%parallel_loop3A_259 = %broadcast_in_dim3A_232, %parallel_loop3A_260 = %broadcast_in_dim3A_232, %parallel_loop3A_261 = %broadcast_in_dim3A_232, %parallel_loop3A_262 = %broadcast_in_dim3A_232, %parallel_loop3A_263 = %broadcast_in_dim3A_232, %parallel_loop3A_264 = %broadcast_in_dim3A_232, %parallel_loop3A_265 = %broadcast_in_dim3A_232, %parallel_loop3A_266 = %broadcast_in_dim3A_232) -> (vector<16xf32>, vector<16xf32>, vector<16xf32>, vector<16xf32>, vector<16xf32>, vector<16xf32>, vector<16xf32>, vector<16xf32>)  : i32 {
          %parallel_loop3A_267 = arith.index_cast %parallel_loop3A_258 : i32 to index
          %parallel_loop3A_268 = memref.load %arg10[%parallel_loop3A_267] : memref<512xi32, #tpu.memory_space<smem>>
          %parallel_loop3A_269 = arith.index_cast %parallel_loop3A_258 : i32 to index
          %parallel_loop3A_270 = memref.load %arg11[%parallel_loop3A_269] : memref<512xi32, #tpu.memory_space<smem>>
          %parallel_loop3A_271 = arith.index_cast %parallel_loop3A_258 : i32 to index
          %parallel_loop3A_272 = memref.load %arg12[%parallel_loop3A_271] : memref<512xf32, #tpu.memory_space<smem>>
          %parallel_loop3A_273 = arith.constant 255 : i32
          %parallel_loop3A_274 = arith.andi %parallel_loop3A_268, %parallel_loop3A_273 : i32
          %parallel_loop3A_275 = arith.constant 8 : i32
          %parallel_loop3A_276 = arith.shrui %parallel_loop3A_268, %parallel_loop3A_275 : i32
          %parallel_loop3A_277 = arith.index_cast %parallel_loop3A_274 : i32 to index
          %parallel_loop3A_278 = arith.constant 0 : index
          %parallel_loop3A_279 = tpu.vector_load %arg21[%parallel_loop3A_277, %parallel_loop3A_278] {strides = array<i32>} : memref<16x128xf32, #tpu.memory_space<vmem>>, vector<16xf32>,
          %parallel_loop3A_280 = arith.index_cast %parallel_loop3A_276 : i32 to index
          %parallel_loop3A_281 = arith.constant 0 : index
          %parallel_loop3A_282 = tpu.vector_load %arg22[%parallel_loop3A_280, %parallel_loop3A_281] {strides = array<i32>} : memref<16x128xf32, #tpu.memory_space<vmem>>, vector<16xf32>,
          %parallel_loop3A_283 = arith.index_cast %parallel_loop3A_270 : i32 to index
          %parallel_loop3A_284 = arith.constant 0 : index
          %parallel_loop3A_285 = tpu.vector_load %arg23[%parallel_loop3A_283, %parallel_loop3A_284] {strides = array<i32>} : memref<34x128xf32, #tpu.memory_space<vmem>>, vector<16xf32>,
          %parallel_loop3A_286 = arith.mulf %parallel_loop3A_279, %parallel_loop3A_282 : vector<16xf32>
          %parallel_loop3A_287 = arith.mulf %parallel_loop3A_286, %parallel_loop3A_285 : vector<16xf32>
          %parallel_loop3A_288 = vector.broadcast %parallel_loop3A_272 : f32 to vector<16xf32>
          %parallel_loop3A_289 = arith.mulf %parallel_loop3A_287, %parallel_loop3A_288 : vector<16xf32>
          %parallel_loop3A_290 = arith.addf %parallel_loop3A_259, %parallel_loop3A_289 : vector<16xf32>
          %parallel_loop3A_291 = arith.index_cast %parallel_loop3A_274 : i32 to index
          %parallel_loop3A_292 = arith.constant 16 : index
          %parallel_loop3A_293 = tpu.vector_load %arg21[%parallel_loop3A_291, %parallel_loop3A_292] {strides = array<i32>} : memref<16x128xf32, #tpu.memory_space<vmem>>, vector<16xf32>,
          %parallel_loop3A_294 = arith.index_cast %parallel_loop3A_276 : i32 to index
          %parallel_loop3A_295 = arith.constant 16 : index
          %parallel_loop3A_296 = tpu.vector_load %arg22[%parallel_loop3A_294, %parallel_loop3A_295] {strides = array<i32>} : memref<16x128xf32, #tpu.memory_space<vmem>>, vector<16xf32>,
          %parallel_loop3A_297 = arith.index_cast %parallel_loop3A_270 : i32 to index
          %parallel_loop3A_298 = arith.constant 16 : index
          %parallel_loop3A_299 = tpu.vector_load %arg23[%parallel_loop3A_297, %parallel_loop3A_298] {strides = array<i32>} : memref<34x128xf32, #tpu.memory_space<vmem>>, vector<16xf32>,
          %parallel_loop3A_300 = arith.mulf %parallel_loop3A_293, %parallel_loop3A_296 : vector<16xf32>
          %parallel_loop3A_301 = arith.mulf %parallel_loop3A_300, %parallel_loop3A_299 : vector<16xf32>
          %parallel_loop3A_302 = vector.broadcast %parallel_loop3A_272 : f32 to vector<16xf32>
          %parallel_loop3A_303 = arith.mulf %parallel_loop3A_301, %parallel_loop3A_302 : vector<16xf32>
          %parallel_loop3A_304 = arith.addf %parallel_loop3A_260, %parallel_loop3A_303 : vector<16xf32>
          %parallel_loop3A_305 = arith.index_cast %parallel_loop3A_274 : i32 to index
          %parallel_loop3A_306 = arith.constant 32 : index
          %parallel_loop3A_307 = tpu.vector_load %arg21[%parallel_loop3A_305, %parallel_loop3A_306] {strides = array<i32>} : memref<16x128xf32, #tpu.memory_space<vmem>>, vector<16xf32>,
          %parallel_loop3A_308 = arith.index_cast %parallel_loop3A_276 : i32 to index
          %parallel_loop3A_309 = arith.constant 32 : index
          %parallel_loop3A_310 = tpu.vector_load %arg22[%parallel_loop3A_308, %parallel_loop3A_309] {strides = array<i32>} : memref<16x128xf32, #tpu.memory_space<vmem>>, vector<16xf32>,
          %parallel_loop3A_311 = arith.index_cast %parallel_loop3A_270 : i32 to index
          %parallel_loop3A_312 = arith.constant 32 : index
          %parallel_loop3A_313 = tpu.vector_load %arg23[%parallel_loop3A_311, %parallel_loop3A_312] {strides = array<i32>} : memref<34x128xf32, #tpu.memory_space<vmem>>, vector<16xf32>,
          %parallel_loop3A_314 = arith.mulf %parallel_loop3A_307, %parallel_loop3A_310 : vector<16xf32>
          %parallel_loop3A_315 = arith.mulf %parallel_loop3A_314, %parallel_loop3A_313 : vector<16xf32>
          %parallel_loop3A_316 = vector.broadcast %parallel_loop3A_272 : f32 to vector<16xf32>
          %parallel_loop3A_317 = arith.mulf %parallel_loop3A_315, %parallel_loop3A_316 : vector<16xf32>
          %parallel_loop3A_318 = arith.addf %parallel_loop3A_261, %parallel_loop3A_317 : vector<16xf32>
          %parallel_loop3A_319 = arith.index_cast %parallel_loop3A_274 : i32 to index
          %parallel_loop3A_320 = arith.constant 48 : index
          %parallel_loop3A_321 = tpu.vector_load %arg21[%parallel_loop3A_319, %parallel_loop3A_320] {strides = array<i32>} : memref<16x128xf32, #tpu.memory_space<vmem>>, vector<16xf32>,
          %parallel_loop3A_322 = arith.index_cast %parallel_loop3A_276 : i32 to index
          %parallel_loop3A_323 = arith.constant 48 : index
          %parallel_loop3A_324 = tpu.vector_load %arg22[%parallel_loop3A_322, %parallel_loop3A_323] {strides = array<i32>} : memref<16x128xf32, #tpu.memory_space<vmem>>, vector<16xf32>,
          %parallel_loop3A_325 = arith.index_cast %parallel_loop3A_270 : i32 to index
          %parallel_loop3A_326 = arith.constant 48 : index
          %parallel_loop3A_327 = tpu.vector_load %arg23[%parallel_loop3A_325, %parallel_loop3A_326] {strides = array<i32>} : memref<34x128xf32, #tpu.memory_space<vmem>>, vector<16xf32>,
          %parallel_loop3A_328 = arith.mulf %parallel_loop3A_321, %parallel_loop3A_324 : vector<16xf32>
          %parallel_loop3A_329 = arith.mulf %parallel_loop3A_328, %parallel_loop3A_327 : vector<16xf32>
          %parallel_loop3A_330 = vector.broadcast %parallel_loop3A_272 : f32 to vector<16xf32>
          %parallel_loop3A_331 = arith.mulf %parallel_loop3A_329, %parallel_loop3A_330 : vector<16xf32>
          %parallel_loop3A_332 = arith.addf %parallel_loop3A_262, %parallel_loop3A_331 : vector<16xf32>
          %parallel_loop3A_333 = arith.index_cast %parallel_loop3A_274 : i32 to index
          %parallel_loop3A_334 = arith.constant 64 : index
          %parallel_loop3A_335 = tpu.vector_load %arg21[%parallel_loop3A_333, %parallel_loop3A_334] {strides = array<i32>} : memref<16x128xf32, #tpu.memory_space<vmem>>, vector<16xf32>,
          %parallel_loop3A_336 = arith.index_cast %parallel_loop3A_276 : i32 to index
          %parallel_loop3A_337 = arith.constant 64 : index
          %parallel_loop3A_338 = tpu.vector_load %arg22[%parallel_loop3A_336, %parallel_loop3A_337] {strides = array<i32>} : memref<16x128xf32, #tpu.memory_space<vmem>>, vector<16xf32>,
          %parallel_loop3A_339 = arith.index_cast %parallel_loop3A_270 : i32 to index
          %parallel_loop3A_340 = arith.constant 64 : index
          %parallel_loop3A_341 = tpu.vector_load %arg23[%parallel_loop3A_339, %parallel_loop3A_340] {strides = array<i32>} : memref<34x128xf32, #tpu.memory_space<vmem>>, vector<16xf32>,
          %parallel_loop3A_342 = arith.mulf %parallel_loop3A_335, %parallel_loop3A_338 : vector<16xf32>
          %parallel_loop3A_343 = arith.mulf %parallel_loop3A_342, %parallel_loop3A_341 : vector<16xf32>
          %parallel_loop3A_344 = vector.broadcast %parallel_loop3A_272 : f32 to vector<16xf32>
          %parallel_loop3A_345 = arith.mulf %parallel_loop3A_343, %parallel_loop3A_344 : vector<16xf32>
          %parallel_loop3A_346 = arith.addf %parallel_loop3A_263, %parallel_loop3A_345 : vector<16xf32>
          %parallel_loop3A_347 = arith.index_cast %parallel_loop3A_274 : i32 to index
          %parallel_loop3A_348 = arith.constant 80 : index
          %parallel_loop3A_349 = tpu.vector_load %arg21[%parallel_loop3A_347, %parallel_loop3A_348] {strides = array<i32>} : memref<16x128xf32, #tpu.memory_space<vmem>>, vector<16xf32>,
          %parallel_loop3A_350 = arith.index_cast %parallel_loop3A_276 : i32 to index
          %parallel_loop3A_351 = arith.constant 80 : index
          %parallel_loop3A_352 = tpu.vector_load %arg22[%parallel_loop3A_350, %parallel_loop3A_351] {strides = array<i32>} : memref<16x128xf32, #tpu.memory_space<vmem>>, vector<16xf32>,
          %parallel_loop3A_353 = arith.index_cast %parallel_loop3A_270 : i32 to index
          %parallel_loop3A_354 = arith.constant 80 : index
          %parallel_loop3A_355 = tpu.vector_load %arg23[%parallel_loop3A_353, %parallel_loop3A_354] {strides = array<i32>} : memref<34x128xf32, #tpu.memory_space<vmem>>, vector<16xf32>,
          %parallel_loop3A_356 = arith.mulf %parallel_loop3A_349, %parallel_loop3A_352 : vector<16xf32>
          %parallel_loop3A_357 = arith.mulf %parallel_loop3A_356, %parallel_loop3A_355 : vector<16xf32>
          %parallel_loop3A_358 = vector.broadcast %parallel_loop3A_272 : f32 to vector<16xf32>
          %parallel_loop3A_359 = arith.mulf %parallel_loop3A_357, %parallel_loop3A_358 : vector<16xf32>
          %parallel_loop3A_360 = arith.addf %parallel_loop3A_264, %parallel_loop3A_359 : vector<16xf32>
          %parallel_loop3A_361 = arith.index_cast %parallel_loop3A_274 : i32 to index
          %parallel_loop3A_362 = arith.constant 96 : index
          %parallel_loop3A_363 = tpu.vector_load %arg21[%parallel_loop3A_361, %parallel_loop3A_362] {strides = array<i32>} : memref<16x128xf32, #tpu.memory_space<vmem>>, vector<16xf32>,
          %parallel_loop3A_364 = arith.index_cast %parallel_loop3A_276 : i32 to index
          %parallel_loop3A_365 = arith.constant 96 : index
          %parallel_loop3A_366 = tpu.vector_load %arg22[%parallel_loop3A_364, %parallel_loop3A_365] {strides = array<i32>} : memref<16x128xf32, #tpu.memory_space<vmem>>, vector<16xf32>,
          %parallel_loop3A_367 = arith.index_cast %parallel_loop3A_270 : i32 to index
          %parallel_loop3A_368 = arith.constant 96 : index
          %parallel_loop3A_369 = tpu.vector_load %arg23[%parallel_loop3A_367, %parallel_loop3A_368] {strides = array<i32>} : memref<34x128xf32, #tpu.memory_space<vmem>>, vector<16xf32>,
          %parallel_loop3A_370 = arith.mulf %parallel_loop3A_363, %parallel_loop3A_366 : vector<16xf32>
          %parallel_loop3A_371 = arith.mulf %parallel_loop3A_370, %parallel_loop3A_369 : vector<16xf32>
          %parallel_loop3A_372 = vector.broadcast %parallel_loop3A_272 : f32 to vector<16xf32>
          %parallel_loop3A_373 = arith.mulf %parallel_loop3A_371, %parallel_loop3A_372 : vector<16xf32>
          %parallel_loop3A_374 = arith.addf %parallel_loop3A_265, %parallel_loop3A_373 : vector<16xf32>
          %parallel_loop3A_375 = arith.index_cast %parallel_loop3A_274 : i32 to index
          %parallel_loop3A_376 = arith.constant 112 : index
          %parallel_loop3A_377 = tpu.vector_load %arg21[%parallel_loop3A_375, %parallel_loop3A_376] {strides = array<i32>} : memref<16x128xf32, #tpu.memory_space<vmem>>, vector<16xf32>,
          %parallel_loop3A_378 = arith.index_cast %parallel_loop3A_276 : i32 to index
          %parallel_loop3A_379 = arith.constant 112 : index
          %parallel_loop3A_380 = tpu.vector_load %arg22[%parallel_loop3A_378, %parallel_loop3A_379] {strides = array<i32>} : memref<16x128xf32, #tpu.memory_space<vmem>>, vector<16xf32>,
          %parallel_loop3A_381 = arith.index_cast %parallel_loop3A_270 : i32 to index
          %parallel_loop3A_382 = arith.constant 112 : index
          %parallel_loop3A_383 = tpu.vector_load %arg23[%parallel_loop3A_381, %parallel_loop3A_382] {strides = array<i32>} : memref<34x128xf32, #tpu.memory_space<vmem>>, vector<16xf32>,
          %parallel_loop3A_384 = arith.mulf %parallel_loop3A_377, %parallel_loop3A_380 : vector<16xf32>
          %parallel_loop3A_385 = arith.mulf %parallel_loop3A_384, %parallel_loop3A_383 : vector<16xf32>
          %parallel_loop3A_386 = vector.broadcast %parallel_loop3A_272 : f32 to vector<16xf32>
          %parallel_loop3A_387 = arith.mulf %parallel_loop3A_385, %parallel_loop3A_386 : vector<16xf32>
          %parallel_loop3A_388 = arith.addf %parallel_loop3A_266, %parallel_loop3A_387 : vector<16xf32>
          scf.yield %parallel_loop3A_290, %parallel_loop3A_304, %parallel_loop3A_318, %parallel_loop3A_332, %parallel_loop3A_346, %parallel_loop3A_360, %parallel_loop3A_374, %parallel_loop3A_388 : vector<16xf32>, vector<16xf32>, vector<16xf32>, vector<16xf32>, vector<16xf32>, vector<16xf32>, vector<16xf32>, vector<16xf32>
        } {sc.loop_unroll_factor = 2 : i64, sc.parallel_access}
        %swap3A = arith.index_cast %scan3A_226 : i32 to index
        %swap3A_235 = arith.constant 0 : index
        %swap3A_236 = tpu.vector_load %arg25[%swap3A, %swap3A_235] {strides = array<i32>} : memref<16x128xf32, #tpu.memory_space<vmem>>, vector<16xf32>,
        tpu.vector_store %arg25[%swap3A, %swap3A_235], %parallel_loop3A_234#0 {strides = array<i32>} : memref<16x128xf32, #tpu.memory_space<vmem>>, vector<16xf32>,
        %swap3A_237 = arith.index_cast %scan3A_226 : i32 to index
        %swap3A_238 = arith.constant 16 : index
        %swap3A_239 = tpu.vector_load %arg25[%swap3A_237, %swap3A_238] {strides = array<i32>} : memref<16x128xf32, #tpu.memory_space<vmem>>, vector<16xf32>,
        tpu.vector_store %arg25[%swap3A_237, %swap3A_238], %parallel_loop3A_234#1 {strides = array<i32>} : memref<16x128xf32, #tpu.memory_space<vmem>>, vector<16xf32>,
        %swap3A_240 = arith.index_cast %scan3A_226 : i32 to index
        %swap3A_241 = arith.constant 32 : index
        %swap3A_242 = tpu.vector_load %arg25[%swap3A_240, %swap3A_241] {strides = array<i32>} : memref<16x128xf32, #tpu.memory_space<vmem>>, vector<16xf32>,
        tpu.vector_store %arg25[%swap3A_240, %swap3A_241], %parallel_loop3A_234#2 {strides = array<i32>} : memref<16x128xf32, #tpu.memory_space<vmem>>, vector<16xf32>,
        %swap3A_243 = arith.index_cast %scan3A_226 : i32 to index
        %swap3A_244 = arith.constant 48 : index
        %swap3A_245 = tpu.vector_load %arg25[%swap3A_243, %swap3A_244] {strides = array<i32>} : memref<16x128xf32, #tpu.memory_space<vmem>>, vector<16xf32>,
        tpu.vector_store %arg25[%swap3A_243, %swap3A_244], %parallel_loop3A_234#3 {strides = array<i32>} : memref<16x128xf32, #tpu.memory_space<vmem>>, vector<16xf32>,
        %swap3A_246 = arith.index_cast %scan3A_226 : i32 to index
        %swap3A_247 = arith.constant 64 : index
        %swap3A_248 = tpu.vector_load %arg25[%swap3A_246, %swap3A_247] {strides = array<i32>} : memref<16x128xf32, #tpu.memory_space<vmem>>, vector<16xf32>,
        tpu.vector_store %arg25[%swap3A_246, %swap3A_247], %parallel_loop3A_234#4 {strides = array<i32>} : memref<16x128xf32, #tpu.memory_space<vmem>>, vector<16xf32>,
        %swap3A_249 = arith.index_cast %scan3A_226 : i32 to index
        %swap3A_250 = arith.constant 80 : index
        %swap3A_251 = tpu.vector_load %arg25[%swap3A_249, %swap3A_250] {strides = array<i32>} : memref<16x128xf32, #tpu.memory_space<vmem>>, vector<16xf32>,
        tpu.vector_store %arg25[%swap3A_249, %swap3A_250], %parallel_loop3A_234#5 {strides = array<i32>} : memref<16x128xf32, #tpu.memory_space<vmem>>, vector<16xf32>,
        %swap3A_252 = arith.index_cast %scan3A_226 : i32 to index
        %swap3A_253 = arith.constant 96 : index
        %swap3A_254 = tpu.vector_load %arg25[%swap3A_252, %swap3A_253] {strides = array<i32>} : memref<16x128xf32, #tpu.memory_space<vmem>>, vector<16xf32>,
        tpu.vector_store %arg25[%swap3A_252, %swap3A_253], %parallel_loop3A_234#6 {strides = array<i32>} : memref<16x128xf32, #tpu.memory_space<vmem>>, vector<16xf32>,
        %swap3A_255 = arith.index_cast %scan3A_226 : i32 to index
        %swap3A_256 = arith.constant 112 : index
        %swap3A_257 = tpu.vector_load %arg25[%swap3A_255, %swap3A_256] {strides = array<i32>} : memref<16x128xf32, #tpu.memory_space<vmem>>, vector<16xf32>,
        tpu.vector_store %arg25[%swap3A_255, %swap3A_256], %parallel_loop3A_234#7 {strides = array<i32>} : memref<16x128xf32, #tpu.memory_space<vmem>>, vector<16xf32>,
      }
      %scan3A_217 = arith.constant 16 : i32
      %dma_start3A_218 = arith.constant 0 : i32
      %dma_start3A_219 = arith.constant 0 : i32
      %dma_start3A_220 = tpu.memref_slice %arg9[%add3A_153, %dma_start3A_218, %dma_start3A_219] : memref<320x16x128xf32, #tpu.memory_space<hbm>> -> memref<1x16x128xf32, #tpu.memory_space<hbm>>
      %dma_start3A_221 = tpu.memref_squeeze %dma_start3A_220 : memref<1x16x128xf32, #tpu.memory_space<hbm>> -> memref<16x128xf32, #tpu.memory_space<hbm>>
      %dma_start3A_222 = arith.constant 0 : i32
      %dma_start3A_223 = arith.constant 0 : i32
      %dma_start3A_224 = tpu.memref_slice %arg9[%add3A_153, %dma_start3A_222, %dma_start3A_223] : memref<320x16x128xf32, #tpu.memory_space<hbm>> -> memref<1x16x128xf32, #tpu.memory_space<hbm>>
      %dma_start3A_225 = tpu.memref_squeeze %dma_start3A_224 : memref<1x16x128xf32, #tpu.memory_space<hbm>> -> memref<16x128xf32, #tpu.memory_space<hbm>>
      tpu.enqueue_dma source(%arg25 : memref<16x128xf32, #tpu.memory_space<vmem>>) target(%dma_start3A_225 : memref<16x128xf32, #tpu.memory_space<hbm>>) target_semaphore(%arg29 : memref<!tpu.dma_semaphore, #tpu.memory_space<semaphore_mem>>)
    }
    %scan3A_35 = arith.constant 5 : i32
    %dma_wait3A = arith.constant 0 : i32
    %dma_wait3A_36 = arith.constant 0 : i32
    %dma_wait3A_37 = tpu.memref_slice %arg2[%mul3A_7, %dma_wait3A, %dma_wait3A_36] : memref<320x16x128xf32, #tpu.memory_space<hbm>> -> memref<1x16x128xf32, #tpu.memory_space<hbm>>
    %dma_wait3A_38 = tpu.memref_squeeze %dma_wait3A_37 : memref<1x16x128xf32, #tpu.memory_space<hbm>> -> memref<16x128xf32, #tpu.memory_space<hbm>>
    %dma_wait3A_39 = arith.constant 0 : i32
    %dma_wait3A_40 = arith.constant 0 : i32
    %dma_wait3A_41 = tpu.memref_slice %arg2[%mul3A_7, %dma_wait3A_39, %dma_wait3A_40] : memref<320x16x128xf32, #tpu.memory_space<hbm>> -> memref<1x16x128xf32, #tpu.memory_space<hbm>>
    %dma_wait3A_42 = tpu.memref_squeeze %dma_wait3A_41 : memref<1x16x128xf32, #tpu.memory_space<hbm>> -> memref<16x128xf32, #tpu.memory_space<hbm>>
    tpu.wait_dma2 semaphore(%arg26 : memref<!tpu.dma_semaphore, #tpu.memory_space<semaphore_mem>>) src(%dma_wait3A_42 : memref<16x128xf32, #tpu.memory_space<hbm>>) dst(%arg18 : memref<16x128xf32, #tpu.memory_space<vmem>>)
    %dma_wait3A_43 = arith.constant 0 : i32
    %dma_wait3A_44 = arith.constant 0 : i32
    %dma_wait3A_45 = tpu.memref_slice %arg3[%mul3A_7, %dma_wait3A_43, %dma_wait3A_44] : memref<320x16x128xf32, #tpu.memory_space<hbm>> -> memref<1x16x128xf32, #tpu.memory_space<hbm>>
    %dma_wait3A_46 = tpu.memref_squeeze %dma_wait3A_45 : memref<1x16x128xf32, #tpu.memory_space<hbm>> -> memref<16x128xf32, #tpu.memory_space<hbm>>
    %dma_wait3A_47 = arith.constant 0 : i32
    %dma_wait3A_48 = arith.constant 0 : i32
    %dma_wait3A_49 = tpu.memref_slice %arg3[%mul3A_7, %dma_wait3A_47, %dma_wait3A_48] : memref<320x16x128xf32, #tpu.memory_space<hbm>> -> memref<1x16x128xf32, #tpu.memory_space<hbm>>
    %dma_wait3A_50 = tpu.memref_squeeze %dma_wait3A_49 : memref<1x16x128xf32, #tpu.memory_space<hbm>> -> memref<16x128xf32, #tpu.memory_space<hbm>>
    tpu.wait_dma2 semaphore(%arg26 : memref<!tpu.dma_semaphore, #tpu.memory_space<semaphore_mem>>) src(%dma_wait3A_50 : memref<16x128xf32, #tpu.memory_space<hbm>>) dst(%arg19 : memref<16x128xf32, #tpu.memory_space<vmem>>)
    %dma_wait3A_51 = arith.constant 0 : i32
    %dma_wait3A_52 = arith.constant 0 : i32
    %dma_wait3A_53 = tpu.memref_slice %arg4[%mul3A_7, %dma_wait3A_51, %dma_wait3A_52] : memref<320x34x128xf32, #tpu.memory_space<hbm>> -> memref<1x34x128xf32, #tpu.memory_space<hbm>>
    %dma_wait3A_54 = tpu.memref_squeeze %dma_wait3A_53 : memref<1x34x128xf32, #tpu.memory_space<hbm>> -> memref<34x128xf32, #tpu.memory_space<hbm>>
    %dma_wait3A_55 = arith.constant 0 : i32
    %dma_wait3A_56 = arith.constant 0 : i32
    %dma_wait3A_57 = tpu.memref_slice %arg4[%mul3A_7, %dma_wait3A_55, %dma_wait3A_56] : memref<320x34x128xf32, #tpu.memory_space<hbm>> -> memref<1x34x128xf32, #tpu.memory_space<hbm>>
    %dma_wait3A_58 = tpu.memref_squeeze %dma_wait3A_57 : memref<1x34x128xf32, #tpu.memory_space<hbm>> -> memref<34x128xf32, #tpu.memory_space<hbm>>
    tpu.wait_dma2 semaphore(%arg26 : memref<!tpu.dma_semaphore, #tpu.memory_space<semaphore_mem>>) src(%dma_wait3A_58 : memref<34x128xf32, #tpu.memory_space<hbm>>) dst(%arg20 : memref<34x128xf32, #tpu.memory_space<vmem>>)
    %dma_wait3A_59 = arith.constant 0 : i32
    %dma_wait3A_60 = arith.constant 0 : i32
    %dma_wait3A_61 = tpu.memref_slice %arg9[%mul3A_7, %dma_wait3A_59, %dma_wait3A_60] : memref<320x16x128xf32, #tpu.memory_space<hbm>> -> memref<1x16x128xf32, #tpu.memory_space<hbm>>
    %dma_wait3A_62 = tpu.memref_squeeze %dma_wait3A_61 : memref<1x16x128xf32, #tpu.memory_space<hbm>> -> memref<16x128xf32, #tpu.memory_space<hbm>>
    %dma_wait3A_63 = arith.constant 0 : i32
    %dma_wait3A_64 = arith.constant 0 : i32
    %dma_wait3A_65 = tpu.memref_slice %arg9[%mul3A_7, %dma_wait3A_63, %dma_wait3A_64] : memref<320x16x128xf32, #tpu.memory_space<hbm>> -> memref<1x16x128xf32, #tpu.memory_space<hbm>>
    %dma_wait3A_66 = tpu.memref_squeeze %dma_wait3A_65 : memref<1x16x128xf32, #tpu.memory_space<hbm>> -> memref<16x128xf32, #tpu.memory_space<hbm>>
    tpu.wait_dma2 semaphore(%arg28 : memref<!tpu.dma_semaphore, #tpu.memory_space<semaphore_mem>>) src(%arg24 : memref<16x128xf32, #tpu.memory_space<vmem>>) dst(%dma_wait3A_66 : memref<16x128xf32, #tpu.memory_space<hbm>>)
    %dma_wait3A_67 = arith.constant 0 : i32
    %dma_wait3A_68 = arith.constant 0 : i32
    %dma_wait3A_69 = tpu.memref_slice %arg9[%mul3A_7, %dma_wait3A_67, %dma_wait3A_68] : memref<320x16x128xf32, #tpu.memory_space<hbm>> -> memref<1x16x128xf32, #tpu.memory_space<hbm>>
    %dma_wait3A_70 = tpu.memref_squeeze %dma_wait3A_69 : memref<1x16x128xf32, #tpu.memory_space<hbm>> -> memref<16x128xf32, #tpu.memory_space<hbm>>
    %dma_wait3A_71 = arith.constant 0 : i32
    %dma_wait3A_72 = arith.constant 0 : i32
    %dma_wait3A_73 = tpu.memref_slice %arg9[%mul3A_7, %dma_wait3A_71, %dma_wait3A_72] : memref<320x16x128xf32, #tpu.memory_space<hbm>> -> memref<1x16x128xf32, #tpu.memory_space<hbm>>
    %dma_wait3A_74 = tpu.memref_squeeze %dma_wait3A_73 : memref<1x16x128xf32, #tpu.memory_space<hbm>> -> memref<16x128xf32, #tpu.memory_space<hbm>>
    tpu.wait_dma2 semaphore(%arg29 : memref<!tpu.dma_semaphore, #tpu.memory_space<semaphore_mem>>) src(%arg25 : memref<16x128xf32, #tpu.memory_space<vmem>>) dst(%dma_wait3A_74 : memref<16x128xf32, #tpu.memory_space<hbm>>)
    return
  }
}

module attributes {stable_mosaic.version = 14 : i64} {
  func.func @_tc_body(%arg0: i32, %arg1: memref<512xi32, #tpu.memory_space<smem>>, %arg2: memref<512xi32, #tpu.memory_space<smem>>, %arg3: memref<512xf32, #tpu.memory_space<smem>>, %arg4: memref<17xi32, #tpu.memory_space<smem>>, %arg5: memref<16x64x128xf32, #tpu.memory_space<vmem>>, %arg6: memref<16x64x128xf32, #tpu.memory_space<vmem>>, %arg7: memref<34x64x128xf32, #tpu.memory_space<vmem>>, %arg8: memref<16x64x128xf32, #tpu.memory_space<vmem>>) attributes {dimension_semantics = [#tpu.dimension_semantics<arbitrary>], iteration_bounds = array<i64: 11>, scalar_prefetch = 0 : i64, scratch_operands = 0 : i64, tpu.core_type = #tpu.core_type<tc>, window_params = [{transform_indices = @transform_0, window_bounds = array<i64: 512>}, {transform_indices = @transform_1, window_bounds = array<i64: 512>}, {transform_indices = @transform_2, window_bounds = array<i64: 512>}, {transform_indices = @transform_3, window_bounds = array<i64: 17>}, {transform_indices = @transform_4, window_bounds = array<i64: 16, 64, 128>}, {transform_indices = @transform_5, window_bounds = array<i64: 16, 64, 128>}, {transform_indices = @transform_6, window_bounds = array<i64: 34, 64, 128>}, {transform_indices = @transform_7, window_bounds = array<i64: 16, 64, 128>}]} {
    %get3A = arith.constant 0 : index
    %get3A_0 = memref.load %arg4[%get3A] : memref<17xi32, #tpu.memory_space<smem>>
    %get3A_1 = arith.constant 1 : index
    %get3A_2 = memref.load %arg4[%get3A_1] : memref<17xi32, #tpu.memory_space<smem>>
    %broadcast_in_dim3A = arith.constant 0.000000e+00 : f32
    %broadcast_in_dim3A_3 = vector.broadcast %broadcast_in_dim3A : f32 to vector<64x128xf32>
    %while3A = arith.subi %get3A_2, %get3A_0 : i32
    %while3A_4 = arith.addi %get3A_0, %while3A : i32
    %while3A_5 = arith.constant 1 : i32
    %while3A_6 = arith.divsi %while3A, %while3A_5 : i32
    %while3A_7 = arith.muli %while3A_6, %while3A_5 : i32
    %while3A_8 = arith.addi %get3A_0, %while3A_7 : i32
    %while3A_9 = arith.constant 1 : i32
    %while3A_10 = scf.for %while3A_348 = %get3A_0 to %while3A_8 step %while3A_9 iter_args(%while3A_349 = %broadcast_in_dim3A_3) -> (vector<64x128xf32>)  : i32 {
      %get3A_350 = arith.index_cast %while3A_348 : i32 to index
      %get3A_351 = memref.load %arg1[%get3A_350] : memref<512xi32, #tpu.memory_space<smem>>
      %get3A_352 = arith.index_cast %while3A_348 : i32 to index
      %get3A_353 = memref.load %arg2[%get3A_352] : memref<512xi32, #tpu.memory_space<smem>>
      %get3A_354 = arith.index_cast %while3A_348 : i32 to index
      %get3A_355 = memref.load %arg3[%get3A_354] : memref<512xf32, #tpu.memory_space<smem>>
      %and3A = arith.constant 255 : i32
      %and3A_356 = arith.andi %get3A_351, %and3A : i32
      %shift_right_logical3A = arith.constant 8 : i32
      %shift_right_logical3A_357 = arith.shrui %get3A_351, %shift_right_logical3A : i32
      %get3A_358 = arith.index_cast %and3A_356 : i32 to index
      %get3A_359 = arith.constant 0 : index
      %get3A_360 = arith.constant 0 : index
      %get3A_361 = vector.load %arg5[%get3A_358, %get3A_359, %get3A_360] : memref<16x64x128xf32, #tpu.memory_space<vmem>>, vector<1x64x128xf32>
      %get3A_362 = vector.shape_cast %get3A_361 : vector<1x64x128xf32> to vector<64x128xf32>
      %get3A_363 = arith.index_cast %shift_right_logical3A_357 : i32 to index
      %get3A_364 = arith.constant 0 : index
      %get3A_365 = arith.constant 0 : index
      %get3A_366 = vector.load %arg6[%get3A_363, %get3A_364, %get3A_365] : memref<16x64x128xf32, #tpu.memory_space<vmem>>, vector<1x64x128xf32>
      %get3A_367 = vector.shape_cast %get3A_366 : vector<1x64x128xf32> to vector<64x128xf32>
      %get3A_368 = arith.index_cast %get3A_353 : i32 to index
      %get3A_369 = arith.constant 0 : index
      %get3A_370 = arith.constant 0 : index
      %get3A_371 = vector.load %arg7[%get3A_368, %get3A_369, %get3A_370] : memref<34x64x128xf32, #tpu.memory_space<vmem>>, vector<1x64x128xf32>
      %get3A_372 = vector.shape_cast %get3A_371 : vector<1x64x128xf32> to vector<64x128xf32>
      %mul3A = arith.mulf %get3A_362, %get3A_367 : vector<64x128xf32>
      %mul3A_373 = arith.mulf %mul3A, %get3A_372 : vector<64x128xf32>
      %mul3A_374 = vector.broadcast %get3A_355 : f32 to vector<64x128xf32>
      %mul3A_375 = arith.mulf %mul3A_373, %mul3A_374 : vector<64x128xf32>
      %add3A = arith.addf %while3A_349, %mul3A_375 : vector<64x128xf32>
      scf.yield %add3A : vector<64x128xf32>
    }
    %while3A_11 = arith.constant 1 : i32
    %while3A_12 = scf.for %while3A_348 = %while3A_8 to %while3A_4 step %while3A_11 iter_args(%while3A_349 = %while3A_10) -> (vector<64x128xf32>)  : i32 {
      %get3A_350 = arith.index_cast %while3A_348 : i32 to index
      %get3A_351 = memref.load %arg1[%get3A_350] : memref<512xi32, #tpu.memory_space<smem>>
      %get3A_352 = arith.index_cast %while3A_348 : i32 to index
      %get3A_353 = memref.load %arg2[%get3A_352] : memref<512xi32, #tpu.memory_space<smem>>
      %get3A_354 = arith.index_cast %while3A_348 : i32 to index
      %get3A_355 = memref.load %arg3[%get3A_354] : memref<512xf32, #tpu.memory_space<smem>>
      %and3A = arith.constant 255 : i32
      %and3A_356 = arith.andi %get3A_351, %and3A : i32
      %shift_right_logical3A = arith.constant 8 : i32
      %shift_right_logical3A_357 = arith.shrui %get3A_351, %shift_right_logical3A : i32
      %get3A_358 = arith.index_cast %and3A_356 : i32 to index
      %get3A_359 = arith.constant 0 : index
      %get3A_360 = arith.constant 0 : index
      %get3A_361 = vector.load %arg5[%get3A_358, %get3A_359, %get3A_360] : memref<16x64x128xf32, #tpu.memory_space<vmem>>, vector<1x64x128xf32>
      %get3A_362 = vector.shape_cast %get3A_361 : vector<1x64x128xf32> to vector<64x128xf32>
      %get3A_363 = arith.index_cast %shift_right_logical3A_357 : i32 to index
      %get3A_364 = arith.constant 0 : index
      %get3A_365 = arith.constant 0 : index
      %get3A_366 = vector.load %arg6[%get3A_363, %get3A_364, %get3A_365] : memref<16x64x128xf32, #tpu.memory_space<vmem>>, vector<1x64x128xf32>
      %get3A_367 = vector.shape_cast %get3A_366 : vector<1x64x128xf32> to vector<64x128xf32>
      %get3A_368 = arith.index_cast %get3A_353 : i32 to index
      %get3A_369 = arith.constant 0 : index
      %get3A_370 = arith.constant 0 : index
      %get3A_371 = vector.load %arg7[%get3A_368, %get3A_369, %get3A_370] : memref<34x64x128xf32, #tpu.memory_space<vmem>>, vector<1x64x128xf32>
      %get3A_372 = vector.shape_cast %get3A_371 : vector<1x64x128xf32> to vector<64x128xf32>
      %mul3A = arith.mulf %get3A_362, %get3A_367 : vector<64x128xf32>
      %mul3A_373 = arith.mulf %mul3A, %get3A_372 : vector<64x128xf32>
      %mul3A_374 = vector.broadcast %get3A_355 : f32 to vector<64x128xf32>
      %mul3A_375 = arith.mulf %mul3A_373, %mul3A_374 : vector<64x128xf32>
      %add3A = arith.addf %while3A_349, %mul3A_375 : vector<64x128xf32>
      scf.yield %add3A : vector<64x128xf32>
    }
    %swap3A = arith.constant 0 : index
    %swap3A_13 = arith.constant 0 : index
    %swap3A_14 = arith.constant 0 : index
    %swap3A_15 = vector.load %arg8[%swap3A, %swap3A_13, %swap3A_14] : memref<16x64x128xf32, #tpu.memory_space<vmem>>, vector<1x64x128xf32>
    %swap3A_16 = vector.shape_cast %swap3A_15 : vector<1x64x128xf32> to vector<64x128xf32>
    %swap3A_17 = vector.shape_cast %while3A_12 : vector<64x128xf32> to vector<1x64x128xf32>
    tpu.vector_store %arg8[%swap3A, %swap3A_13, %swap3A_14], %swap3A_17 {strides = array<i32>} : memref<16x64x128xf32, #tpu.memory_space<vmem>>, vector<1x64x128xf32>,
    %get3A_18 = arith.constant 1 : index
    %get3A_19 = memref.load %arg4[%get3A_18] : memref<17xi32, #tpu.memory_space<smem>>
    %get3A_20 = arith.constant 2 : index
    %get3A_21 = memref.load %arg4[%get3A_20] : memref<17xi32, #tpu.memory_space<smem>>
    %broadcast_in_dim3A_22 = arith.constant 0.000000e+00 : f32
    %broadcast_in_dim3A_23 = vector.broadcast %broadcast_in_dim3A_22 : f32 to vector<64x128xf32>
    %while3A_24 = arith.subi %get3A_21, %get3A_19 : i32
    %while3A_25 = arith.addi %get3A_19, %while3A_24 : i32
    %while3A_26 = arith.constant 1 : i32
    %while3A_27 = arith.divsi %while3A_24, %while3A_26 : i32
    %while3A_28 = arith.muli %while3A_27, %while3A_26 : i32
    %while3A_29 = arith.addi %get3A_19, %while3A_28 : i32
    %while3A_30 = arith.constant 1 : i32
    %while3A_31 = scf.for %while3A_348 = %get3A_19 to %while3A_29 step %while3A_30 iter_args(%while3A_349 = %broadcast_in_dim3A_23) -> (vector<64x128xf32>)  : i32 {
      %get3A_350 = arith.index_cast %while3A_348 : i32 to index
      %get3A_351 = memref.load %arg1[%get3A_350] : memref<512xi32, #tpu.memory_space<smem>>
      %get3A_352 = arith.index_cast %while3A_348 : i32 to index
      %get3A_353 = memref.load %arg2[%get3A_352] : memref<512xi32, #tpu.memory_space<smem>>
      %get3A_354 = arith.index_cast %while3A_348 : i32 to index
      %get3A_355 = memref.load %arg3[%get3A_354] : memref<512xf32, #tpu.memory_space<smem>>
      %and3A = arith.constant 255 : i32
      %and3A_356 = arith.andi %get3A_351, %and3A : i32
      %shift_right_logical3A = arith.constant 8 : i32
      %shift_right_logical3A_357 = arith.shrui %get3A_351, %shift_right_logical3A : i32
      %get3A_358 = arith.index_cast %and3A_356 : i32 to index
      %get3A_359 = arith.constant 0 : index
      %get3A_360 = arith.constant 0 : index
      %get3A_361 = vector.load %arg5[%get3A_358, %get3A_359, %get3A_360] : memref<16x64x128xf32, #tpu.memory_space<vmem>>, vector<1x64x128xf32>
      %get3A_362 = vector.shape_cast %get3A_361 : vector<1x64x128xf32> to vector<64x128xf32>
      %get3A_363 = arith.index_cast %shift_right_logical3A_357 : i32 to index
      %get3A_364 = arith.constant 0 : index
      %get3A_365 = arith.constant 0 : index
      %get3A_366 = vector.load %arg6[%get3A_363, %get3A_364, %get3A_365] : memref<16x64x128xf32, #tpu.memory_space<vmem>>, vector<1x64x128xf32>
      %get3A_367 = vector.shape_cast %get3A_366 : vector<1x64x128xf32> to vector<64x128xf32>
      %get3A_368 = arith.index_cast %get3A_353 : i32 to index
      %get3A_369 = arith.constant 0 : index
      %get3A_370 = arith.constant 0 : index
      %get3A_371 = vector.load %arg7[%get3A_368, %get3A_369, %get3A_370] : memref<34x64x128xf32, #tpu.memory_space<vmem>>, vector<1x64x128xf32>
      %get3A_372 = vector.shape_cast %get3A_371 : vector<1x64x128xf32> to vector<64x128xf32>
      %mul3A = arith.mulf %get3A_362, %get3A_367 : vector<64x128xf32>
      %mul3A_373 = arith.mulf %mul3A, %get3A_372 : vector<64x128xf32>
      %mul3A_374 = vector.broadcast %get3A_355 : f32 to vector<64x128xf32>
      %mul3A_375 = arith.mulf %mul3A_373, %mul3A_374 : vector<64x128xf32>
      %add3A = arith.addf %while3A_349, %mul3A_375 : vector<64x128xf32>
      scf.yield %add3A : vector<64x128xf32>
    }
    %while3A_32 = arith.constant 1 : i32
    %while3A_33 = scf.for %while3A_348 = %while3A_29 to %while3A_25 step %while3A_32 iter_args(%while3A_349 = %while3A_31) -> (vector<64x128xf32>)  : i32 {
      %get3A_350 = arith.index_cast %while3A_348 : i32 to index
      %get3A_351 = memref.load %arg1[%get3A_350] : memref<512xi32, #tpu.memory_space<smem>>
      %get3A_352 = arith.index_cast %while3A_348 : i32 to index
      %get3A_353 = memref.load %arg2[%get3A_352] : memref<512xi32, #tpu.memory_space<smem>>
      %get3A_354 = arith.index_cast %while3A_348 : i32 to index
      %get3A_355 = memref.load %arg3[%get3A_354] : memref<512xf32, #tpu.memory_space<smem>>
      %and3A = arith.constant 255 : i32
      %and3A_356 = arith.andi %get3A_351, %and3A : i32
      %shift_right_logical3A = arith.constant 8 : i32
      %shift_right_logical3A_357 = arith.shrui %get3A_351, %shift_right_logical3A : i32
      %get3A_358 = arith.index_cast %and3A_356 : i32 to index
      %get3A_359 = arith.constant 0 : index
      %get3A_360 = arith.constant 0 : index
      %get3A_361 = vector.load %arg5[%get3A_358, %get3A_359, %get3A_360] : memref<16x64x128xf32, #tpu.memory_space<vmem>>, vector<1x64x128xf32>
      %get3A_362 = vector.shape_cast %get3A_361 : vector<1x64x128xf32> to vector<64x128xf32>
      %get3A_363 = arith.index_cast %shift_right_logical3A_357 : i32 to index
      %get3A_364 = arith.constant 0 : index
      %get3A_365 = arith.constant 0 : index
      %get3A_366 = vector.load %arg6[%get3A_363, %get3A_364, %get3A_365] : memref<16x64x128xf32, #tpu.memory_space<vmem>>, vector<1x64x128xf32>
      %get3A_367 = vector.shape_cast %get3A_366 : vector<1x64x128xf32> to vector<64x128xf32>
      %get3A_368 = arith.index_cast %get3A_353 : i32 to index
      %get3A_369 = arith.constant 0 : index
      %get3A_370 = arith.constant 0 : index
      %get3A_371 = vector.load %arg7[%get3A_368, %get3A_369, %get3A_370] : memref<34x64x128xf32, #tpu.memory_space<vmem>>, vector<1x64x128xf32>
      %get3A_372 = vector.shape_cast %get3A_371 : vector<1x64x128xf32> to vector<64x128xf32>
      %mul3A = arith.mulf %get3A_362, %get3A_367 : vector<64x128xf32>
      %mul3A_373 = arith.mulf %mul3A, %get3A_372 : vector<64x128xf32>
      %mul3A_374 = vector.broadcast %get3A_355 : f32 to vector<64x128xf32>
      %mul3A_375 = arith.mulf %mul3A_373, %mul3A_374 : vector<64x128xf32>
      %add3A = arith.addf %while3A_349, %mul3A_375 : vector<64x128xf32>
      scf.yield %add3A : vector<64x128xf32>
    }
    %swap3A_34 = arith.constant 1 : index
    %swap3A_35 = arith.constant 0 : index
    %swap3A_36 = arith.constant 0 : index
    %swap3A_37 = vector.load %arg8[%swap3A_34, %swap3A_35, %swap3A_36] : memref<16x64x128xf32, #tpu.memory_space<vmem>>, vector<1x64x128xf32>
    %swap3A_38 = vector.shape_cast %swap3A_37 : vector<1x64x128xf32> to vector<64x128xf32>
    %swap3A_39 = vector.shape_cast %while3A_33 : vector<64x128xf32> to vector<1x64x128xf32>
    tpu.vector_store %arg8[%swap3A_34, %swap3A_35, %swap3A_36], %swap3A_39 {strides = array<i32>} : memref<16x64x128xf32, #tpu.memory_space<vmem>>, vector<1x64x128xf32>,
    %get3A_40 = arith.constant 2 : index
    %get3A_41 = memref.load %arg4[%get3A_40] : memref<17xi32, #tpu.memory_space<smem>>
    %get3A_42 = arith.constant 3 : index
    %get3A_43 = memref.load %arg4[%get3A_42] : memref<17xi32, #tpu.memory_space<smem>>
    %broadcast_in_dim3A_44 = arith.constant 0.000000e+00 : f32
    %broadcast_in_dim3A_45 = vector.broadcast %broadcast_in_dim3A_44 : f32 to vector<64x128xf32>
    %while3A_46 = arith.subi %get3A_43, %get3A_41 : i32
    %while3A_47 = arith.addi %get3A_41, %while3A_46 : i32
    %while3A_48 = arith.constant 1 : i32
    %while3A_49 = arith.divsi %while3A_46, %while3A_48 : i32
    %while3A_50 = arith.muli %while3A_49, %while3A_48 : i32
    %while3A_51 = arith.addi %get3A_41, %while3A_50 : i32
    %while3A_52 = arith.constant 1 : i32
    %while3A_53 = scf.for %while3A_348 = %get3A_41 to %while3A_51 step %while3A_52 iter_args(%while3A_349 = %broadcast_in_dim3A_45) -> (vector<64x128xf32>)  : i32 {
      %get3A_350 = arith.index_cast %while3A_348 : i32 to index
      %get3A_351 = memref.load %arg1[%get3A_350] : memref<512xi32, #tpu.memory_space<smem>>
      %get3A_352 = arith.index_cast %while3A_348 : i32 to index
      %get3A_353 = memref.load %arg2[%get3A_352] : memref<512xi32, #tpu.memory_space<smem>>
      %get3A_354 = arith.index_cast %while3A_348 : i32 to index
      %get3A_355 = memref.load %arg3[%get3A_354] : memref<512xf32, #tpu.memory_space<smem>>
      %and3A = arith.constant 255 : i32
      %and3A_356 = arith.andi %get3A_351, %and3A : i32
      %shift_right_logical3A = arith.constant 8 : i32
      %shift_right_logical3A_357 = arith.shrui %get3A_351, %shift_right_logical3A : i32
      %get3A_358 = arith.index_cast %and3A_356 : i32 to index
      %get3A_359 = arith.constant 0 : index
      %get3A_360 = arith.constant 0 : index
      %get3A_361 = vector.load %arg5[%get3A_358, %get3A_359, %get3A_360] : memref<16x64x128xf32, #tpu.memory_space<vmem>>, vector<1x64x128xf32>
      %get3A_362 = vector.shape_cast %get3A_361 : vector<1x64x128xf32> to vector<64x128xf32>
      %get3A_363 = arith.index_cast %shift_right_logical3A_357 : i32 to index
      %get3A_364 = arith.constant 0 : index
      %get3A_365 = arith.constant 0 : index
      %get3A_366 = vector.load %arg6[%get3A_363, %get3A_364, %get3A_365] : memref<16x64x128xf32, #tpu.memory_space<vmem>>, vector<1x64x128xf32>
      %get3A_367 = vector.shape_cast %get3A_366 : vector<1x64x128xf32> to vector<64x128xf32>
      %get3A_368 = arith.index_cast %get3A_353 : i32 to index
      %get3A_369 = arith.constant 0 : index
      %get3A_370 = arith.constant 0 : index
      %get3A_371 = vector.load %arg7[%get3A_368, %get3A_369, %get3A_370] : memref<34x64x128xf32, #tpu.memory_space<vmem>>, vector<1x64x128xf32>
      %get3A_372 = vector.shape_cast %get3A_371 : vector<1x64x128xf32> to vector<64x128xf32>
      %mul3A = arith.mulf %get3A_362, %get3A_367 : vector<64x128xf32>
      %mul3A_373 = arith.mulf %mul3A, %get3A_372 : vector<64x128xf32>
      %mul3A_374 = vector.broadcast %get3A_355 : f32 to vector<64x128xf32>
      %mul3A_375 = arith.mulf %mul3A_373, %mul3A_374 : vector<64x128xf32>
      %add3A = arith.addf %while3A_349, %mul3A_375 : vector<64x128xf32>
      scf.yield %add3A : vector<64x128xf32>
    }
    %while3A_54 = arith.constant 1 : i32
    %while3A_55 = scf.for %while3A_348 = %while3A_51 to %while3A_47 step %while3A_54 iter_args(%while3A_349 = %while3A_53) -> (vector<64x128xf32>)  : i32 {
      %get3A_350 = arith.index_cast %while3A_348 : i32 to index
      %get3A_351 = memref.load %arg1[%get3A_350] : memref<512xi32, #tpu.memory_space<smem>>
      %get3A_352 = arith.index_cast %while3A_348 : i32 to index
      %get3A_353 = memref.load %arg2[%get3A_352] : memref<512xi32, #tpu.memory_space<smem>>
      %get3A_354 = arith.index_cast %while3A_348 : i32 to index
      %get3A_355 = memref.load %arg3[%get3A_354] : memref<512xf32, #tpu.memory_space<smem>>
      %and3A = arith.constant 255 : i32
      %and3A_356 = arith.andi %get3A_351, %and3A : i32
      %shift_right_logical3A = arith.constant 8 : i32
      %shift_right_logical3A_357 = arith.shrui %get3A_351, %shift_right_logical3A : i32
      %get3A_358 = arith.index_cast %and3A_356 : i32 to index
      %get3A_359 = arith.constant 0 : index
      %get3A_360 = arith.constant 0 : index
      %get3A_361 = vector.load %arg5[%get3A_358, %get3A_359, %get3A_360] : memref<16x64x128xf32, #tpu.memory_space<vmem>>, vector<1x64x128xf32>
      %get3A_362 = vector.shape_cast %get3A_361 : vector<1x64x128xf32> to vector<64x128xf32>
      %get3A_363 = arith.index_cast %shift_right_logical3A_357 : i32 to index
      %get3A_364 = arith.constant 0 : index
      %get3A_365 = arith.constant 0 : index
      %get3A_366 = vector.load %arg6[%get3A_363, %get3A_364, %get3A_365] : memref<16x64x128xf32, #tpu.memory_space<vmem>>, vector<1x64x128xf32>
      %get3A_367 = vector.shape_cast %get3A_366 : vector<1x64x128xf32> to vector<64x128xf32>
      %get3A_368 = arith.index_cast %get3A_353 : i32 to index
      %get3A_369 = arith.constant 0 : index
      %get3A_370 = arith.constant 0 : index
      %get3A_371 = vector.load %arg7[%get3A_368, %get3A_369, %get3A_370] : memref<34x64x128xf32, #tpu.memory_space<vmem>>, vector<1x64x128xf32>
      %get3A_372 = vector.shape_cast %get3A_371 : vector<1x64x128xf32> to vector<64x128xf32>
      %mul3A = arith.mulf %get3A_362, %get3A_367 : vector<64x128xf32>
      %mul3A_373 = arith.mulf %mul3A, %get3A_372 : vector<64x128xf32>
      %mul3A_374 = vector.broadcast %get3A_355 : f32 to vector<64x128xf32>
      %mul3A_375 = arith.mulf %mul3A_373, %mul3A_374 : vector<64x128xf32>
      %add3A = arith.addf %while3A_349, %mul3A_375 : vector<64x128xf32>
      scf.yield %add3A : vector<64x128xf32>
    }
    %swap3A_56 = arith.constant 2 : index
    %swap3A_57 = arith.constant 0 : index
    %swap3A_58 = arith.constant 0 : index
    %swap3A_59 = vector.load %arg8[%swap3A_56, %swap3A_57, %swap3A_58] : memref<16x64x128xf32, #tpu.memory_space<vmem>>, vector<1x64x128xf32>
    %swap3A_60 = vector.shape_cast %swap3A_59 : vector<1x64x128xf32> to vector<64x128xf32>
    %swap3A_61 = vector.shape_cast %while3A_55 : vector<64x128xf32> to vector<1x64x128xf32>
    tpu.vector_store %arg8[%swap3A_56, %swap3A_57, %swap3A_58], %swap3A_61 {strides = array<i32>} : memref<16x64x128xf32, #tpu.memory_space<vmem>>, vector<1x64x128xf32>,
    %get3A_62 = arith.constant 3 : index
    %get3A_63 = memref.load %arg4[%get3A_62] : memref<17xi32, #tpu.memory_space<smem>>
    %get3A_64 = arith.constant 4 : index
    %get3A_65 = memref.load %arg4[%get3A_64] : memref<17xi32, #tpu.memory_space<smem>>
    %broadcast_in_dim3A_66 = arith.constant 0.000000e+00 : f32
    %broadcast_in_dim3A_67 = vector.broadcast %broadcast_in_dim3A_66 : f32 to vector<64x128xf32>
    %while3A_68 = arith.subi %get3A_65, %get3A_63 : i32
    %while3A_69 = arith.addi %get3A_63, %while3A_68 : i32
    %while3A_70 = arith.constant 1 : i32
    %while3A_71 = arith.divsi %while3A_68, %while3A_70 : i32
    %while3A_72 = arith.muli %while3A_71, %while3A_70 : i32
    %while3A_73 = arith.addi %get3A_63, %while3A_72 : i32
    %while3A_74 = arith.constant 1 : i32
    %while3A_75 = scf.for %while3A_348 = %get3A_63 to %while3A_73 step %while3A_74 iter_args(%while3A_349 = %broadcast_in_dim3A_67) -> (vector<64x128xf32>)  : i32 {
      %get3A_350 = arith.index_cast %while3A_348 : i32 to index
      %get3A_351 = memref.load %arg1[%get3A_350] : memref<512xi32, #tpu.memory_space<smem>>
      %get3A_352 = arith.index_cast %while3A_348 : i32 to index
      %get3A_353 = memref.load %arg2[%get3A_352] : memref<512xi32, #tpu.memory_space<smem>>
      %get3A_354 = arith.index_cast %while3A_348 : i32 to index
      %get3A_355 = memref.load %arg3[%get3A_354] : memref<512xf32, #tpu.memory_space<smem>>
      %and3A = arith.constant 255 : i32
      %and3A_356 = arith.andi %get3A_351, %and3A : i32
      %shift_right_logical3A = arith.constant 8 : i32
      %shift_right_logical3A_357 = arith.shrui %get3A_351, %shift_right_logical3A : i32
      %get3A_358 = arith.index_cast %and3A_356 : i32 to index
      %get3A_359 = arith.constant 0 : index
      %get3A_360 = arith.constant 0 : index
      %get3A_361 = vector.load %arg5[%get3A_358, %get3A_359, %get3A_360] : memref<16x64x128xf32, #tpu.memory_space<vmem>>, vector<1x64x128xf32>
      %get3A_362 = vector.shape_cast %get3A_361 : vector<1x64x128xf32> to vector<64x128xf32>
      %get3A_363 = arith.index_cast %shift_right_logical3A_357 : i32 to index
      %get3A_364 = arith.constant 0 : index
      %get3A_365 = arith.constant 0 : index
      %get3A_366 = vector.load %arg6[%get3A_363, %get3A_364, %get3A_365] : memref<16x64x128xf32, #tpu.memory_space<vmem>>, vector<1x64x128xf32>
      %get3A_367 = vector.shape_cast %get3A_366 : vector<1x64x128xf32> to vector<64x128xf32>
      %get3A_368 = arith.index_cast %get3A_353 : i32 to index
      %get3A_369 = arith.constant 0 : index
      %get3A_370 = arith.constant 0 : index
      %get3A_371 = vector.load %arg7[%get3A_368, %get3A_369, %get3A_370] : memref<34x64x128xf32, #tpu.memory_space<vmem>>, vector<1x64x128xf32>
      %get3A_372 = vector.shape_cast %get3A_371 : vector<1x64x128xf32> to vector<64x128xf32>
      %mul3A = arith.mulf %get3A_362, %get3A_367 : vector<64x128xf32>
      %mul3A_373 = arith.mulf %mul3A, %get3A_372 : vector<64x128xf32>
      %mul3A_374 = vector.broadcast %get3A_355 : f32 to vector<64x128xf32>
      %mul3A_375 = arith.mulf %mul3A_373, %mul3A_374 : vector<64x128xf32>
      %add3A = arith.addf %while3A_349, %mul3A_375 : vector<64x128xf32>
      scf.yield %add3A : vector<64x128xf32>
    }
    %while3A_76 = arith.constant 1 : i32
    %while3A_77 = scf.for %while3A_348 = %while3A_73 to %while3A_69 step %while3A_76 iter_args(%while3A_349 = %while3A_75) -> (vector<64x128xf32>)  : i32 {
      %get3A_350 = arith.index_cast %while3A_348 : i32 to index
      %get3A_351 = memref.load %arg1[%get3A_350] : memref<512xi32, #tpu.memory_space<smem>>
      %get3A_352 = arith.index_cast %while3A_348 : i32 to index
      %get3A_353 = memref.load %arg2[%get3A_352] : memref<512xi32, #tpu.memory_space<smem>>
      %get3A_354 = arith.index_cast %while3A_348 : i32 to index
      %get3A_355 = memref.load %arg3[%get3A_354] : memref<512xf32, #tpu.memory_space<smem>>
      %and3A = arith.constant 255 : i32
      %and3A_356 = arith.andi %get3A_351, %and3A : i32
      %shift_right_logical3A = arith.constant 8 : i32
      %shift_right_logical3A_357 = arith.shrui %get3A_351, %shift_right_logical3A : i32
      %get3A_358 = arith.index_cast %and3A_356 : i32 to index
      %get3A_359 = arith.constant 0 : index
      %get3A_360 = arith.constant 0 : index
      %get3A_361 = vector.load %arg5[%get3A_358, %get3A_359, %get3A_360] : memref<16x64x128xf32, #tpu.memory_space<vmem>>, vector<1x64x128xf32>
      %get3A_362 = vector.shape_cast %get3A_361 : vector<1x64x128xf32> to vector<64x128xf32>
      %get3A_363 = arith.index_cast %shift_right_logical3A_357 : i32 to index
      %get3A_364 = arith.constant 0 : index
      %get3A_365 = arith.constant 0 : index
      %get3A_366 = vector.load %arg6[%get3A_363, %get3A_364, %get3A_365] : memref<16x64x128xf32, #tpu.memory_space<vmem>>, vector<1x64x128xf32>
      %get3A_367 = vector.shape_cast %get3A_366 : vector<1x64x128xf32> to vector<64x128xf32>
      %get3A_368 = arith.index_cast %get3A_353 : i32 to index
      %get3A_369 = arith.constant 0 : index
      %get3A_370 = arith.constant 0 : index
      %get3A_371 = vector.load %arg7[%get3A_368, %get3A_369, %get3A_370] : memref<34x64x128xf32, #tpu.memory_space<vmem>>, vector<1x64x128xf32>
      %get3A_372 = vector.shape_cast %get3A_371 : vector<1x64x128xf32> to vector<64x128xf32>
      %mul3A = arith.mulf %get3A_362, %get3A_367 : vector<64x128xf32>
      %mul3A_373 = arith.mulf %mul3A, %get3A_372 : vector<64x128xf32>
      %mul3A_374 = vector.broadcast %get3A_355 : f32 to vector<64x128xf32>
      %mul3A_375 = arith.mulf %mul3A_373, %mul3A_374 : vector<64x128xf32>
      %add3A = arith.addf %while3A_349, %mul3A_375 : vector<64x128xf32>
      scf.yield %add3A : vector<64x128xf32>
    }
    %swap3A_78 = arith.constant 3 : index
    %swap3A_79 = arith.constant 0 : index
    %swap3A_80 = arith.constant 0 : index
    %swap3A_81 = vector.load %arg8[%swap3A_78, %swap3A_79, %swap3A_80] : memref<16x64x128xf32, #tpu.memory_space<vmem>>, vector<1x64x128xf32>
    %swap3A_82 = vector.shape_cast %swap3A_81 : vector<1x64x128xf32> to vector<64x128xf32>
    %swap3A_83 = vector.shape_cast %while3A_77 : vector<64x128xf32> to vector<1x64x128xf32>
    tpu.vector_store %arg8[%swap3A_78, %swap3A_79, %swap3A_80], %swap3A_83 {strides = array<i32>} : memref<16x64x128xf32, #tpu.memory_space<vmem>>, vector<1x64x128xf32>,
    %get3A_84 = arith.constant 4 : index
    %get3A_85 = memref.load %arg4[%get3A_84] : memref<17xi32, #tpu.memory_space<smem>>
    %get3A_86 = arith.constant 5 : index
    %get3A_87 = memref.load %arg4[%get3A_86] : memref<17xi32, #tpu.memory_space<smem>>
    %broadcast_in_dim3A_88 = arith.constant 0.000000e+00 : f32
    %broadcast_in_dim3A_89 = vector.broadcast %broadcast_in_dim3A_88 : f32 to vector<64x128xf32>
    %while3A_90 = arith.subi %get3A_87, %get3A_85 : i32
    %while3A_91 = arith.addi %get3A_85, %while3A_90 : i32
    %while3A_92 = arith.constant 1 : i32
    %while3A_93 = arith.divsi %while3A_90, %while3A_92 : i32
    %while3A_94 = arith.muli %while3A_93, %while3A_92 : i32
    %while3A_95 = arith.addi %get3A_85, %while3A_94 : i32
    %while3A_96 = arith.constant 1 : i32
    %while3A_97 = scf.for %while3A_348 = %get3A_85 to %while3A_95 step %while3A_96 iter_args(%while3A_349 = %broadcast_in_dim3A_89) -> (vector<64x128xf32>)  : i32 {
      %get3A_350 = arith.index_cast %while3A_348 : i32 to index
      %get3A_351 = memref.load %arg1[%get3A_350] : memref<512xi32, #tpu.memory_space<smem>>
      %get3A_352 = arith.index_cast %while3A_348 : i32 to index
      %get3A_353 = memref.load %arg2[%get3A_352] : memref<512xi32, #tpu.memory_space<smem>>
      %get3A_354 = arith.index_cast %while3A_348 : i32 to index
      %get3A_355 = memref.load %arg3[%get3A_354] : memref<512xf32, #tpu.memory_space<smem>>
      %and3A = arith.constant 255 : i32
      %and3A_356 = arith.andi %get3A_351, %and3A : i32
      %shift_right_logical3A = arith.constant 8 : i32
      %shift_right_logical3A_357 = arith.shrui %get3A_351, %shift_right_logical3A : i32
      %get3A_358 = arith.index_cast %and3A_356 : i32 to index
      %get3A_359 = arith.constant 0 : index
      %get3A_360 = arith.constant 0 : index
      %get3A_361 = vector.load %arg5[%get3A_358, %get3A_359, %get3A_360] : memref<16x64x128xf32, #tpu.memory_space<vmem>>, vector<1x64x128xf32>
      %get3A_362 = vector.shape_cast %get3A_361 : vector<1x64x128xf32> to vector<64x128xf32>
      %get3A_363 = arith.index_cast %shift_right_logical3A_357 : i32 to index
      %get3A_364 = arith.constant 0 : index
      %get3A_365 = arith.constant 0 : index
      %get3A_366 = vector.load %arg6[%get3A_363, %get3A_364, %get3A_365] : memref<16x64x128xf32, #tpu.memory_space<vmem>>, vector<1x64x128xf32>
      %get3A_367 = vector.shape_cast %get3A_366 : vector<1x64x128xf32> to vector<64x128xf32>
      %get3A_368 = arith.index_cast %get3A_353 : i32 to index
      %get3A_369 = arith.constant 0 : index
      %get3A_370 = arith.constant 0 : index
      %get3A_371 = vector.load %arg7[%get3A_368, %get3A_369, %get3A_370] : memref<34x64x128xf32, #tpu.memory_space<vmem>>, vector<1x64x128xf32>
      %get3A_372 = vector.shape_cast %get3A_371 : vector<1x64x128xf32> to vector<64x128xf32>
      %mul3A = arith.mulf %get3A_362, %get3A_367 : vector<64x128xf32>
      %mul3A_373 = arith.mulf %mul3A, %get3A_372 : vector<64x128xf32>
      %mul3A_374 = vector.broadcast %get3A_355 : f32 to vector<64x128xf32>
      %mul3A_375 = arith.mulf %mul3A_373, %mul3A_374 : vector<64x128xf32>
      %add3A = arith.addf %while3A_349, %mul3A_375 : vector<64x128xf32>
      scf.yield %add3A : vector<64x128xf32>
    }
    %while3A_98 = arith.constant 1 : i32
    %while3A_99 = scf.for %while3A_348 = %while3A_95 to %while3A_91 step %while3A_98 iter_args(%while3A_349 = %while3A_97) -> (vector<64x128xf32>)  : i32 {
      %get3A_350 = arith.index_cast %while3A_348 : i32 to index
      %get3A_351 = memref.load %arg1[%get3A_350] : memref<512xi32, #tpu.memory_space<smem>>
      %get3A_352 = arith.index_cast %while3A_348 : i32 to index
      %get3A_353 = memref.load %arg2[%get3A_352] : memref<512xi32, #tpu.memory_space<smem>>
      %get3A_354 = arith.index_cast %while3A_348 : i32 to index
      %get3A_355 = memref.load %arg3[%get3A_354] : memref<512xf32, #tpu.memory_space<smem>>
      %and3A = arith.constant 255 : i32
      %and3A_356 = arith.andi %get3A_351, %and3A : i32
      %shift_right_logical3A = arith.constant 8 : i32
      %shift_right_logical3A_357 = arith.shrui %get3A_351, %shift_right_logical3A : i32
      %get3A_358 = arith.index_cast %and3A_356 : i32 to index
      %get3A_359 = arith.constant 0 : index
      %get3A_360 = arith.constant 0 : index
      %get3A_361 = vector.load %arg5[%get3A_358, %get3A_359, %get3A_360] : memref<16x64x128xf32, #tpu.memory_space<vmem>>, vector<1x64x128xf32>
      %get3A_362 = vector.shape_cast %get3A_361 : vector<1x64x128xf32> to vector<64x128xf32>
      %get3A_363 = arith.index_cast %shift_right_logical3A_357 : i32 to index
      %get3A_364 = arith.constant 0 : index
      %get3A_365 = arith.constant 0 : index
      %get3A_366 = vector.load %arg6[%get3A_363, %get3A_364, %get3A_365] : memref<16x64x128xf32, #tpu.memory_space<vmem>>, vector<1x64x128xf32>
      %get3A_367 = vector.shape_cast %get3A_366 : vector<1x64x128xf32> to vector<64x128xf32>
      %get3A_368 = arith.index_cast %get3A_353 : i32 to index
      %get3A_369 = arith.constant 0 : index
      %get3A_370 = arith.constant 0 : index
      %get3A_371 = vector.load %arg7[%get3A_368, %get3A_369, %get3A_370] : memref<34x64x128xf32, #tpu.memory_space<vmem>>, vector<1x64x128xf32>
      %get3A_372 = vector.shape_cast %get3A_371 : vector<1x64x128xf32> to vector<64x128xf32>
      %mul3A = arith.mulf %get3A_362, %get3A_367 : vector<64x128xf32>
      %mul3A_373 = arith.mulf %mul3A, %get3A_372 : vector<64x128xf32>
      %mul3A_374 = vector.broadcast %get3A_355 : f32 to vector<64x128xf32>
      %mul3A_375 = arith.mulf %mul3A_373, %mul3A_374 : vector<64x128xf32>
      %add3A = arith.addf %while3A_349, %mul3A_375 : vector<64x128xf32>
      scf.yield %add3A : vector<64x128xf32>
    }
    %swap3A_100 = arith.constant 4 : index
    %swap3A_101 = arith.constant 0 : index
    %swap3A_102 = arith.constant 0 : index
    %swap3A_103 = vector.load %arg8[%swap3A_100, %swap3A_101, %swap3A_102] : memref<16x64x128xf32, #tpu.memory_space<vmem>>, vector<1x64x128xf32>
    %swap3A_104 = vector.shape_cast %swap3A_103 : vector<1x64x128xf32> to vector<64x128xf32>
    %swap3A_105 = vector.shape_cast %while3A_99 : vector<64x128xf32> to vector<1x64x128xf32>
    tpu.vector_store %arg8[%swap3A_100, %swap3A_101, %swap3A_102], %swap3A_105 {strides = array<i32>} : memref<16x64x128xf32, #tpu.memory_space<vmem>>, vector<1x64x128xf32>,
    %get3A_106 = arith.constant 5 : index
    %get3A_107 = memref.load %arg4[%get3A_106] : memref<17xi32, #tpu.memory_space<smem>>
    %get3A_108 = arith.constant 6 : index
    %get3A_109 = memref.load %arg4[%get3A_108] : memref<17xi32, #tpu.memory_space<smem>>
    %broadcast_in_dim3A_110 = arith.constant 0.000000e+00 : f32
    %broadcast_in_dim3A_111 = vector.broadcast %broadcast_in_dim3A_110 : f32 to vector<64x128xf32>
    %while3A_112 = arith.subi %get3A_109, %get3A_107 : i32
    %while3A_113 = arith.addi %get3A_107, %while3A_112 : i32
    %while3A_114 = arith.constant 1 : i32
    %while3A_115 = arith.divsi %while3A_112, %while3A_114 : i32
    %while3A_116 = arith.muli %while3A_115, %while3A_114 : i32
    %while3A_117 = arith.addi %get3A_107, %while3A_116 : i32
    %while3A_118 = arith.constant 1 : i32
    %while3A_119 = scf.for %while3A_348 = %get3A_107 to %while3A_117 step %while3A_118 iter_args(%while3A_349 = %broadcast_in_dim3A_111) -> (vector<64x128xf32>)  : i32 {
      %get3A_350 = arith.index_cast %while3A_348 : i32 to index
      %get3A_351 = memref.load %arg1[%get3A_350] : memref<512xi32, #tpu.memory_space<smem>>
      %get3A_352 = arith.index_cast %while3A_348 : i32 to index
      %get3A_353 = memref.load %arg2[%get3A_352] : memref<512xi32, #tpu.memory_space<smem>>
      %get3A_354 = arith.index_cast %while3A_348 : i32 to index
      %get3A_355 = memref.load %arg3[%get3A_354] : memref<512xf32, #tpu.memory_space<smem>>
      %and3A = arith.constant 255 : i32
      %and3A_356 = arith.andi %get3A_351, %and3A : i32
      %shift_right_logical3A = arith.constant 8 : i32
      %shift_right_logical3A_357 = arith.shrui %get3A_351, %shift_right_logical3A : i32
      %get3A_358 = arith.index_cast %and3A_356 : i32 to index
      %get3A_359 = arith.constant 0 : index
      %get3A_360 = arith.constant 0 : index
      %get3A_361 = vector.load %arg5[%get3A_358, %get3A_359, %get3A_360] : memref<16x64x128xf32, #tpu.memory_space<vmem>>, vector<1x64x128xf32>
      %get3A_362 = vector.shape_cast %get3A_361 : vector<1x64x128xf32> to vector<64x128xf32>
      %get3A_363 = arith.index_cast %shift_right_logical3A_357 : i32 to index
      %get3A_364 = arith.constant 0 : index
      %get3A_365 = arith.constant 0 : index
      %get3A_366 = vector.load %arg6[%get3A_363, %get3A_364, %get3A_365] : memref<16x64x128xf32, #tpu.memory_space<vmem>>, vector<1x64x128xf32>
      %get3A_367 = vector.shape_cast %get3A_366 : vector<1x64x128xf32> to vector<64x128xf32>
      %get3A_368 = arith.index_cast %get3A_353 : i32 to index
      %get3A_369 = arith.constant 0 : index
      %get3A_370 = arith.constant 0 : index
      %get3A_371 = vector.load %arg7[%get3A_368, %get3A_369, %get3A_370] : memref<34x64x128xf32, #tpu.memory_space<vmem>>, vector<1x64x128xf32>
      %get3A_372 = vector.shape_cast %get3A_371 : vector<1x64x128xf32> to vector<64x128xf32>
      %mul3A = arith.mulf %get3A_362, %get3A_367 : vector<64x128xf32>
      %mul3A_373 = arith.mulf %mul3A, %get3A_372 : vector<64x128xf32>
      %mul3A_374 = vector.broadcast %get3A_355 : f32 to vector<64x128xf32>
      %mul3A_375 = arith.mulf %mul3A_373, %mul3A_374 : vector<64x128xf32>
      %add3A = arith.addf %while3A_349, %mul3A_375 : vector<64x128xf32>
      scf.yield %add3A : vector<64x128xf32>
    }
    %while3A_120 = arith.constant 1 : i32
    %while3A_121 = scf.for %while3A_348 = %while3A_117 to %while3A_113 step %while3A_120 iter_args(%while3A_349 = %while3A_119) -> (vector<64x128xf32>)  : i32 {
      %get3A_350 = arith.index_cast %while3A_348 : i32 to index
      %get3A_351 = memref.load %arg1[%get3A_350] : memref<512xi32, #tpu.memory_space<smem>>
      %get3A_352 = arith.index_cast %while3A_348 : i32 to index
      %get3A_353 = memref.load %arg2[%get3A_352] : memref<512xi32, #tpu.memory_space<smem>>
      %get3A_354 = arith.index_cast %while3A_348 : i32 to index
      %get3A_355 = memref.load %arg3[%get3A_354] : memref<512xf32, #tpu.memory_space<smem>>
      %and3A = arith.constant 255 : i32
      %and3A_356 = arith.andi %get3A_351, %and3A : i32
      %shift_right_logical3A = arith.constant 8 : i32
      %shift_right_logical3A_357 = arith.shrui %get3A_351, %shift_right_logical3A : i32
      %get3A_358 = arith.index_cast %and3A_356 : i32 to index
      %get3A_359 = arith.constant 0 : index
      %get3A_360 = arith.constant 0 : index
      %get3A_361 = vector.load %arg5[%get3A_358, %get3A_359, %get3A_360] : memref<16x64x128xf32, #tpu.memory_space<vmem>>, vector<1x64x128xf32>
      %get3A_362 = vector.shape_cast %get3A_361 : vector<1x64x128xf32> to vector<64x128xf32>
      %get3A_363 = arith.index_cast %shift_right_logical3A_357 : i32 to index
      %get3A_364 = arith.constant 0 : index
      %get3A_365 = arith.constant 0 : index
      %get3A_366 = vector.load %arg6[%get3A_363, %get3A_364, %get3A_365] : memref<16x64x128xf32, #tpu.memory_space<vmem>>, vector<1x64x128xf32>
      %get3A_367 = vector.shape_cast %get3A_366 : vector<1x64x128xf32> to vector<64x128xf32>
      %get3A_368 = arith.index_cast %get3A_353 : i32 to index
      %get3A_369 = arith.constant 0 : index
      %get3A_370 = arith.constant 0 : index
      %get3A_371 = vector.load %arg7[%get3A_368, %get3A_369, %get3A_370] : memref<34x64x128xf32, #tpu.memory_space<vmem>>, vector<1x64x128xf32>
      %get3A_372 = vector.shape_cast %get3A_371 : vector<1x64x128xf32> to vector<64x128xf32>
      %mul3A = arith.mulf %get3A_362, %get3A_367 : vector<64x128xf32>
      %mul3A_373 = arith.mulf %mul3A, %get3A_372 : vector<64x128xf32>
      %mul3A_374 = vector.broadcast %get3A_355 : f32 to vector<64x128xf32>
      %mul3A_375 = arith.mulf %mul3A_373, %mul3A_374 : vector<64x128xf32>
      %add3A = arith.addf %while3A_349, %mul3A_375 : vector<64x128xf32>
      scf.yield %add3A : vector<64x128xf32>
    }
    %swap3A_122 = arith.constant 5 : index
    %swap3A_123 = arith.constant 0 : index
    %swap3A_124 = arith.constant 0 : index
    %swap3A_125 = vector.load %arg8[%swap3A_122, %swap3A_123, %swap3A_124] : memref<16x64x128xf32, #tpu.memory_space<vmem>>, vector<1x64x128xf32>
    %swap3A_126 = vector.shape_cast %swap3A_125 : vector<1x64x128xf32> to vector<64x128xf32>
    %swap3A_127 = vector.shape_cast %while3A_121 : vector<64x128xf32> to vector<1x64x128xf32>
    tpu.vector_store %arg8[%swap3A_122, %swap3A_123, %swap3A_124], %swap3A_127 {strides = array<i32>} : memref<16x64x128xf32, #tpu.memory_space<vmem>>, vector<1x64x128xf32>,
    %get3A_128 = arith.constant 6 : index
    %get3A_129 = memref.load %arg4[%get3A_128] : memref<17xi32, #tpu.memory_space<smem>>
    %get3A_130 = arith.constant 7 : index
    %get3A_131 = memref.load %arg4[%get3A_130] : memref<17xi32, #tpu.memory_space<smem>>
    %broadcast_in_dim3A_132 = arith.constant 0.000000e+00 : f32
    %broadcast_in_dim3A_133 = vector.broadcast %broadcast_in_dim3A_132 : f32 to vector<64x128xf32>
    %while3A_134 = arith.subi %get3A_131, %get3A_129 : i32
    %while3A_135 = arith.addi %get3A_129, %while3A_134 : i32
    %while3A_136 = arith.constant 1 : i32
    %while3A_137 = arith.divsi %while3A_134, %while3A_136 : i32
    %while3A_138 = arith.muli %while3A_137, %while3A_136 : i32
    %while3A_139 = arith.addi %get3A_129, %while3A_138 : i32
    %while3A_140 = arith.constant 1 : i32
    %while3A_141 = scf.for %while3A_348 = %get3A_129 to %while3A_139 step %while3A_140 iter_args(%while3A_349 = %broadcast_in_dim3A_133) -> (vector<64x128xf32>)  : i32 {
      %get3A_350 = arith.index_cast %while3A_348 : i32 to index
      %get3A_351 = memref.load %arg1[%get3A_350] : memref<512xi32, #tpu.memory_space<smem>>
      %get3A_352 = arith.index_cast %while3A_348 : i32 to index
      %get3A_353 = memref.load %arg2[%get3A_352] : memref<512xi32, #tpu.memory_space<smem>>
      %get3A_354 = arith.index_cast %while3A_348 : i32 to index
      %get3A_355 = memref.load %arg3[%get3A_354] : memref<512xf32, #tpu.memory_space<smem>>
      %and3A = arith.constant 255 : i32
      %and3A_356 = arith.andi %get3A_351, %and3A : i32
      %shift_right_logical3A = arith.constant 8 : i32
      %shift_right_logical3A_357 = arith.shrui %get3A_351, %shift_right_logical3A : i32
      %get3A_358 = arith.index_cast %and3A_356 : i32 to index
      %get3A_359 = arith.constant 0 : index
      %get3A_360 = arith.constant 0 : index
      %get3A_361 = vector.load %arg5[%get3A_358, %get3A_359, %get3A_360] : memref<16x64x128xf32, #tpu.memory_space<vmem>>, vector<1x64x128xf32>
      %get3A_362 = vector.shape_cast %get3A_361 : vector<1x64x128xf32> to vector<64x128xf32>
      %get3A_363 = arith.index_cast %shift_right_logical3A_357 : i32 to index
      %get3A_364 = arith.constant 0 : index
      %get3A_365 = arith.constant 0 : index
      %get3A_366 = vector.load %arg6[%get3A_363, %get3A_364, %get3A_365] : memref<16x64x128xf32, #tpu.memory_space<vmem>>, vector<1x64x128xf32>
      %get3A_367 = vector.shape_cast %get3A_366 : vector<1x64x128xf32> to vector<64x128xf32>
      %get3A_368 = arith.index_cast %get3A_353 : i32 to index
      %get3A_369 = arith.constant 0 : index
      %get3A_370 = arith.constant 0 : index
      %get3A_371 = vector.load %arg7[%get3A_368, %get3A_369, %get3A_370] : memref<34x64x128xf32, #tpu.memory_space<vmem>>, vector<1x64x128xf32>
      %get3A_372 = vector.shape_cast %get3A_371 : vector<1x64x128xf32> to vector<64x128xf32>
      %mul3A = arith.mulf %get3A_362, %get3A_367 : vector<64x128xf32>
      %mul3A_373 = arith.mulf %mul3A, %get3A_372 : vector<64x128xf32>
      %mul3A_374 = vector.broadcast %get3A_355 : f32 to vector<64x128xf32>
      %mul3A_375 = arith.mulf %mul3A_373, %mul3A_374 : vector<64x128xf32>
      %add3A = arith.addf %while3A_349, %mul3A_375 : vector<64x128xf32>
      scf.yield %add3A : vector<64x128xf32>
    }
    %while3A_142 = arith.constant 1 : i32
    %while3A_143 = scf.for %while3A_348 = %while3A_139 to %while3A_135 step %while3A_142 iter_args(%while3A_349 = %while3A_141) -> (vector<64x128xf32>)  : i32 {
      %get3A_350 = arith.index_cast %while3A_348 : i32 to index
      %get3A_351 = memref.load %arg1[%get3A_350] : memref<512xi32, #tpu.memory_space<smem>>
      %get3A_352 = arith.index_cast %while3A_348 : i32 to index
      %get3A_353 = memref.load %arg2[%get3A_352] : memref<512xi32, #tpu.memory_space<smem>>
      %get3A_354 = arith.index_cast %while3A_348 : i32 to index
      %get3A_355 = memref.load %arg3[%get3A_354] : memref<512xf32, #tpu.memory_space<smem>>
      %and3A = arith.constant 255 : i32
      %and3A_356 = arith.andi %get3A_351, %and3A : i32
      %shift_right_logical3A = arith.constant 8 : i32
      %shift_right_logical3A_357 = arith.shrui %get3A_351, %shift_right_logical3A : i32
      %get3A_358 = arith.index_cast %and3A_356 : i32 to index
      %get3A_359 = arith.constant 0 : index
      %get3A_360 = arith.constant 0 : index
      %get3A_361 = vector.load %arg5[%get3A_358, %get3A_359, %get3A_360] : memref<16x64x128xf32, #tpu.memory_space<vmem>>, vector<1x64x128xf32>
      %get3A_362 = vector.shape_cast %get3A_361 : vector<1x64x128xf32> to vector<64x128xf32>
      %get3A_363 = arith.index_cast %shift_right_logical3A_357 : i32 to index
      %get3A_364 = arith.constant 0 : index
      %get3A_365 = arith.constant 0 : index
      %get3A_366 = vector.load %arg6[%get3A_363, %get3A_364, %get3A_365] : memref<16x64x128xf32, #tpu.memory_space<vmem>>, vector<1x64x128xf32>
      %get3A_367 = vector.shape_cast %get3A_366 : vector<1x64x128xf32> to vector<64x128xf32>
      %get3A_368 = arith.index_cast %get3A_353 : i32 to index
      %get3A_369 = arith.constant 0 : index
      %get3A_370 = arith.constant 0 : index
      %get3A_371 = vector.load %arg7[%get3A_368, %get3A_369, %get3A_370] : memref<34x64x128xf32, #tpu.memory_space<vmem>>, vector<1x64x128xf32>
      %get3A_372 = vector.shape_cast %get3A_371 : vector<1x64x128xf32> to vector<64x128xf32>
      %mul3A = arith.mulf %get3A_362, %get3A_367 : vector<64x128xf32>
      %mul3A_373 = arith.mulf %mul3A, %get3A_372 : vector<64x128xf32>
      %mul3A_374 = vector.broadcast %get3A_355 : f32 to vector<64x128xf32>
      %mul3A_375 = arith.mulf %mul3A_373, %mul3A_374 : vector<64x128xf32>
      %add3A = arith.addf %while3A_349, %mul3A_375 : vector<64x128xf32>
      scf.yield %add3A : vector<64x128xf32>
    }
    %swap3A_144 = arith.constant 6 : index
    %swap3A_145 = arith.constant 0 : index
    %swap3A_146 = arith.constant 0 : index
    %swap3A_147 = vector.load %arg8[%swap3A_144, %swap3A_145, %swap3A_146] : memref<16x64x128xf32, #tpu.memory_space<vmem>>, vector<1x64x128xf32>
    %swap3A_148 = vector.shape_cast %swap3A_147 : vector<1x64x128xf32> to vector<64x128xf32>
    %swap3A_149 = vector.shape_cast %while3A_143 : vector<64x128xf32> to vector<1x64x128xf32>
    tpu.vector_store %arg8[%swap3A_144, %swap3A_145, %swap3A_146], %swap3A_149 {strides = array<i32>} : memref<16x64x128xf32, #tpu.memory_space<vmem>>, vector<1x64x128xf32>,
    %get3A_150 = arith.constant 7 : index
    %get3A_151 = memref.load %arg4[%get3A_150] : memref<17xi32, #tpu.memory_space<smem>>
    %get3A_152 = arith.constant 8 : index
    %get3A_153 = memref.load %arg4[%get3A_152] : memref<17xi32, #tpu.memory_space<smem>>
    %broadcast_in_dim3A_154 = arith.constant 0.000000e+00 : f32
    %broadcast_in_dim3A_155 = vector.broadcast %broadcast_in_dim3A_154 : f32 to vector<64x128xf32>
    %while3A_156 = arith.subi %get3A_153, %get3A_151 : i32
    %while3A_157 = arith.addi %get3A_151, %while3A_156 : i32
    %while3A_158 = arith.constant 1 : i32
    %while3A_159 = arith.divsi %while3A_156, %while3A_158 : i32
    %while3A_160 = arith.muli %while3A_159, %while3A_158 : i32
    %while3A_161 = arith.addi %get3A_151, %while3A_160 : i32
    %while3A_162 = arith.constant 1 : i32
    %while3A_163 = scf.for %while3A_348 = %get3A_151 to %while3A_161 step %while3A_162 iter_args(%while3A_349 = %broadcast_in_dim3A_155) -> (vector<64x128xf32>)  : i32 {
      %get3A_350 = arith.index_cast %while3A_348 : i32 to index
      %get3A_351 = memref.load %arg1[%get3A_350] : memref<512xi32, #tpu.memory_space<smem>>
      %get3A_352 = arith.index_cast %while3A_348 : i32 to index
      %get3A_353 = memref.load %arg2[%get3A_352] : memref<512xi32, #tpu.memory_space<smem>>
      %get3A_354 = arith.index_cast %while3A_348 : i32 to index
      %get3A_355 = memref.load %arg3[%get3A_354] : memref<512xf32, #tpu.memory_space<smem>>
      %and3A = arith.constant 255 : i32
      %and3A_356 = arith.andi %get3A_351, %and3A : i32
      %shift_right_logical3A = arith.constant 8 : i32
      %shift_right_logical3A_357 = arith.shrui %get3A_351, %shift_right_logical3A : i32
      %get3A_358 = arith.index_cast %and3A_356 : i32 to index
      %get3A_359 = arith.constant 0 : index
      %get3A_360 = arith.constant 0 : index
      %get3A_361 = vector.load %arg5[%get3A_358, %get3A_359, %get3A_360] : memref<16x64x128xf32, #tpu.memory_space<vmem>>, vector<1x64x128xf32>
      %get3A_362 = vector.shape_cast %get3A_361 : vector<1x64x128xf32> to vector<64x128xf32>
      %get3A_363 = arith.index_cast %shift_right_logical3A_357 : i32 to index
      %get3A_364 = arith.constant 0 : index
      %get3A_365 = arith.constant 0 : index
      %get3A_366 = vector.load %arg6[%get3A_363, %get3A_364, %get3A_365] : memref<16x64x128xf32, #tpu.memory_space<vmem>>, vector<1x64x128xf32>
      %get3A_367 = vector.shape_cast %get3A_366 : vector<1x64x128xf32> to vector<64x128xf32>
      %get3A_368 = arith.index_cast %get3A_353 : i32 to index
      %get3A_369 = arith.constant 0 : index
      %get3A_370 = arith.constant 0 : index
      %get3A_371 = vector.load %arg7[%get3A_368, %get3A_369, %get3A_370] : memref<34x64x128xf32, #tpu.memory_space<vmem>>, vector<1x64x128xf32>
      %get3A_372 = vector.shape_cast %get3A_371 : vector<1x64x128xf32> to vector<64x128xf32>
      %mul3A = arith.mulf %get3A_362, %get3A_367 : vector<64x128xf32>
      %mul3A_373 = arith.mulf %mul3A, %get3A_372 : vector<64x128xf32>
      %mul3A_374 = vector.broadcast %get3A_355 : f32 to vector<64x128xf32>
      %mul3A_375 = arith.mulf %mul3A_373, %mul3A_374 : vector<64x128xf32>
      %add3A = arith.addf %while3A_349, %mul3A_375 : vector<64x128xf32>
      scf.yield %add3A : vector<64x128xf32>
    }
    %while3A_164 = arith.constant 1 : i32
    %while3A_165 = scf.for %while3A_348 = %while3A_161 to %while3A_157 step %while3A_164 iter_args(%while3A_349 = %while3A_163) -> (vector<64x128xf32>)  : i32 {
      %get3A_350 = arith.index_cast %while3A_348 : i32 to index
      %get3A_351 = memref.load %arg1[%get3A_350] : memref<512xi32, #tpu.memory_space<smem>>
      %get3A_352 = arith.index_cast %while3A_348 : i32 to index
      %get3A_353 = memref.load %arg2[%get3A_352] : memref<512xi32, #tpu.memory_space<smem>>
      %get3A_354 = arith.index_cast %while3A_348 : i32 to index
      %get3A_355 = memref.load %arg3[%get3A_354] : memref<512xf32, #tpu.memory_space<smem>>
      %and3A = arith.constant 255 : i32
      %and3A_356 = arith.andi %get3A_351, %and3A : i32
      %shift_right_logical3A = arith.constant 8 : i32
      %shift_right_logical3A_357 = arith.shrui %get3A_351, %shift_right_logical3A : i32
      %get3A_358 = arith.index_cast %and3A_356 : i32 to index
      %get3A_359 = arith.constant 0 : index
      %get3A_360 = arith.constant 0 : index
      %get3A_361 = vector.load %arg5[%get3A_358, %get3A_359, %get3A_360] : memref<16x64x128xf32, #tpu.memory_space<vmem>>, vector<1x64x128xf32>
      %get3A_362 = vector.shape_cast %get3A_361 : vector<1x64x128xf32> to vector<64x128xf32>
      %get3A_363 = arith.index_cast %shift_right_logical3A_357 : i32 to index
      %get3A_364 = arith.constant 0 : index
      %get3A_365 = arith.constant 0 : index
      %get3A_366 = vector.load %arg6[%get3A_363, %get3A_364, %get3A_365] : memref<16x64x128xf32, #tpu.memory_space<vmem>>, vector<1x64x128xf32>
      %get3A_367 = vector.shape_cast %get3A_366 : vector<1x64x128xf32> to vector<64x128xf32>
      %get3A_368 = arith.index_cast %get3A_353 : i32 to index
      %get3A_369 = arith.constant 0 : index
      %get3A_370 = arith.constant 0 : index
      %get3A_371 = vector.load %arg7[%get3A_368, %get3A_369, %get3A_370] : memref<34x64x128xf32, #tpu.memory_space<vmem>>, vector<1x64x128xf32>
      %get3A_372 = vector.shape_cast %get3A_371 : vector<1x64x128xf32> to vector<64x128xf32>
      %mul3A = arith.mulf %get3A_362, %get3A_367 : vector<64x128xf32>
      %mul3A_373 = arith.mulf %mul3A, %get3A_372 : vector<64x128xf32>
      %mul3A_374 = vector.broadcast %get3A_355 : f32 to vector<64x128xf32>
      %mul3A_375 = arith.mulf %mul3A_373, %mul3A_374 : vector<64x128xf32>
      %add3A = arith.addf %while3A_349, %mul3A_375 : vector<64x128xf32>
      scf.yield %add3A : vector<64x128xf32>
    }
    %swap3A_166 = arith.constant 7 : index
    %swap3A_167 = arith.constant 0 : index
    %swap3A_168 = arith.constant 0 : index
    %swap3A_169 = vector.load %arg8[%swap3A_166, %swap3A_167, %swap3A_168] : memref<16x64x128xf32, #tpu.memory_space<vmem>>, vector<1x64x128xf32>
    %swap3A_170 = vector.shape_cast %swap3A_169 : vector<1x64x128xf32> to vector<64x128xf32>
    %swap3A_171 = vector.shape_cast %while3A_165 : vector<64x128xf32> to vector<1x64x128xf32>
    tpu.vector_store %arg8[%swap3A_166, %swap3A_167, %swap3A_168], %swap3A_171 {strides = array<i32>} : memref<16x64x128xf32, #tpu.memory_space<vmem>>, vector<1x64x128xf32>,
    %get3A_172 = arith.constant 8 : index
    %get3A_173 = memref.load %arg4[%get3A_172] : memref<17xi32, #tpu.memory_space<smem>>
    %get3A_174 = arith.constant 9 : index
    %get3A_175 = memref.load %arg4[%get3A_174] : memref<17xi32, #tpu.memory_space<smem>>
    %broadcast_in_dim3A_176 = arith.constant 0.000000e+00 : f32
    %broadcast_in_dim3A_177 = vector.broadcast %broadcast_in_dim3A_176 : f32 to vector<64x128xf32>
    %while3A_178 = arith.subi %get3A_175, %get3A_173 : i32
    %while3A_179 = arith.addi %get3A_173, %while3A_178 : i32
    %while3A_180 = arith.constant 1 : i32
    %while3A_181 = arith.divsi %while3A_178, %while3A_180 : i32
    %while3A_182 = arith.muli %while3A_181, %while3A_180 : i32
    %while3A_183 = arith.addi %get3A_173, %while3A_182 : i32
    %while3A_184 = arith.constant 1 : i32
    %while3A_185 = scf.for %while3A_348 = %get3A_173 to %while3A_183 step %while3A_184 iter_args(%while3A_349 = %broadcast_in_dim3A_177) -> (vector<64x128xf32>)  : i32 {
      %get3A_350 = arith.index_cast %while3A_348 : i32 to index
      %get3A_351 = memref.load %arg1[%get3A_350] : memref<512xi32, #tpu.memory_space<smem>>
      %get3A_352 = arith.index_cast %while3A_348 : i32 to index
      %get3A_353 = memref.load %arg2[%get3A_352] : memref<512xi32, #tpu.memory_space<smem>>
      %get3A_354 = arith.index_cast %while3A_348 : i32 to index
      %get3A_355 = memref.load %arg3[%get3A_354] : memref<512xf32, #tpu.memory_space<smem>>
      %and3A = arith.constant 255 : i32
      %and3A_356 = arith.andi %get3A_351, %and3A : i32
      %shift_right_logical3A = arith.constant 8 : i32
      %shift_right_logical3A_357 = arith.shrui %get3A_351, %shift_right_logical3A : i32
      %get3A_358 = arith.index_cast %and3A_356 : i32 to index
      %get3A_359 = arith.constant 0 : index
      %get3A_360 = arith.constant 0 : index
      %get3A_361 = vector.load %arg5[%get3A_358, %get3A_359, %get3A_360] : memref<16x64x128xf32, #tpu.memory_space<vmem>>, vector<1x64x128xf32>
      %get3A_362 = vector.shape_cast %get3A_361 : vector<1x64x128xf32> to vector<64x128xf32>
      %get3A_363 = arith.index_cast %shift_right_logical3A_357 : i32 to index
      %get3A_364 = arith.constant 0 : index
      %get3A_365 = arith.constant 0 : index
      %get3A_366 = vector.load %arg6[%get3A_363, %get3A_364, %get3A_365] : memref<16x64x128xf32, #tpu.memory_space<vmem>>, vector<1x64x128xf32>
      %get3A_367 = vector.shape_cast %get3A_366 : vector<1x64x128xf32> to vector<64x128xf32>
      %get3A_368 = arith.index_cast %get3A_353 : i32 to index
      %get3A_369 = arith.constant 0 : index
      %get3A_370 = arith.constant 0 : index
      %get3A_371 = vector.load %arg7[%get3A_368, %get3A_369, %get3A_370] : memref<34x64x128xf32, #tpu.memory_space<vmem>>, vector<1x64x128xf32>
      %get3A_372 = vector.shape_cast %get3A_371 : vector<1x64x128xf32> to vector<64x128xf32>
      %mul3A = arith.mulf %get3A_362, %get3A_367 : vector<64x128xf32>
      %mul3A_373 = arith.mulf %mul3A, %get3A_372 : vector<64x128xf32>
      %mul3A_374 = vector.broadcast %get3A_355 : f32 to vector<64x128xf32>
      %mul3A_375 = arith.mulf %mul3A_373, %mul3A_374 : vector<64x128xf32>
      %add3A = arith.addf %while3A_349, %mul3A_375 : vector<64x128xf32>
      scf.yield %add3A : vector<64x128xf32>
    }
    %while3A_186 = arith.constant 1 : i32
    %while3A_187 = scf.for %while3A_348 = %while3A_183 to %while3A_179 step %while3A_186 iter_args(%while3A_349 = %while3A_185) -> (vector<64x128xf32>)  : i32 {
      %get3A_350 = arith.index_cast %while3A_348 : i32 to index
      %get3A_351 = memref.load %arg1[%get3A_350] : memref<512xi32, #tpu.memory_space<smem>>
      %get3A_352 = arith.index_cast %while3A_348 : i32 to index
      %get3A_353 = memref.load %arg2[%get3A_352] : memref<512xi32, #tpu.memory_space<smem>>
      %get3A_354 = arith.index_cast %while3A_348 : i32 to index
      %get3A_355 = memref.load %arg3[%get3A_354] : memref<512xf32, #tpu.memory_space<smem>>
      %and3A = arith.constant 255 : i32
      %and3A_356 = arith.andi %get3A_351, %and3A : i32
      %shift_right_logical3A = arith.constant 8 : i32
      %shift_right_logical3A_357 = arith.shrui %get3A_351, %shift_right_logical3A : i32
      %get3A_358 = arith.index_cast %and3A_356 : i32 to index
      %get3A_359 = arith.constant 0 : index
      %get3A_360 = arith.constant 0 : index
      %get3A_361 = vector.load %arg5[%get3A_358, %get3A_359, %get3A_360] : memref<16x64x128xf32, #tpu.memory_space<vmem>>, vector<1x64x128xf32>
      %get3A_362 = vector.shape_cast %get3A_361 : vector<1x64x128xf32> to vector<64x128xf32>
      %get3A_363 = arith.index_cast %shift_right_logical3A_357 : i32 to index
      %get3A_364 = arith.constant 0 : index
      %get3A_365 = arith.constant 0 : index
      %get3A_366 = vector.load %arg6[%get3A_363, %get3A_364, %get3A_365] : memref<16x64x128xf32, #tpu.memory_space<vmem>>, vector<1x64x128xf32>
      %get3A_367 = vector.shape_cast %get3A_366 : vector<1x64x128xf32> to vector<64x128xf32>
      %get3A_368 = arith.index_cast %get3A_353 : i32 to index
      %get3A_369 = arith.constant 0 : index
      %get3A_370 = arith.constant 0 : index
      %get3A_371 = vector.load %arg7[%get3A_368, %get3A_369, %get3A_370] : memref<34x64x128xf32, #tpu.memory_space<vmem>>, vector<1x64x128xf32>
      %get3A_372 = vector.shape_cast %get3A_371 : vector<1x64x128xf32> to vector<64x128xf32>
      %mul3A = arith.mulf %get3A_362, %get3A_367 : vector<64x128xf32>
      %mul3A_373 = arith.mulf %mul3A, %get3A_372 : vector<64x128xf32>
      %mul3A_374 = vector.broadcast %get3A_355 : f32 to vector<64x128xf32>
      %mul3A_375 = arith.mulf %mul3A_373, %mul3A_374 : vector<64x128xf32>
      %add3A = arith.addf %while3A_349, %mul3A_375 : vector<64x128xf32>
      scf.yield %add3A : vector<64x128xf32>
    }
    %swap3A_188 = arith.constant 8 : index
    %swap3A_189 = arith.constant 0 : index
    %swap3A_190 = arith.constant 0 : index
    %swap3A_191 = vector.load %arg8[%swap3A_188, %swap3A_189, %swap3A_190] : memref<16x64x128xf32, #tpu.memory_space<vmem>>, vector<1x64x128xf32>
    %swap3A_192 = vector.shape_cast %swap3A_191 : vector<1x64x128xf32> to vector<64x128xf32>
    %swap3A_193 = vector.shape_cast %while3A_187 : vector<64x128xf32> to vector<1x64x128xf32>
    tpu.vector_store %arg8[%swap3A_188, %swap3A_189, %swap3A_190], %swap3A_193 {strides = array<i32>} : memref<16x64x128xf32, #tpu.memory_space<vmem>>, vector<1x64x128xf32>,
    %get3A_194 = arith.constant 9 : index
    %get3A_195 = memref.load %arg4[%get3A_194] : memref<17xi32, #tpu.memory_space<smem>>
    %get3A_196 = arith.constant 10 : index
    %get3A_197 = memref.load %arg4[%get3A_196] : memref<17xi32, #tpu.memory_space<smem>>
    %broadcast_in_dim3A_198 = arith.constant 0.000000e+00 : f32
    %broadcast_in_dim3A_199 = vector.broadcast %broadcast_in_dim3A_198 : f32 to vector<64x128xf32>
    %while3A_200 = arith.subi %get3A_197, %get3A_195 : i32
    %while3A_201 = arith.addi %get3A_195, %while3A_200 : i32
    %while3A_202 = arith.constant 1 : i32
    %while3A_203 = arith.divsi %while3A_200, %while3A_202 : i32
    %while3A_204 = arith.muli %while3A_203, %while3A_202 : i32
    %while3A_205 = arith.addi %get3A_195, %while3A_204 : i32
    %while3A_206 = arith.constant 1 : i32
    %while3A_207 = scf.for %while3A_348 = %get3A_195 to %while3A_205 step %while3A_206 iter_args(%while3A_349 = %broadcast_in_dim3A_199) -> (vector<64x128xf32>)  : i32 {
      %get3A_350 = arith.index_cast %while3A_348 : i32 to index
      %get3A_351 = memref.load %arg1[%get3A_350] : memref<512xi32, #tpu.memory_space<smem>>
      %get3A_352 = arith.index_cast %while3A_348 : i32 to index
      %get3A_353 = memref.load %arg2[%get3A_352] : memref<512xi32, #tpu.memory_space<smem>>
      %get3A_354 = arith.index_cast %while3A_348 : i32 to index
      %get3A_355 = memref.load %arg3[%get3A_354] : memref<512xf32, #tpu.memory_space<smem>>
      %and3A = arith.constant 255 : i32
      %and3A_356 = arith.andi %get3A_351, %and3A : i32
      %shift_right_logical3A = arith.constant 8 : i32
      %shift_right_logical3A_357 = arith.shrui %get3A_351, %shift_right_logical3A : i32
      %get3A_358 = arith.index_cast %and3A_356 : i32 to index
      %get3A_359 = arith.constant 0 : index
      %get3A_360 = arith.constant 0 : index
      %get3A_361 = vector.load %arg5[%get3A_358, %get3A_359, %get3A_360] : memref<16x64x128xf32, #tpu.memory_space<vmem>>, vector<1x64x128xf32>
      %get3A_362 = vector.shape_cast %get3A_361 : vector<1x64x128xf32> to vector<64x128xf32>
      %get3A_363 = arith.index_cast %shift_right_logical3A_357 : i32 to index
      %get3A_364 = arith.constant 0 : index
      %get3A_365 = arith.constant 0 : index
      %get3A_366 = vector.load %arg6[%get3A_363, %get3A_364, %get3A_365] : memref<16x64x128xf32, #tpu.memory_space<vmem>>, vector<1x64x128xf32>
      %get3A_367 = vector.shape_cast %get3A_366 : vector<1x64x128xf32> to vector<64x128xf32>
      %get3A_368 = arith.index_cast %get3A_353 : i32 to index
      %get3A_369 = arith.constant 0 : index
      %get3A_370 = arith.constant 0 : index
      %get3A_371 = vector.load %arg7[%get3A_368, %get3A_369, %get3A_370] : memref<34x64x128xf32, #tpu.memory_space<vmem>>, vector<1x64x128xf32>
      %get3A_372 = vector.shape_cast %get3A_371 : vector<1x64x128xf32> to vector<64x128xf32>
      %mul3A = arith.mulf %get3A_362, %get3A_367 : vector<64x128xf32>
      %mul3A_373 = arith.mulf %mul3A, %get3A_372 : vector<64x128xf32>
      %mul3A_374 = vector.broadcast %get3A_355 : f32 to vector<64x128xf32>
      %mul3A_375 = arith.mulf %mul3A_373, %mul3A_374 : vector<64x128xf32>
      %add3A = arith.addf %while3A_349, %mul3A_375 : vector<64x128xf32>
      scf.yield %add3A : vector<64x128xf32>
    }
    %while3A_208 = arith.constant 1 : i32
    %while3A_209 = scf.for %while3A_348 = %while3A_205 to %while3A_201 step %while3A_208 iter_args(%while3A_349 = %while3A_207) -> (vector<64x128xf32>)  : i32 {
      %get3A_350 = arith.index_cast %while3A_348 : i32 to index
      %get3A_351 = memref.load %arg1[%get3A_350] : memref<512xi32, #tpu.memory_space<smem>>
      %get3A_352 = arith.index_cast %while3A_348 : i32 to index
      %get3A_353 = memref.load %arg2[%get3A_352] : memref<512xi32, #tpu.memory_space<smem>>
      %get3A_354 = arith.index_cast %while3A_348 : i32 to index
      %get3A_355 = memref.load %arg3[%get3A_354] : memref<512xf32, #tpu.memory_space<smem>>
      %and3A = arith.constant 255 : i32
      %and3A_356 = arith.andi %get3A_351, %and3A : i32
      %shift_right_logical3A = arith.constant 8 : i32
      %shift_right_logical3A_357 = arith.shrui %get3A_351, %shift_right_logical3A : i32
      %get3A_358 = arith.index_cast %and3A_356 : i32 to index
      %get3A_359 = arith.constant 0 : index
      %get3A_360 = arith.constant 0 : index
      %get3A_361 = vector.load %arg5[%get3A_358, %get3A_359, %get3A_360] : memref<16x64x128xf32, #tpu.memory_space<vmem>>, vector<1x64x128xf32>
      %get3A_362 = vector.shape_cast %get3A_361 : vector<1x64x128xf32> to vector<64x128xf32>
      %get3A_363 = arith.index_cast %shift_right_logical3A_357 : i32 to index
      %get3A_364 = arith.constant 0 : index
      %get3A_365 = arith.constant 0 : index
      %get3A_366 = vector.load %arg6[%get3A_363, %get3A_364, %get3A_365] : memref<16x64x128xf32, #tpu.memory_space<vmem>>, vector<1x64x128xf32>
      %get3A_367 = vector.shape_cast %get3A_366 : vector<1x64x128xf32> to vector<64x128xf32>
      %get3A_368 = arith.index_cast %get3A_353 : i32 to index
      %get3A_369 = arith.constant 0 : index
      %get3A_370 = arith.constant 0 : index
      %get3A_371 = vector.load %arg7[%get3A_368, %get3A_369, %get3A_370] : memref<34x64x128xf32, #tpu.memory_space<vmem>>, vector<1x64x128xf32>
      %get3A_372 = vector.shape_cast %get3A_371 : vector<1x64x128xf32> to vector<64x128xf32>
      %mul3A = arith.mulf %get3A_362, %get3A_367 : vector<64x128xf32>
      %mul3A_373 = arith.mulf %mul3A, %get3A_372 : vector<64x128xf32>
      %mul3A_374 = vector.broadcast %get3A_355 : f32 to vector<64x128xf32>
      %mul3A_375 = arith.mulf %mul3A_373, %mul3A_374 : vector<64x128xf32>
      %add3A = arith.addf %while3A_349, %mul3A_375 : vector<64x128xf32>
      scf.yield %add3A : vector<64x128xf32>
    }
    %swap3A_210 = arith.constant 9 : index
    %swap3A_211 = arith.constant 0 : index
    %swap3A_212 = arith.constant 0 : index
    %swap3A_213 = vector.load %arg8[%swap3A_210, %swap3A_211, %swap3A_212] : memref<16x64x128xf32, #tpu.memory_space<vmem>>, vector<1x64x128xf32>
    %swap3A_214 = vector.shape_cast %swap3A_213 : vector<1x64x128xf32> to vector<64x128xf32>
    %swap3A_215 = vector.shape_cast %while3A_209 : vector<64x128xf32> to vector<1x64x128xf32>
    tpu.vector_store %arg8[%swap3A_210, %swap3A_211, %swap3A_212], %swap3A_215 {strides = array<i32>} : memref<16x64x128xf32, #tpu.memory_space<vmem>>, vector<1x64x128xf32>,
    %get3A_216 = arith.constant 10 : index
    %get3A_217 = memref.load %arg4[%get3A_216] : memref<17xi32, #tpu.memory_space<smem>>
    %get3A_218 = arith.constant 11 : index
    %get3A_219 = memref.load %arg4[%get3A_218] : memref<17xi32, #tpu.memory_space<smem>>
    %broadcast_in_dim3A_220 = arith.constant 0.000000e+00 : f32
    %broadcast_in_dim3A_221 = vector.broadcast %broadcast_in_dim3A_220 : f32 to vector<64x128xf32>
    %while3A_222 = arith.subi %get3A_219, %get3A_217 : i32
    %while3A_223 = arith.addi %get3A_217, %while3A_222 : i32
    %while3A_224 = arith.constant 1 : i32
    %while3A_225 = arith.divsi %while3A_222, %while3A_224 : i32
    %while3A_226 = arith.muli %while3A_225, %while3A_224 : i32
    %while3A_227 = arith.addi %get3A_217, %while3A_226 : i32
    %while3A_228 = arith.constant 1 : i32
    %while3A_229 = scf.for %while3A_348 = %get3A_217 to %while3A_227 step %while3A_228 iter_args(%while3A_349 = %broadcast_in_dim3A_221) -> (vector<64x128xf32>)  : i32 {
      %get3A_350 = arith.index_cast %while3A_348 : i32 to index
      %get3A_351 = memref.load %arg1[%get3A_350] : memref<512xi32, #tpu.memory_space<smem>>
      %get3A_352 = arith.index_cast %while3A_348 : i32 to index
      %get3A_353 = memref.load %arg2[%get3A_352] : memref<512xi32, #tpu.memory_space<smem>>
      %get3A_354 = arith.index_cast %while3A_348 : i32 to index
      %get3A_355 = memref.load %arg3[%get3A_354] : memref<512xf32, #tpu.memory_space<smem>>
      %and3A = arith.constant 255 : i32
      %and3A_356 = arith.andi %get3A_351, %and3A : i32
      %shift_right_logical3A = arith.constant 8 : i32
      %shift_right_logical3A_357 = arith.shrui %get3A_351, %shift_right_logical3A : i32
      %get3A_358 = arith.index_cast %and3A_356 : i32 to index
      %get3A_359 = arith.constant 0 : index
      %get3A_360 = arith.constant 0 : index
      %get3A_361 = vector.load %arg5[%get3A_358, %get3A_359, %get3A_360] : memref<16x64x128xf32, #tpu.memory_space<vmem>>, vector<1x64x128xf32>
      %get3A_362 = vector.shape_cast %get3A_361 : vector<1x64x128xf32> to vector<64x128xf32>
      %get3A_363 = arith.index_cast %shift_right_logical3A_357 : i32 to index
      %get3A_364 = arith.constant 0 : index
      %get3A_365 = arith.constant 0 : index
      %get3A_366 = vector.load %arg6[%get3A_363, %get3A_364, %get3A_365] : memref<16x64x128xf32, #tpu.memory_space<vmem>>, vector<1x64x128xf32>
      %get3A_367 = vector.shape_cast %get3A_366 : vector<1x64x128xf32> to vector<64x128xf32>
      %get3A_368 = arith.index_cast %get3A_353 : i32 to index
      %get3A_369 = arith.constant 0 : index
      %get3A_370 = arith.constant 0 : index
      %get3A_371 = vector.load %arg7[%get3A_368, %get3A_369, %get3A_370] : memref<34x64x128xf32, #tpu.memory_space<vmem>>, vector<1x64x128xf32>
      %get3A_372 = vector.shape_cast %get3A_371 : vector<1x64x128xf32> to vector<64x128xf32>
      %mul3A = arith.mulf %get3A_362, %get3A_367 : vector<64x128xf32>
      %mul3A_373 = arith.mulf %mul3A, %get3A_372 : vector<64x128xf32>
      %mul3A_374 = vector.broadcast %get3A_355 : f32 to vector<64x128xf32>
      %mul3A_375 = arith.mulf %mul3A_373, %mul3A_374 : vector<64x128xf32>
      %add3A = arith.addf %while3A_349, %mul3A_375 : vector<64x128xf32>
      scf.yield %add3A : vector<64x128xf32>
    }
    %while3A_230 = arith.constant 1 : i32
    %while3A_231 = scf.for %while3A_348 = %while3A_227 to %while3A_223 step %while3A_230 iter_args(%while3A_349 = %while3A_229) -> (vector<64x128xf32>)  : i32 {
      %get3A_350 = arith.index_cast %while3A_348 : i32 to index
      %get3A_351 = memref.load %arg1[%get3A_350] : memref<512xi32, #tpu.memory_space<smem>>
      %get3A_352 = arith.index_cast %while3A_348 : i32 to index
      %get3A_353 = memref.load %arg2[%get3A_352] : memref<512xi32, #tpu.memory_space<smem>>
      %get3A_354 = arith.index_cast %while3A_348 : i32 to index
      %get3A_355 = memref.load %arg3[%get3A_354] : memref<512xf32, #tpu.memory_space<smem>>
      %and3A = arith.constant 255 : i32
      %and3A_356 = arith.andi %get3A_351, %and3A : i32
      %shift_right_logical3A = arith.constant 8 : i32
      %shift_right_logical3A_357 = arith.shrui %get3A_351, %shift_right_logical3A : i32
      %get3A_358 = arith.index_cast %and3A_356 : i32 to index
      %get3A_359 = arith.constant 0 : index
      %get3A_360 = arith.constant 0 : index
      %get3A_361 = vector.load %arg5[%get3A_358, %get3A_359, %get3A_360] : memref<16x64x128xf32, #tpu.memory_space<vmem>>, vector<1x64x128xf32>
      %get3A_362 = vector.shape_cast %get3A_361 : vector<1x64x128xf32> to vector<64x128xf32>
      %get3A_363 = arith.index_cast %shift_right_logical3A_357 : i32 to index
      %get3A_364 = arith.constant 0 : index
      %get3A_365 = arith.constant 0 : index
      %get3A_366 = vector.load %arg6[%get3A_363, %get3A_364, %get3A_365] : memref<16x64x128xf32, #tpu.memory_space<vmem>>, vector<1x64x128xf32>
      %get3A_367 = vector.shape_cast %get3A_366 : vector<1x64x128xf32> to vector<64x128xf32>
      %get3A_368 = arith.index_cast %get3A_353 : i32 to index
      %get3A_369 = arith.constant 0 : index
      %get3A_370 = arith.constant 0 : index
      %get3A_371 = vector.load %arg7[%get3A_368, %get3A_369, %get3A_370] : memref<34x64x128xf32, #tpu.memory_space<vmem>>, vector<1x64x128xf32>
      %get3A_372 = vector.shape_cast %get3A_371 : vector<1x64x128xf32> to vector<64x128xf32>
      %mul3A = arith.mulf %get3A_362, %get3A_367 : vector<64x128xf32>
      %mul3A_373 = arith.mulf %mul3A, %get3A_372 : vector<64x128xf32>
      %mul3A_374 = vector.broadcast %get3A_355 : f32 to vector<64x128xf32>
      %mul3A_375 = arith.mulf %mul3A_373, %mul3A_374 : vector<64x128xf32>
      %add3A = arith.addf %while3A_349, %mul3A_375 : vector<64x128xf32>
      scf.yield %add3A : vector<64x128xf32>
    }
    %swap3A_232 = arith.constant 10 : index
    %swap3A_233 = arith.constant 0 : index
    %swap3A_234 = arith.constant 0 : index
    %swap3A_235 = vector.load %arg8[%swap3A_232, %swap3A_233, %swap3A_234] : memref<16x64x128xf32, #tpu.memory_space<vmem>>, vector<1x64x128xf32>
    %swap3A_236 = vector.shape_cast %swap3A_235 : vector<1x64x128xf32> to vector<64x128xf32>
    %swap3A_237 = vector.shape_cast %while3A_231 : vector<64x128xf32> to vector<1x64x128xf32>
    tpu.vector_store %arg8[%swap3A_232, %swap3A_233, %swap3A_234], %swap3A_237 {strides = array<i32>} : memref<16x64x128xf32, #tpu.memory_space<vmem>>, vector<1x64x128xf32>,
    %get3A_238 = arith.constant 11 : index
    %get3A_239 = memref.load %arg4[%get3A_238] : memref<17xi32, #tpu.memory_space<smem>>
    %get3A_240 = arith.constant 12 : index
    %get3A_241 = memref.load %arg4[%get3A_240] : memref<17xi32, #tpu.memory_space<smem>>
    %broadcast_in_dim3A_242 = arith.constant 0.000000e+00 : f32
    %broadcast_in_dim3A_243 = vector.broadcast %broadcast_in_dim3A_242 : f32 to vector<64x128xf32>
    %while3A_244 = arith.subi %get3A_241, %get3A_239 : i32
    %while3A_245 = arith.addi %get3A_239, %while3A_244 : i32
    %while3A_246 = arith.constant 1 : i32
    %while3A_247 = arith.divsi %while3A_244, %while3A_246 : i32
    %while3A_248 = arith.muli %while3A_247, %while3A_246 : i32
    %while3A_249 = arith.addi %get3A_239, %while3A_248 : i32
    %while3A_250 = arith.constant 1 : i32
    %while3A_251 = scf.for %while3A_348 = %get3A_239 to %while3A_249 step %while3A_250 iter_args(%while3A_349 = %broadcast_in_dim3A_243) -> (vector<64x128xf32>)  : i32 {
      %get3A_350 = arith.index_cast %while3A_348 : i32 to index
      %get3A_351 = memref.load %arg1[%get3A_350] : memref<512xi32, #tpu.memory_space<smem>>
      %get3A_352 = arith.index_cast %while3A_348 : i32 to index
      %get3A_353 = memref.load %arg2[%get3A_352] : memref<512xi32, #tpu.memory_space<smem>>
      %get3A_354 = arith.index_cast %while3A_348 : i32 to index
      %get3A_355 = memref.load %arg3[%get3A_354] : memref<512xf32, #tpu.memory_space<smem>>
      %and3A = arith.constant 255 : i32
      %and3A_356 = arith.andi %get3A_351, %and3A : i32
      %shift_right_logical3A = arith.constant 8 : i32
      %shift_right_logical3A_357 = arith.shrui %get3A_351, %shift_right_logical3A : i32
      %get3A_358 = arith.index_cast %and3A_356 : i32 to index
      %get3A_359 = arith.constant 0 : index
      %get3A_360 = arith.constant 0 : index
      %get3A_361 = vector.load %arg5[%get3A_358, %get3A_359, %get3A_360] : memref<16x64x128xf32, #tpu.memory_space<vmem>>, vector<1x64x128xf32>
      %get3A_362 = vector.shape_cast %get3A_361 : vector<1x64x128xf32> to vector<64x128xf32>
      %get3A_363 = arith.index_cast %shift_right_logical3A_357 : i32 to index
      %get3A_364 = arith.constant 0 : index
      %get3A_365 = arith.constant 0 : index
      %get3A_366 = vector.load %arg6[%get3A_363, %get3A_364, %get3A_365] : memref<16x64x128xf32, #tpu.memory_space<vmem>>, vector<1x64x128xf32>
      %get3A_367 = vector.shape_cast %get3A_366 : vector<1x64x128xf32> to vector<64x128xf32>
      %get3A_368 = arith.index_cast %get3A_353 : i32 to index
      %get3A_369 = arith.constant 0 : index
      %get3A_370 = arith.constant 0 : index
      %get3A_371 = vector.load %arg7[%get3A_368, %get3A_369, %get3A_370] : memref<34x64x128xf32, #tpu.memory_space<vmem>>, vector<1x64x128xf32>
      %get3A_372 = vector.shape_cast %get3A_371 : vector<1x64x128xf32> to vector<64x128xf32>
      %mul3A = arith.mulf %get3A_362, %get3A_367 : vector<64x128xf32>
      %mul3A_373 = arith.mulf %mul3A, %get3A_372 : vector<64x128xf32>
      %mul3A_374 = vector.broadcast %get3A_355 : f32 to vector<64x128xf32>
      %mul3A_375 = arith.mulf %mul3A_373, %mul3A_374 : vector<64x128xf32>
      %add3A = arith.addf %while3A_349, %mul3A_375 : vector<64x128xf32>
      scf.yield %add3A : vector<64x128xf32>
    }
    %while3A_252 = arith.constant 1 : i32
    %while3A_253 = scf.for %while3A_348 = %while3A_249 to %while3A_245 step %while3A_252 iter_args(%while3A_349 = %while3A_251) -> (vector<64x128xf32>)  : i32 {
      %get3A_350 = arith.index_cast %while3A_348 : i32 to index
      %get3A_351 = memref.load %arg1[%get3A_350] : memref<512xi32, #tpu.memory_space<smem>>
      %get3A_352 = arith.index_cast %while3A_348 : i32 to index
      %get3A_353 = memref.load %arg2[%get3A_352] : memref<512xi32, #tpu.memory_space<smem>>
      %get3A_354 = arith.index_cast %while3A_348 : i32 to index
      %get3A_355 = memref.load %arg3[%get3A_354] : memref<512xf32, #tpu.memory_space<smem>>
      %and3A = arith.constant 255 : i32
      %and3A_356 = arith.andi %get3A_351, %and3A : i32
      %shift_right_logical3A = arith.constant 8 : i32
      %shift_right_logical3A_357 = arith.shrui %get3A_351, %shift_right_logical3A : i32
      %get3A_358 = arith.index_cast %and3A_356 : i32 to index
      %get3A_359 = arith.constant 0 : index
      %get3A_360 = arith.constant 0 : index
      %get3A_361 = vector.load %arg5[%get3A_358, %get3A_359, %get3A_360] : memref<16x64x128xf32, #tpu.memory_space<vmem>>, vector<1x64x128xf32>
      %get3A_362 = vector.shape_cast %get3A_361 : vector<1x64x128xf32> to vector<64x128xf32>
      %get3A_363 = arith.index_cast %shift_right_logical3A_357 : i32 to index
      %get3A_364 = arith.constant 0 : index
      %get3A_365 = arith.constant 0 : index
      %get3A_366 = vector.load %arg6[%get3A_363, %get3A_364, %get3A_365] : memref<16x64x128xf32, #tpu.memory_space<vmem>>, vector<1x64x128xf32>
      %get3A_367 = vector.shape_cast %get3A_366 : vector<1x64x128xf32> to vector<64x128xf32>
      %get3A_368 = arith.index_cast %get3A_353 : i32 to index
      %get3A_369 = arith.constant 0 : index
      %get3A_370 = arith.constant 0 : index
      %get3A_371 = vector.load %arg7[%get3A_368, %get3A_369, %get3A_370] : memref<34x64x128xf32, #tpu.memory_space<vmem>>, vector<1x64x128xf32>
      %get3A_372 = vector.shape_cast %get3A_371 : vector<1x64x128xf32> to vector<64x128xf32>
      %mul3A = arith.mulf %get3A_362, %get3A_367 : vector<64x128xf32>
      %mul3A_373 = arith.mulf %mul3A, %get3A_372 : vector<64x128xf32>
      %mul3A_374 = vector.broadcast %get3A_355 : f32 to vector<64x128xf32>
      %mul3A_375 = arith.mulf %mul3A_373, %mul3A_374 : vector<64x128xf32>
      %add3A = arith.addf %while3A_349, %mul3A_375 : vector<64x128xf32>
      scf.yield %add3A : vector<64x128xf32>
    }
    %swap3A_254 = arith.constant 11 : index
    %swap3A_255 = arith.constant 0 : index
    %swap3A_256 = arith.constant 0 : index
    %swap3A_257 = vector.load %arg8[%swap3A_254, %swap3A_255, %swap3A_256] : memref<16x64x128xf32, #tpu.memory_space<vmem>>, vector<1x64x128xf32>
    %swap3A_258 = vector.shape_cast %swap3A_257 : vector<1x64x128xf32> to vector<64x128xf32>
    %swap3A_259 = vector.shape_cast %while3A_253 : vector<64x128xf32> to vector<1x64x128xf32>
    tpu.vector_store %arg8[%swap3A_254, %swap3A_255, %swap3A_256], %swap3A_259 {strides = array<i32>} : memref<16x64x128xf32, #tpu.memory_space<vmem>>, vector<1x64x128xf32>,
    %get3A_260 = arith.constant 12 : index
    %get3A_261 = memref.load %arg4[%get3A_260] : memref<17xi32, #tpu.memory_space<smem>>
    %get3A_262 = arith.constant 13 : index
    %get3A_263 = memref.load %arg4[%get3A_262] : memref<17xi32, #tpu.memory_space<smem>>
    %broadcast_in_dim3A_264 = arith.constant 0.000000e+00 : f32
    %broadcast_in_dim3A_265 = vector.broadcast %broadcast_in_dim3A_264 : f32 to vector<64x128xf32>
    %while3A_266 = arith.subi %get3A_263, %get3A_261 : i32
    %while3A_267 = arith.addi %get3A_261, %while3A_266 : i32
    %while3A_268 = arith.constant 1 : i32
    %while3A_269 = arith.divsi %while3A_266, %while3A_268 : i32
    %while3A_270 = arith.muli %while3A_269, %while3A_268 : i32
    %while3A_271 = arith.addi %get3A_261, %while3A_270 : i32
    %while3A_272 = arith.constant 1 : i32
    %while3A_273 = scf.for %while3A_348 = %get3A_261 to %while3A_271 step %while3A_272 iter_args(%while3A_349 = %broadcast_in_dim3A_265) -> (vector<64x128xf32>)  : i32 {
      %get3A_350 = arith.index_cast %while3A_348 : i32 to index
      %get3A_351 = memref.load %arg1[%get3A_350] : memref<512xi32, #tpu.memory_space<smem>>
      %get3A_352 = arith.index_cast %while3A_348 : i32 to index
      %get3A_353 = memref.load %arg2[%get3A_352] : memref<512xi32, #tpu.memory_space<smem>>
      %get3A_354 = arith.index_cast %while3A_348 : i32 to index
      %get3A_355 = memref.load %arg3[%get3A_354] : memref<512xf32, #tpu.memory_space<smem>>
      %and3A = arith.constant 255 : i32
      %and3A_356 = arith.andi %get3A_351, %and3A : i32
      %shift_right_logical3A = arith.constant 8 : i32
      %shift_right_logical3A_357 = arith.shrui %get3A_351, %shift_right_logical3A : i32
      %get3A_358 = arith.index_cast %and3A_356 : i32 to index
      %get3A_359 = arith.constant 0 : index
      %get3A_360 = arith.constant 0 : index
      %get3A_361 = vector.load %arg5[%get3A_358, %get3A_359, %get3A_360] : memref<16x64x128xf32, #tpu.memory_space<vmem>>, vector<1x64x128xf32>
      %get3A_362 = vector.shape_cast %get3A_361 : vector<1x64x128xf32> to vector<64x128xf32>
      %get3A_363 = arith.index_cast %shift_right_logical3A_357 : i32 to index
      %get3A_364 = arith.constant 0 : index
      %get3A_365 = arith.constant 0 : index
      %get3A_366 = vector.load %arg6[%get3A_363, %get3A_364, %get3A_365] : memref<16x64x128xf32, #tpu.memory_space<vmem>>, vector<1x64x128xf32>
      %get3A_367 = vector.shape_cast %get3A_366 : vector<1x64x128xf32> to vector<64x128xf32>
      %get3A_368 = arith.index_cast %get3A_353 : i32 to index
      %get3A_369 = arith.constant 0 : index
      %get3A_370 = arith.constant 0 : index
      %get3A_371 = vector.load %arg7[%get3A_368, %get3A_369, %get3A_370] : memref<34x64x128xf32, #tpu.memory_space<vmem>>, vector<1x64x128xf32>
      %get3A_372 = vector.shape_cast %get3A_371 : vector<1x64x128xf32> to vector<64x128xf32>
      %mul3A = arith.mulf %get3A_362, %get3A_367 : vector<64x128xf32>
      %mul3A_373 = arith.mulf %mul3A, %get3A_372 : vector<64x128xf32>
      %mul3A_374 = vector.broadcast %get3A_355 : f32 to vector<64x128xf32>
      %mul3A_375 = arith.mulf %mul3A_373, %mul3A_374 : vector<64x128xf32>
      %add3A = arith.addf %while3A_349, %mul3A_375 : vector<64x128xf32>
      scf.yield %add3A : vector<64x128xf32>
    }
    %while3A_274 = arith.constant 1 : i32
    %while3A_275 = scf.for %while3A_348 = %while3A_271 to %while3A_267 step %while3A_274 iter_args(%while3A_349 = %while3A_273) -> (vector<64x128xf32>)  : i32 {
      %get3A_350 = arith.index_cast %while3A_348 : i32 to index
      %get3A_351 = memref.load %arg1[%get3A_350] : memref<512xi32, #tpu.memory_space<smem>>
      %get3A_352 = arith.index_cast %while3A_348 : i32 to index
      %get3A_353 = memref.load %arg2[%get3A_352] : memref<512xi32, #tpu.memory_space<smem>>
      %get3A_354 = arith.index_cast %while3A_348 : i32 to index
      %get3A_355 = memref.load %arg3[%get3A_354] : memref<512xf32, #tpu.memory_space<smem>>
      %and3A = arith.constant 255 : i32
      %and3A_356 = arith.andi %get3A_351, %and3A : i32
      %shift_right_logical3A = arith.constant 8 : i32
      %shift_right_logical3A_357 = arith.shrui %get3A_351, %shift_right_logical3A : i32
      %get3A_358 = arith.index_cast %and3A_356 : i32 to index
      %get3A_359 = arith.constant 0 : index
      %get3A_360 = arith.constant 0 : index
      %get3A_361 = vector.load %arg5[%get3A_358, %get3A_359, %get3A_360] : memref<16x64x128xf32, #tpu.memory_space<vmem>>, vector<1x64x128xf32>
      %get3A_362 = vector.shape_cast %get3A_361 : vector<1x64x128xf32> to vector<64x128xf32>
      %get3A_363 = arith.index_cast %shift_right_logical3A_357 : i32 to index
      %get3A_364 = arith.constant 0 : index
      %get3A_365 = arith.constant 0 : index
      %get3A_366 = vector.load %arg6[%get3A_363, %get3A_364, %get3A_365] : memref<16x64x128xf32, #tpu.memory_space<vmem>>, vector<1x64x128xf32>
      %get3A_367 = vector.shape_cast %get3A_366 : vector<1x64x128xf32> to vector<64x128xf32>
      %get3A_368 = arith.index_cast %get3A_353 : i32 to index
      %get3A_369 = arith.constant 0 : index
      %get3A_370 = arith.constant 0 : index
      %get3A_371 = vector.load %arg7[%get3A_368, %get3A_369, %get3A_370] : memref<34x64x128xf32, #tpu.memory_space<vmem>>, vector<1x64x128xf32>
      %get3A_372 = vector.shape_cast %get3A_371 : vector<1x64x128xf32> to vector<64x128xf32>
      %mul3A = arith.mulf %get3A_362, %get3A_367 : vector<64x128xf32>
      %mul3A_373 = arith.mulf %mul3A, %get3A_372 : vector<64x128xf32>
      %mul3A_374 = vector.broadcast %get3A_355 : f32 to vector<64x128xf32>
      %mul3A_375 = arith.mulf %mul3A_373, %mul3A_374 : vector<64x128xf32>
      %add3A = arith.addf %while3A_349, %mul3A_375 : vector<64x128xf32>
      scf.yield %add3A : vector<64x128xf32>
    }
    %swap3A_276 = arith.constant 12 : index
    %swap3A_277 = arith.constant 0 : index
    %swap3A_278 = arith.constant 0 : index
    %swap3A_279 = vector.load %arg8[%swap3A_276, %swap3A_277, %swap3A_278] : memref<16x64x128xf32, #tpu.memory_space<vmem>>, vector<1x64x128xf32>
    %swap3A_280 = vector.shape_cast %swap3A_279 : vector<1x64x128xf32> to vector<64x128xf32>
    %swap3A_281 = vector.shape_cast %while3A_275 : vector<64x128xf32> to vector<1x64x128xf32>
    tpu.vector_store %arg8[%swap3A_276, %swap3A_277, %swap3A_278], %swap3A_281 {strides = array<i32>} : memref<16x64x128xf32, #tpu.memory_space<vmem>>, vector<1x64x128xf32>,
    %get3A_282 = arith.constant 13 : index
    %get3A_283 = memref.load %arg4[%get3A_282] : memref<17xi32, #tpu.memory_space<smem>>
    %get3A_284 = arith.constant 14 : index
    %get3A_285 = memref.load %arg4[%get3A_284] : memref<17xi32, #tpu.memory_space<smem>>
    %broadcast_in_dim3A_286 = arith.constant 0.000000e+00 : f32
    %broadcast_in_dim3A_287 = vector.broadcast %broadcast_in_dim3A_286 : f32 to vector<64x128xf32>
    %while3A_288 = arith.subi %get3A_285, %get3A_283 : i32
    %while3A_289 = arith.addi %get3A_283, %while3A_288 : i32
    %while3A_290 = arith.constant 1 : i32
    %while3A_291 = arith.divsi %while3A_288, %while3A_290 : i32
    %while3A_292 = arith.muli %while3A_291, %while3A_290 : i32
    %while3A_293 = arith.addi %get3A_283, %while3A_292 : i32
    %while3A_294 = arith.constant 1 : i32
    %while3A_295 = scf.for %while3A_348 = %get3A_283 to %while3A_293 step %while3A_294 iter_args(%while3A_349 = %broadcast_in_dim3A_287) -> (vector<64x128xf32>)  : i32 {
      %get3A_350 = arith.index_cast %while3A_348 : i32 to index
      %get3A_351 = memref.load %arg1[%get3A_350] : memref<512xi32, #tpu.memory_space<smem>>
      %get3A_352 = arith.index_cast %while3A_348 : i32 to index
      %get3A_353 = memref.load %arg2[%get3A_352] : memref<512xi32, #tpu.memory_space<smem>>
      %get3A_354 = arith.index_cast %while3A_348 : i32 to index
      %get3A_355 = memref.load %arg3[%get3A_354] : memref<512xf32, #tpu.memory_space<smem>>
      %and3A = arith.constant 255 : i32
      %and3A_356 = arith.andi %get3A_351, %and3A : i32
      %shift_right_logical3A = arith.constant 8 : i32
      %shift_right_logical3A_357 = arith.shrui %get3A_351, %shift_right_logical3A : i32
      %get3A_358 = arith.index_cast %and3A_356 : i32 to index
      %get3A_359 = arith.constant 0 : index
      %get3A_360 = arith.constant 0 : index
      %get3A_361 = vector.load %arg5[%get3A_358, %get3A_359, %get3A_360] : memref<16x64x128xf32, #tpu.memory_space<vmem>>, vector<1x64x128xf32>
      %get3A_362 = vector.shape_cast %get3A_361 : vector<1x64x128xf32> to vector<64x128xf32>
      %get3A_363 = arith.index_cast %shift_right_logical3A_357 : i32 to index
      %get3A_364 = arith.constant 0 : index
      %get3A_365 = arith.constant 0 : index
      %get3A_366 = vector.load %arg6[%get3A_363, %get3A_364, %get3A_365] : memref<16x64x128xf32, #tpu.memory_space<vmem>>, vector<1x64x128xf32>
      %get3A_367 = vector.shape_cast %get3A_366 : vector<1x64x128xf32> to vector<64x128xf32>
      %get3A_368 = arith.index_cast %get3A_353 : i32 to index
      %get3A_369 = arith.constant 0 : index
      %get3A_370 = arith.constant 0 : index
      %get3A_371 = vector.load %arg7[%get3A_368, %get3A_369, %get3A_370] : memref<34x64x128xf32, #tpu.memory_space<vmem>>, vector<1x64x128xf32>
      %get3A_372 = vector.shape_cast %get3A_371 : vector<1x64x128xf32> to vector<64x128xf32>
      %mul3A = arith.mulf %get3A_362, %get3A_367 : vector<64x128xf32>
      %mul3A_373 = arith.mulf %mul3A, %get3A_372 : vector<64x128xf32>
      %mul3A_374 = vector.broadcast %get3A_355 : f32 to vector<64x128xf32>
      %mul3A_375 = arith.mulf %mul3A_373, %mul3A_374 : vector<64x128xf32>
      %add3A = arith.addf %while3A_349, %mul3A_375 : vector<64x128xf32>
      scf.yield %add3A : vector<64x128xf32>
    }
    %while3A_296 = arith.constant 1 : i32
    %while3A_297 = scf.for %while3A_348 = %while3A_293 to %while3A_289 step %while3A_296 iter_args(%while3A_349 = %while3A_295) -> (vector<64x128xf32>)  : i32 {
      %get3A_350 = arith.index_cast %while3A_348 : i32 to index
      %get3A_351 = memref.load %arg1[%get3A_350] : memref<512xi32, #tpu.memory_space<smem>>
      %get3A_352 = arith.index_cast %while3A_348 : i32 to index
      %get3A_353 = memref.load %arg2[%get3A_352] : memref<512xi32, #tpu.memory_space<smem>>
      %get3A_354 = arith.index_cast %while3A_348 : i32 to index
      %get3A_355 = memref.load %arg3[%get3A_354] : memref<512xf32, #tpu.memory_space<smem>>
      %and3A = arith.constant 255 : i32
      %and3A_356 = arith.andi %get3A_351, %and3A : i32
      %shift_right_logical3A = arith.constant 8 : i32
      %shift_right_logical3A_357 = arith.shrui %get3A_351, %shift_right_logical3A : i32
      %get3A_358 = arith.index_cast %and3A_356 : i32 to index
      %get3A_359 = arith.constant 0 : index
      %get3A_360 = arith.constant 0 : index
      %get3A_361 = vector.load %arg5[%get3A_358, %get3A_359, %get3A_360] : memref<16x64x128xf32, #tpu.memory_space<vmem>>, vector<1x64x128xf32>
      %get3A_362 = vector.shape_cast %get3A_361 : vector<1x64x128xf32> to vector<64x128xf32>
      %get3A_363 = arith.index_cast %shift_right_logical3A_357 : i32 to index
      %get3A_364 = arith.constant 0 : index
      %get3A_365 = arith.constant 0 : index
      %get3A_366 = vector.load %arg6[%get3A_363, %get3A_364, %get3A_365] : memref<16x64x128xf32, #tpu.memory_space<vmem>>, vector<1x64x128xf32>
      %get3A_367 = vector.shape_cast %get3A_366 : vector<1x64x128xf32> to vector<64x128xf32>
      %get3A_368 = arith.index_cast %get3A_353 : i32 to index
      %get3A_369 = arith.constant 0 : index
      %get3A_370 = arith.constant 0 : index
      %get3A_371 = vector.load %arg7[%get3A_368, %get3A_369, %get3A_370] : memref<34x64x128xf32, #tpu.memory_space<vmem>>, vector<1x64x128xf32>
      %get3A_372 = vector.shape_cast %get3A_371 : vector<1x64x128xf32> to vector<64x128xf32>
      %mul3A = arith.mulf %get3A_362, %get3A_367 : vector<64x128xf32>
      %mul3A_373 = arith.mulf %mul3A, %get3A_372 : vector<64x128xf32>
      %mul3A_374 = vector.broadcast %get3A_355 : f32 to vector<64x128xf32>
      %mul3A_375 = arith.mulf %mul3A_373, %mul3A_374 : vector<64x128xf32>
      %add3A = arith.addf %while3A_349, %mul3A_375 : vector<64x128xf32>
      scf.yield %add3A : vector<64x128xf32>
    }
    %swap3A_298 = arith.constant 13 : index
    %swap3A_299 = arith.constant 0 : index
    %swap3A_300 = arith.constant 0 : index
    %swap3A_301 = vector.load %arg8[%swap3A_298, %swap3A_299, %swap3A_300] : memref<16x64x128xf32, #tpu.memory_space<vmem>>, vector<1x64x128xf32>
    %swap3A_302 = vector.shape_cast %swap3A_301 : vector<1x64x128xf32> to vector<64x128xf32>
    %swap3A_303 = vector.shape_cast %while3A_297 : vector<64x128xf32> to vector<1x64x128xf32>
    tpu.vector_store %arg8[%swap3A_298, %swap3A_299, %swap3A_300], %swap3A_303 {strides = array<i32>} : memref<16x64x128xf32, #tpu.memory_space<vmem>>, vector<1x64x128xf32>,
    %get3A_304 = arith.constant 14 : index
    %get3A_305 = memref.load %arg4[%get3A_304] : memref<17xi32, #tpu.memory_space<smem>>
    %get3A_306 = arith.constant 15 : index
    %get3A_307 = memref.load %arg4[%get3A_306] : memref<17xi32, #tpu.memory_space<smem>>
    %broadcast_in_dim3A_308 = arith.constant 0.000000e+00 : f32
    %broadcast_in_dim3A_309 = vector.broadcast %broadcast_in_dim3A_308 : f32 to vector<64x128xf32>
    %while3A_310 = arith.subi %get3A_307, %get3A_305 : i32
    %while3A_311 = arith.addi %get3A_305, %while3A_310 : i32
    %while3A_312 = arith.constant 1 : i32
    %while3A_313 = arith.divsi %while3A_310, %while3A_312 : i32
    %while3A_314 = arith.muli %while3A_313, %while3A_312 : i32
    %while3A_315 = arith.addi %get3A_305, %while3A_314 : i32
    %while3A_316 = arith.constant 1 : i32
    %while3A_317 = scf.for %while3A_348 = %get3A_305 to %while3A_315 step %while3A_316 iter_args(%while3A_349 = %broadcast_in_dim3A_309) -> (vector<64x128xf32>)  : i32 {
      %get3A_350 = arith.index_cast %while3A_348 : i32 to index
      %get3A_351 = memref.load %arg1[%get3A_350] : memref<512xi32, #tpu.memory_space<smem>>
      %get3A_352 = arith.index_cast %while3A_348 : i32 to index
      %get3A_353 = memref.load %arg2[%get3A_352] : memref<512xi32, #tpu.memory_space<smem>>
      %get3A_354 = arith.index_cast %while3A_348 : i32 to index
      %get3A_355 = memref.load %arg3[%get3A_354] : memref<512xf32, #tpu.memory_space<smem>>
      %and3A = arith.constant 255 : i32
      %and3A_356 = arith.andi %get3A_351, %and3A : i32
      %shift_right_logical3A = arith.constant 8 : i32
      %shift_right_logical3A_357 = arith.shrui %get3A_351, %shift_right_logical3A : i32
      %get3A_358 = arith.index_cast %and3A_356 : i32 to index
      %get3A_359 = arith.constant 0 : index
      %get3A_360 = arith.constant 0 : index
      %get3A_361 = vector.load %arg5[%get3A_358, %get3A_359, %get3A_360] : memref<16x64x128xf32, #tpu.memory_space<vmem>>, vector<1x64x128xf32>
      %get3A_362 = vector.shape_cast %get3A_361 : vector<1x64x128xf32> to vector<64x128xf32>
      %get3A_363 = arith.index_cast %shift_right_logical3A_357 : i32 to index
      %get3A_364 = arith.constant 0 : index
      %get3A_365 = arith.constant 0 : index
      %get3A_366 = vector.load %arg6[%get3A_363, %get3A_364, %get3A_365] : memref<16x64x128xf32, #tpu.memory_space<vmem>>, vector<1x64x128xf32>
      %get3A_367 = vector.shape_cast %get3A_366 : vector<1x64x128xf32> to vector<64x128xf32>
      %get3A_368 = arith.index_cast %get3A_353 : i32 to index
      %get3A_369 = arith.constant 0 : index
      %get3A_370 = arith.constant 0 : index
      %get3A_371 = vector.load %arg7[%get3A_368, %get3A_369, %get3A_370] : memref<34x64x128xf32, #tpu.memory_space<vmem>>, vector<1x64x128xf32>
      %get3A_372 = vector.shape_cast %get3A_371 : vector<1x64x128xf32> to vector<64x128xf32>
      %mul3A = arith.mulf %get3A_362, %get3A_367 : vector<64x128xf32>
      %mul3A_373 = arith.mulf %mul3A, %get3A_372 : vector<64x128xf32>
      %mul3A_374 = vector.broadcast %get3A_355 : f32 to vector<64x128xf32>
      %mul3A_375 = arith.mulf %mul3A_373, %mul3A_374 : vector<64x128xf32>
      %add3A = arith.addf %while3A_349, %mul3A_375 : vector<64x128xf32>
      scf.yield %add3A : vector<64x128xf32>
    }
    %while3A_318 = arith.constant 1 : i32
    %while3A_319 = scf.for %while3A_348 = %while3A_315 to %while3A_311 step %while3A_318 iter_args(%while3A_349 = %while3A_317) -> (vector<64x128xf32>)  : i32 {
      %get3A_350 = arith.index_cast %while3A_348 : i32 to index
      %get3A_351 = memref.load %arg1[%get3A_350] : memref<512xi32, #tpu.memory_space<smem>>
      %get3A_352 = arith.index_cast %while3A_348 : i32 to index
      %get3A_353 = memref.load %arg2[%get3A_352] : memref<512xi32, #tpu.memory_space<smem>>
      %get3A_354 = arith.index_cast %while3A_348 : i32 to index
      %get3A_355 = memref.load %arg3[%get3A_354] : memref<512xf32, #tpu.memory_space<smem>>
      %and3A = arith.constant 255 : i32
      %and3A_356 = arith.andi %get3A_351, %and3A : i32
      %shift_right_logical3A = arith.constant 8 : i32
      %shift_right_logical3A_357 = arith.shrui %get3A_351, %shift_right_logical3A : i32
      %get3A_358 = arith.index_cast %and3A_356 : i32 to index
      %get3A_359 = arith.constant 0 : index
      %get3A_360 = arith.constant 0 : index
      %get3A_361 = vector.load %arg5[%get3A_358, %get3A_359, %get3A_360] : memref<16x64x128xf32, #tpu.memory_space<vmem>>, vector<1x64x128xf32>
      %get3A_362 = vector.shape_cast %get3A_361 : vector<1x64x128xf32> to vector<64x128xf32>
      %get3A_363 = arith.index_cast %shift_right_logical3A_357 : i32 to index
      %get3A_364 = arith.constant 0 : index
      %get3A_365 = arith.constant 0 : index
      %get3A_366 = vector.load %arg6[%get3A_363, %get3A_364, %get3A_365] : memref<16x64x128xf32, #tpu.memory_space<vmem>>, vector<1x64x128xf32>
      %get3A_367 = vector.shape_cast %get3A_366 : vector<1x64x128xf32> to vector<64x128xf32>
      %get3A_368 = arith.index_cast %get3A_353 : i32 to index
      %get3A_369 = arith.constant 0 : index
      %get3A_370 = arith.constant 0 : index
      %get3A_371 = vector.load %arg7[%get3A_368, %get3A_369, %get3A_370] : memref<34x64x128xf32, #tpu.memory_space<vmem>>, vector<1x64x128xf32>
      %get3A_372 = vector.shape_cast %get3A_371 : vector<1x64x128xf32> to vector<64x128xf32>
      %mul3A = arith.mulf %get3A_362, %get3A_367 : vector<64x128xf32>
      %mul3A_373 = arith.mulf %mul3A, %get3A_372 : vector<64x128xf32>
      %mul3A_374 = vector.broadcast %get3A_355 : f32 to vector<64x128xf32>
      %mul3A_375 = arith.mulf %mul3A_373, %mul3A_374 : vector<64x128xf32>
      %add3A = arith.addf %while3A_349, %mul3A_375 : vector<64x128xf32>
      scf.yield %add3A : vector<64x128xf32>
    }
    %swap3A_320 = arith.constant 14 : index
    %swap3A_321 = arith.constant 0 : index
    %swap3A_322 = arith.constant 0 : index
    %swap3A_323 = vector.load %arg8[%swap3A_320, %swap3A_321, %swap3A_322] : memref<16x64x128xf32, #tpu.memory_space<vmem>>, vector<1x64x128xf32>
    %swap3A_324 = vector.shape_cast %swap3A_323 : vector<1x64x128xf32> to vector<64x128xf32>
    %swap3A_325 = vector.shape_cast %while3A_319 : vector<64x128xf32> to vector<1x64x128xf32>
    tpu.vector_store %arg8[%swap3A_320, %swap3A_321, %swap3A_322], %swap3A_325 {strides = array<i32>} : memref<16x64x128xf32, #tpu.memory_space<vmem>>, vector<1x64x128xf32>,
    %get3A_326 = arith.constant 15 : index
    %get3A_327 = memref.load %arg4[%get3A_326] : memref<17xi32, #tpu.memory_space<smem>>
    %get3A_328 = arith.constant 16 : index
    %get3A_329 = memref.load %arg4[%get3A_328] : memref<17xi32, #tpu.memory_space<smem>>
    %broadcast_in_dim3A_330 = arith.constant 0.000000e+00 : f32
    %broadcast_in_dim3A_331 = vector.broadcast %broadcast_in_dim3A_330 : f32 to vector<64x128xf32>
    %while3A_332 = arith.subi %get3A_329, %get3A_327 : i32
    %while3A_333 = arith.addi %get3A_327, %while3A_332 : i32
    %while3A_334 = arith.constant 1 : i32
    %while3A_335 = arith.divsi %while3A_332, %while3A_334 : i32
    %while3A_336 = arith.muli %while3A_335, %while3A_334 : i32
    %while3A_337 = arith.addi %get3A_327, %while3A_336 : i32
    %while3A_338 = arith.constant 1 : i32
    %while3A_339 = scf.for %while3A_348 = %get3A_327 to %while3A_337 step %while3A_338 iter_args(%while3A_349 = %broadcast_in_dim3A_331) -> (vector<64x128xf32>)  : i32 {
      %get3A_350 = arith.index_cast %while3A_348 : i32 to index
      %get3A_351 = memref.load %arg1[%get3A_350] : memref<512xi32, #tpu.memory_space<smem>>
      %get3A_352 = arith.index_cast %while3A_348 : i32 to index
      %get3A_353 = memref.load %arg2[%get3A_352] : memref<512xi32, #tpu.memory_space<smem>>
      %get3A_354 = arith.index_cast %while3A_348 : i32 to index
      %get3A_355 = memref.load %arg3[%get3A_354] : memref<512xf32, #tpu.memory_space<smem>>
      %and3A = arith.constant 255 : i32
      %and3A_356 = arith.andi %get3A_351, %and3A : i32
      %shift_right_logical3A = arith.constant 8 : i32
      %shift_right_logical3A_357 = arith.shrui %get3A_351, %shift_right_logical3A : i32
      %get3A_358 = arith.index_cast %and3A_356 : i32 to index
      %get3A_359 = arith.constant 0 : index
      %get3A_360 = arith.constant 0 : index
      %get3A_361 = vector.load %arg5[%get3A_358, %get3A_359, %get3A_360] : memref<16x64x128xf32, #tpu.memory_space<vmem>>, vector<1x64x128xf32>
      %get3A_362 = vector.shape_cast %get3A_361 : vector<1x64x128xf32> to vector<64x128xf32>
      %get3A_363 = arith.index_cast %shift_right_logical3A_357 : i32 to index
      %get3A_364 = arith.constant 0 : index
      %get3A_365 = arith.constant 0 : index
      %get3A_366 = vector.load %arg6[%get3A_363, %get3A_364, %get3A_365] : memref<16x64x128xf32, #tpu.memory_space<vmem>>, vector<1x64x128xf32>
      %get3A_367 = vector.shape_cast %get3A_366 : vector<1x64x128xf32> to vector<64x128xf32>
      %get3A_368 = arith.index_cast %get3A_353 : i32 to index
      %get3A_369 = arith.constant 0 : index
      %get3A_370 = arith.constant 0 : index
      %get3A_371 = vector.load %arg7[%get3A_368, %get3A_369, %get3A_370] : memref<34x64x128xf32, #tpu.memory_space<vmem>>, vector<1x64x128xf32>
      %get3A_372 = vector.shape_cast %get3A_371 : vector<1x64x128xf32> to vector<64x128xf32>
      %mul3A = arith.mulf %get3A_362, %get3A_367 : vector<64x128xf32>
      %mul3A_373 = arith.mulf %mul3A, %get3A_372 : vector<64x128xf32>
      %mul3A_374 = vector.broadcast %get3A_355 : f32 to vector<64x128xf32>
      %mul3A_375 = arith.mulf %mul3A_373, %mul3A_374 : vector<64x128xf32>
      %add3A = arith.addf %while3A_349, %mul3A_375 : vector<64x128xf32>
      scf.yield %add3A : vector<64x128xf32>
    }
    %while3A_340 = arith.constant 1 : i32
    %while3A_341 = scf.for %while3A_348 = %while3A_337 to %while3A_333 step %while3A_340 iter_args(%while3A_349 = %while3A_339) -> (vector<64x128xf32>)  : i32 {
      %get3A_350 = arith.index_cast %while3A_348 : i32 to index
      %get3A_351 = memref.load %arg1[%get3A_350] : memref<512xi32, #tpu.memory_space<smem>>
      %get3A_352 = arith.index_cast %while3A_348 : i32 to index
      %get3A_353 = memref.load %arg2[%get3A_352] : memref<512xi32, #tpu.memory_space<smem>>
      %get3A_354 = arith.index_cast %while3A_348 : i32 to index
      %get3A_355 = memref.load %arg3[%get3A_354] : memref<512xf32, #tpu.memory_space<smem>>
      %and3A = arith.constant 255 : i32
      %and3A_356 = arith.andi %get3A_351, %and3A : i32
      %shift_right_logical3A = arith.constant 8 : i32
      %shift_right_logical3A_357 = arith.shrui %get3A_351, %shift_right_logical3A : i32
      %get3A_358 = arith.index_cast %and3A_356 : i32 to index
      %get3A_359 = arith.constant 0 : index
      %get3A_360 = arith.constant 0 : index
      %get3A_361 = vector.load %arg5[%get3A_358, %get3A_359, %get3A_360] : memref<16x64x128xf32, #tpu.memory_space<vmem>>, vector<1x64x128xf32>
      %get3A_362 = vector.shape_cast %get3A_361 : vector<1x64x128xf32> to vector<64x128xf32>
      %get3A_363 = arith.index_cast %shift_right_logical3A_357 : i32 to index
      %get3A_364 = arith.constant 0 : index
      %get3A_365 = arith.constant 0 : index
      %get3A_366 = vector.load %arg6[%get3A_363, %get3A_364, %get3A_365] : memref<16x64x128xf32, #tpu.memory_space<vmem>>, vector<1x64x128xf32>
      %get3A_367 = vector.shape_cast %get3A_366 : vector<1x64x128xf32> to vector<64x128xf32>
      %get3A_368 = arith.index_cast %get3A_353 : i32 to index
      %get3A_369 = arith.constant 0 : index
      %get3A_370 = arith.constant 0 : index
      %get3A_371 = vector.load %arg7[%get3A_368, %get3A_369, %get3A_370] : memref<34x64x128xf32, #tpu.memory_space<vmem>>, vector<1x64x128xf32>
      %get3A_372 = vector.shape_cast %get3A_371 : vector<1x64x128xf32> to vector<64x128xf32>
      %mul3A = arith.mulf %get3A_362, %get3A_367 : vector<64x128xf32>
      %mul3A_373 = arith.mulf %mul3A, %get3A_372 : vector<64x128xf32>
      %mul3A_374 = vector.broadcast %get3A_355 : f32 to vector<64x128xf32>
      %mul3A_375 = arith.mulf %mul3A_373, %mul3A_374 : vector<64x128xf32>
      %add3A = arith.addf %while3A_349, %mul3A_375 : vector<64x128xf32>
      scf.yield %add3A : vector<64x128xf32>
    }
    %swap3A_342 = arith.constant 15 : index
    %swap3A_343 = arith.constant 0 : index
    %swap3A_344 = arith.constant 0 : index
    %swap3A_345 = vector.load %arg8[%swap3A_342, %swap3A_343, %swap3A_344] : memref<16x64x128xf32, #tpu.memory_space<vmem>>, vector<1x64x128xf32>
    %swap3A_346 = vector.shape_cast %swap3A_345 : vector<1x64x128xf32> to vector<64x128xf32>
    %swap3A_347 = vector.shape_cast %while3A_341 : vector<64x128xf32> to vector<1x64x128xf32>
    tpu.vector_store %arg8[%swap3A_342, %swap3A_343, %swap3A_344], %swap3A_347 {strides = array<i32>} : memref<16x64x128xf32, #tpu.memory_space<vmem>>, vector<1x64x128xf32>,
    return
  }
  func.func @transform_0(%arg0: i32) -> i32 {
    %c0_i32 = arith.constant 0 : i32
    %c0_i32_0 = arith.constant 0 : i32
    return %c0_i32 : i32
  }
  func.func @transform_1(%arg0: i32) -> i32 {
    %c0_i32 = arith.constant 0 : i32
    %c0_i32_0 = arith.constant 0 : i32
    return %c0_i32 : i32
  }
  func.func @transform_2(%arg0: i32) -> i32 {
    %c0_i32 = arith.constant 0 : i32
    %c0_i32_0 = arith.constant 0 : i32
    return %c0_i32 : i32
  }
  func.func @transform_3(%arg0: i32) -> i32 {
    %c0_i32 = arith.constant 0 : i32
    %c0_i32_0 = arith.constant 0 : i32
    return %c0_i32 : i32
  }
  func.func @transform_4(%arg0: i32) -> (i32, i32, i32) {
    %c0_i32 = arith.constant 0 : i32
    %c0_i32_0 = arith.constant 0 : i32
    %c0_i32_1 = arith.constant 0 : i32
    return %c0_i32, %arg0, %c0_i32_0 : i32, i32, i32
  }
  func.func @transform_5(%arg0: i32) -> (i32, i32, i32) {
    %c0_i32 = arith.constant 0 : i32
    %c0_i32_0 = arith.constant 0 : i32
    %c0_i32_1 = arith.constant 0 : i32
    return %c0_i32, %arg0, %c0_i32_0 : i32, i32, i32
  }
  func.func @transform_6(%arg0: i32) -> (i32, i32, i32) {
    %c0_i32 = arith.constant 0 : i32
    %c0_i32_0 = arith.constant 0 : i32
    %c0_i32_1 = arith.constant 0 : i32
    return %c0_i32, %arg0, %c0_i32_0 : i32, i32, i32
  }
  func.func @transform_7(%arg0: i32) -> (i32, i32, i32) {
    %c0_i32 = arith.constant 0 : i32
    %c0_i32_0 = arith.constant 0 : i32
    %c0_i32_1 = arith.constant 0 : i32
    return %c0_i32, %arg0, %c0_i32_0 : i32, i32, i32
  }
}

</mosaic_0001>

<sc_bundles>
// kernel: kernel.4.cloned.1.call-start
scs
__scs_entry_jumppad:
0x0: {  	(pc) =	sbr.rel $0x88, $3  }
0x1: {  	(tag) =	ssettag $0x0;
	lr =	simm.s32 $0x1  }
0x2: {  	[smem:$0x3F99] =	sst lr;
	_ =	strace $0xD0000000  }
0x3: {  	_ = 	snop  }
0x4: {  	_ = 	snop  }
0x5: {  	_ = 	snop  }
0x6: {  	_ = 	snop  }
0x7: {  	_ = 	snop  }
__scs_overlays_trampoline_lowered:
0x8: {  	[smem:$0x3FA8] =	sst s0  }
0x9: {  	[smem:$0x3FA9] =	sst s1  }
0xa: {  	[smem:$0x3FAA] =	sst s2  }
0xb: {  	[smem:$0x3FAB] =	sst s3  }
0xc: {  	[smem:$0x3FAC] =	sst s4  }
0xd: {  	[smem:$0x3FAD] =	sst s5  }
0xe: {  	[smem:$0x3FAE] =	sst s6  }
0xf: {  	[smem:$0x3FAF] =	sst s7  }
0x10: {  	[smem:$0x3FB0] =	sst s8  }
0x11: {  	[smem:$0x3FB1] =	sst s9;
	s0 =	simm.s32 @!p0 $0x0  }
0x12: {  	s1 =	sld [smem:$0x3F97];
	s0 =	simm.s32 @p0 $0x1  }
0x13: {  	[smem:$0x3FB2] =	sst s0;
	s0 =	simm.s32 @!p1 $0x0  }
0x14: {  	s2 =	sld [smem:$0x3F96];
	s0 =	simm.s32 @p1 $0x1  }
0x15: {  	[smem:$0x3FB3] =	sst s0;
	s0 =	simm.s32 @!p2 $0x0  }
0x16: {  	s3 =	sld [smem:$0x3FDB];
	s0 =	simm.s32 @p2 $0x1  }
0x17: {  	s4 =	simm.s32 $0x1BF5;
	[smem:$0x3FB5] =	sst s0  }
0x18: {  	s0 =	sld [smem:$0x3F98];
	_ =	swait.ge [sflag:s4], $0x0  }
0x19: {  	s7 =	sld [smem:$0x3F99]  }
0x1a: {  	s8 =	sadd.s32 $0xFFFFE003, lr  }
0x1b: {  	s9 =	sadd.s32 $0xFFFFFEF7, lr;
	s5 =	simm.s32 $0xFFFFFFFF;
	p2 =	slt.u32 s8, $0xFFFFF086  }
0x1c: {  	p1 =	slt.u32 s9, $0xF7A;
	s5 =	simm.s32 @!p2 $0x0  }
0x1d: {  	s5 =	simm.s32 @p1 $0x1;
	p0 =	seq.s32 s7, s2  }
0x1e: {  	s7 =	smul.u32 @!p0 $0xF7A, s2;
	p2 =	seq.s32 @!p0 s5, $0x0  }
0x1f: {  	s9 =	smul.u32 $0xF7A, s1;
	s8 =	simm.s32 @!p0 $0x1BF5;
	p2 =	por !p2, p0  }
0x20: {  	[sflag:s8] =	ssyncset.s32 @!p0 $0xFFFFF086;
	s6 =	sadd.s32 @!p0 s3, s7;
	s7 =	simm.s32 @!p0 $0x108  }
0x21: {  	s3 =	sadd.s32 s3, s9;
	s6 =	sadd.s32 @!p0 $0x88, s6;
	s7 =	simm.s32 @p2 $0x1082  }
0x22: {  	[simem:s7], [sflag:s8] =	dma.local @!p0 [hbm:s6], $0xF7A  }
0x23: {  	s9 =	sor.u32 $0xD0000000, s2;
	s6 =	simm.s32 $0x108;
	_ =	swait.ge @!p0 [sflag:s8], $0x0  }
0x24: {  	s3 =	sadd.s32 $0x88, s3;
	s6 =	simm.s32 @!p1 $0x1082;
	[sflag:s4] =	ssyncset.s32 $0xFFFFF086  }
0x25: {  	[simem:s6], [sflag:s4] =	dma.local [hbm:s3], $0xF7A  }
0x26: {  	[smem:$0x3F99] =	sst s1;
	(tag) =	ssettag s2;
	_ =	strace s9  }
0x27: {  	s1 =	sld [smem:$0x3FA9]  }
0x28: {  	s2 =	sld [smem:$0x3FAA]  }
0x29: {  	s4 =	sld [smem:$0x3FAC]  }
0x2a: {  	p0 =	seq.s32 s5, $0x0;
	s5 =	sld [smem:$0x3FAD]  }
0x2b: {  	s6 =	sld [smem:$0x3FAE]  }
0x2c: {  	s7 =	sld [smem:$0x3FAF]  }
0x2d: {  	s3 =	simm.s32 $0x108;
	s8 =	sld [smem:$0x3FB0]  }
0x2e: {  	s3 =	simm.s32 @!p0 $0x1082;
	s9 =	sld [smem:$0x3FB1]  }
0x2f: {  	lr =	sadd.s32 s0, s3;
	s0 =	sld [smem:$0x3FA8]  }
0x30: {  	s3 =	sld [smem:$0x3FAB]  }
0x31: {  	[smem:$0x3FB4] =	sst s10  }
0x32: {  	s10 =	sld [smem:$0x3FB2];
	_ =	sdelay $0x3  }
0x33: {  	p0 =	seq.s32 s10, $0x1;
	s10 =	sld [smem:$0x3FB4];
	_ =	sdelay $0x3  }
0x34: {  	[smem:$0x3FB4] =	sst s10  }
0x35: {  	s10 =	sld [smem:$0x3FB3];
	_ =	sdelay $0x3  }
0x36: {  	p1 =	seq.s32 s10, $0x1;
	s10 =	sld [smem:$0x3FB4];
	_ =	sdelay $0x3  }
0x37: {  	[smem:$0x3FB4] =	sst s10  }
0x38: {  	s10 =	sld [smem:$0x3FB5]  }
0x39: {  	_ = 	snop;
	(pc) =	sbr.ind lr, $3  }
0x3a: {  	_ = 	snop  }
0x3b: {  	_ = 	snop  }
0x3c: {  	p2 =	seq.s32 s10, $0x1;
	s10 =	sld [smem:$0x3FB4]  }
0x3d: {  	_ =	shalt  }
0x3e: {  	_ =	shalt  }
0x3f: {  	_ =	shalt  }
0x40: {  	_ =	shalt  }
0x41: {  	_ =	shalt  }
0x42: {  	_ =	shalt  }
0x43: {  	_ =	shalt  }
0x44: {  	_ =	shalt  }
0x45: {  	_ =	shalt  }
0x46: {  	_ =	shalt  }
0x47: {  	_ =	shalt  }
0x48: {  	_ =	shalt  }
0x49: {  	_ =	shalt  }
0x4a: {  	_ =	shalt  }
0x4b: {  	_ =	shalt  }
0x4c: {  	_ =	shalt  }
0x4d: {  	_ =	shalt  }
0x4e: {  	_ =	shalt  }
0x4f: {  	_ =	shalt  }
0x50: {  	_ =	shalt  }
0x51: {  	_ =	shalt  }
0x52: {  	_ =	shalt  }
0x53: {  	_ =	shalt  }
0x54: {  	_ =	shalt  }
0x55: {  	_ =	shalt  }
0x56: {  	_ =	shalt  }
0x57: {  	_ =	shalt  }
0x58: {  	_ =	shalt  }
0x59: {  	_ =	shalt  }
0x5a: {  	_ =	shalt  }
0x5b: {  	_ =	shalt  }
0x5c: {  	_ =	shalt  }
0x5d: {  	_ =	shalt  }
0x5e: {  	_ =	shalt  }
0x5f: {  	_ =	shalt  }
0x60: {  	_ =	shalt  }
0x61: {  	_ =	shalt  }
0x62: {  	_ =	shalt  }
0x63: {  	_ =	shalt  }
0x64: {  	_ =	shalt  }
0x65: {  	_ =	shalt  }
0x66: {  	_ =	shalt  }
0x67: {  	_ =	shalt  }
0x68: {  	_ =	shalt  }
0x69: {  	_ =	shalt  }
0x6a: {  	_ =	shalt  }
0x6b: {  	_ =	shalt  }
0x6c: {  	_ =	shalt  }
0x6d: {  	_ =	shalt  }
0x6e: {  	_ =	shalt  }
0x6f: {  	_ =	shalt  }
0x70: {  	_ =	shalt  }
0x71: {  	_ =	shalt  }
0x72: {  	_ =	shalt  }
0x73: {  	_ =	shalt  }
0x74: {  	_ =	shalt  }
0x75: {  	_ =	shalt  }
0x76: {  	_ =	shalt  }
0x77: {  	_ =	shalt  }
0x78: {  	_ =	shalt  }
0x79: {  	_ =	shalt  }
0x7a: {  	_ =	shalt  }
0x7b: {  	_ =	shalt  }
0x7c: {  	_ =	shalt  }
0x7d: {  	_ =	shalt  }
0x7e: {  	_ =	shalt  }
0x7f: {  	_ =	shalt  }
0x80: {  	_ =	shalt  }
0x81: {  	_ =	shalt  }
0x82: {  	_ =	shalt  }
0x83: {  	_ =	shalt  }
0x84: {  	_ =	shalt  }
0x85: {  	_ =	shalt  }
0x86: {  	_ =	shalt  }
0x87: {  	_ =	shalt  }
.Lfunc_end0:
.L_simem_size_0:
called_computation_lowered:
.L_overlay_start_0:
0x88: {  	s2 =	sld [smem:$0x3FD9]  }
0x89: {  	s3 =	sld [smem:$0x3FFE];
	_ =	sdelay $0x1  }
0x8a: {  	s1 =	srdreg.scid  }
0x8b: {  	s0 =	sand.u32 $0x1, s1  }
0x8c: {  	s17 =	sshll.u32 s0, $0xA;
	s2 =	sadd.s32 s3, s2  }
0x8d: {  	s2 =	sadd.s32 s2, s17  }
0x8e: {  	[smem:$0x3FC0] =	sst s2  }
0x8f: {  	_ = 	snop  }
0x90: {  	s2 =	sld [smem:$0x3FC6]  }
0x91: {  	s18 =	sld [smem:$0x3FC5]  }
0x92: {  	s4 =	sld [smem:$0x3FD0];
	(tm) =	ssettm $0x1  }
0x93: {  	s5 =	sld [smem:$0x3FFB];
	_ =	sdelay $0x3  }
0x94: {  	_ =	strace s5  }
0x95: {  	s5 =	sld [smem:$0x3FFC];
	_ =	sdelay $0x3  }
0x96: {  	_ =	strace s5  }
0x97: {  	s5 =	sld [smem:$0x3FFD];
	_ =	sdelay $0x3  }
0x98: {  	_ =	strace s5  }
0x99: {  	_ =	strace $0x8FFFFFFF  }
0x9a: {  	s19 =	sld [smem:$0x3FDB];
	_ =	sdelay $0x1  }
0x9b: {  	s6 =	simm.s32 $_scs_section_size  }
0x9c: {  	s7 =	simm.s32 $_size__tile_overlayer_lowered;
	s8 =	simm.s32 $_tile_overlayer_lowered  }
0x9d: {  	s22 =	simm.s32 $0x1BFF;
	s21 =	sshll.u32 s8, $0x1;
	s5 =	sadd.s32 s6, s19  }
0x9e: {  	s9 =	simm.s32 $0x0;
	s20 =	sshll.u32 s7, $0x1;
	s7 =	sadd.s32 s21, s5  }
0x9f: {  	[timem:s9], [sflag:s22] =	dma.local [hbm:s7], s20  }
0xa0: {  	_ =	swait.ge [sflag:s22], s20  }
0xa1: {  	s6 =	ssub.s32 $0x0, s20;
	[sflag:s22] =	ssyncset.done $0x0  }
0xa2: {  	[sflag:s22] =	ssyncadd.s32 s6;
	_ =	sdelay $0x1  }
0xa3: {  	s23 =	simm.s32 $0x1B8B  }
0xa4: {  	_ =	swait.ge [sflag:s23], $0x1  }
0xa5: {  	[sflag:s23] =	ssyncset.done $0x0  }
0xa6: {  	s25 =	simm.s32 $0x1B8E;
	s24 =	sld [smem:$0x3FFE];
	[sflag:s23] =	ssyncadd.s32 $0xFFFFFFFF  }
0xa7: {  	s26 =	simm.s32 $execute0_lowered;
	[smem:$0x3FD2] =	sst s25  }
0xa8: {  	s7 =	sshll.u32 s26, $0x1;
	_ =	strace $0x80000046;
	[dreg:$0x1] =	wrdreg $0xFFFFFFFF  }
0xa9: {  	s28 =	simm.s32 $_size_execute0_lowered;
	s5 =	sadd.s32 s5, s7;
	[dreg:$0x0] =	wrdreg $0x0  }
0xaa: {  	s7 =	sshll.u32 s28, $0x1;
	[dreg:$0x2] =	wrdreg s5  }
0xab: {  	[dreg:$0x3] =	wrdreg s7  }
0xac: {  	[dreg:$0x4] =	wrdreg $0xC0  }
0xad: {  	_ =	task [dreg:s9], $0x5FFFF  }
0xae: {  	[dreg:$0x1] =	wrdreg $0xFFFFFFFF  }
0xaf: {  	[dreg:$0x0] =	wrdreg $0x60  }
0xb0: {  	[dreg:$0x2] =	wrdreg s24  }
0xb1: {  	[dreg:$0x3] =	wrdreg s4  }
0xb2: {  	[dreg:$0x4] =	wrdreg s2  }
0xb3: {  	[dreg:$0x5] =	wrdreg s18  }
0xb4: {  	[dreg:$0x6] =	wrdreg $0x9  }
0xb5: {  	_ =	task.clear_ibuf [dreg:s9], $0x7FFFF;
	_ =	strace $0x90000046  }
0xb6: {  	s29 =	simm.s32 $0x9;
	_ =	strace $0x80000048  }
0xb7: {  	_ =	swait.ge [sflag:s29], $0x1  }
0xb8: {  	[sflag:s29] =	ssyncadd.s32 $0xFFFFFFFF  }
0xb9: {  	_ =	strace $0x90000048  }
0xba: {  	_ =	sfence  }
0xbb: {  	s30 =	sld [smem:$0x0];
	_ =	sdelay $0x2  }
0xbc: {  	s31 =	sshll.u32 s1, $0xD;
	s1 =	sshrl.u32 s1, $0x2  }
0xbd: {  	s3 =	sand.u32 $0x4000, s31;
	s1 =	sadd.s32 s1, s30  }
0xbe: {  	s0 =	sor.u32 s3, s0;
	s1 =	sshll.u32 s1, $0x11  }
0xbf: {  	s0 =	sor.u32 s1, s0  }
0xc0: {  	s0 =	sadd.s32 $0x8F2B, s0  }
0xc1: {  	[sflag:s0] =	ssyncadd.remote.s32 $0x1  }
0xc2: {  	_ =	sfence.sel $0xFFFF  }
0xc3: {  	[dreg:$0x0] =	wrdreg $0xFFFFFFFF;
	(pc) =	sbr.abs _section_cstart, $3  }
0xc4: {  	[dreg:$0x1] =	wrdreg $0xFFFFFFFF  }
0xc5: {  	_ =	task.clear_ibuf [dreg:s9], $0x2FFFF;
	_ =	strace $0x9FFFFFFF  }
0xc6: {  	(tm) =	ssettm $0x7FFFFFFF  }
0xc7: {  	_ =	shalt  }
tec
execute0_lowered:
.L_overlay_start_1:
0x0: {  	(tag) =	ssettag $0x1  }
0x1: {  	s0 =	rddreg [dreg:$0x0]  }
0x2: {  	s1 =	rddreg [dreg:$0x1];
	s2 =	srdreg.scid  }
0x3: {  	s5 =	simm.s32 $0x0;
	s4 =	stileid.u32;
	s2 =	sand.u32 $0x1, s2  }
0x4: {  	[smem:$0x7FF] =	sst s5;
	s6 =	sadd.s32 $0x2800, s0;
	s7 =	sadd.s32 $0x16800, s0  }
0x5: {  	s23 =	sadd.s32 $0x2A800, s0;
	s24 =	sadd.s32 $0x2AA00, s0;
	s3 =	sshll.u32 s2, $0x4  }
0x6: {  	s11 =	sadd.s32 $0x2AC00, s0;
	s2 =	ssub.s32 $0x2, s2;
	s3 =	sor.u32 s4, s3  }
0x7: {  	_ =	strace $0x80000047;
	s26 =	sshrl.u32 s2, $0x1;
	s9 =	smul.u32 $0xA, s3  }
0x8: {  	[dreg:$0x5] =	wrdreg s23;
	s25 =	smul.u32 $0xA00, s3;
	s0 =	ssub.s32 s2, s26  }
.Ltmp0:
0x9: {  	[dreg:$0x6] =	wrdreg s24;
	s0 =	smax.u32 s0, $0x1;
	(pc) =	sbr.rel .LBB2_1-.Ltmp0, $4  }
0xa: {  	s3 =	smul.u32 $0x1900, s3;
	s29 =	sadd.s32 s6, s25;
	[dreg:$0xa] =	wrdreg s0  }
0xb: {  	s22 =	simm.s32 $0x1;
	s30 =	sadd.s32 s7, s25;
	[dreg:$0x7] =	wrdreg s29  }
0xc: {  	s28 =	simm.s32 $0x2;
	s31 =	sadd.s32 s1, s3;
	[dreg:$0x8] =	wrdreg s30  }
0xd: {  	s15 =	sadd.s32 $0x2, s9;
	s3 =	simm.s32 $0x0;
	[dreg:$0x9] =	wrdreg s31  }
.LBB2_25:
0xe: {  	_ =	swait.ge [sflag:s22], $0x800  }
0xf: {  	[sflag:s22] =	ssyncset.done $0x0  }
0x10: {  	[sflag:s22] =	ssyncadd.s32 $0xFFFFF800  }
0x11: {  	_ =	swait.ge [sflag:s22], $0x800  }
0x12: {  	[sflag:s22] =	ssyncset.done $0x0  }
0x13: {  	[sflag:s22] =	ssyncadd.s32 $0xFFFFF800  }
0x14: {  	_ =	swait.ge [sflag:s22], $0x1100  }
0x15: {  	[sflag:s22] =	ssyncset.done $0x0  }
0x16: {  	s0 =	simm.s32 $0x3;
	[sflag:s22] =	ssyncadd.s32 $0xFFFFEF00  }
0x17: {  	_ =	swait.ge [sflag:s0], $0x800  }
0x18: {  	[sflag:s0] =	ssyncset.done $0x0  }
0x19: {  	s2 =	simm.s32 $0x4;
	[sflag:s0] =	ssyncadd.s32 $0xFFFFF800  }
0x1a: {  	_ =	swait.ge [sflag:s2], $0x800  }
0x1b: {  	s3 =	rddreg [dreg:$0xb]  }
0x1c: {  	s31 =	rddreg [dreg:$0xa];
	s3 =	sadd.s32 $0x1, s3  }
0x1d: {  	p0 =	sne.s32 s3, s31  }
.Ltmp1:
0x1e: {  	_ = 	snop;
	(pc) =	sbr.rel @!p0 .LBB2_26-.Ltmp1, $3  }
0x1f: {  	_ =	sdelay $0x1  }
0x20: {  	[sflag:s2] =	ssyncset.done $0x0  }
0x21: {  	[sflag:s2] =	ssyncadd.s32 $0xFFFFF800  }
.LBB2_1:
0x22: {  	[dreg:$0xb] =	wrdreg s3  }
0x23: {  	s0 =	rddreg [dreg:$0x5];
	s4 =	simm.s32 $0x5  }
0x24: {  	[tilespmem:s5], [sflag:$0x5] =	stream.linear.gather [hbm4b:s0+s5], $0x200, $0x38;
	[tilespmem:$0x5E80] =	vst v63  }
0x25: {  	_ =	swait.ge [sflag:s4], $0x200  }
0x26: {  	[sflag:s4] =	ssyncset.done $0x0  }
0x27: {  	[sflag:s4] =	ssyncadd.s32 $0xFFFFFE00  }
0x28: {  	s17 =	simm.s32 $0x200;
	s2 =	rddreg [dreg:$0x3]  }
0x29: {  	[tilespmem:s17], [sflag:$0x5] =	stream.linear.gather [hbm4b:s2+s5], $0x200, $0x38;
	[tilespmem:$0x5E80] =	vst v63  }
0x2a: {  	_ =	swait.ge [sflag:s4], $0x200  }
0x2b: {  	[sflag:s4] =	ssyncset.done $0x0  }
0x2c: {  	[sflag:s4] =	ssyncadd.s32 $0xFFFFFE00  }
0x2d: {  	s2 =	simm.s32 $0x400;
	s18 =	rddreg [dreg:$0x2]  }
0x2e: {  	[tilespmem:s2], [sflag:$0x5] =	stream.linear.gather [hbm4b:s18+s5], $0x200, $0x38;
	[tilespmem:$0x5E80] =	vst v63  }
0x2f: {  	_ =	swait.ge [sflag:s4], $0x200  }
0x30: {  	[sflag:s4] =	ssyncset.done $0x0  }
0x31: {  	s8 =	simm.s32 $0x600;
	s19 =	rddreg [dreg:$0x6];
	[sflag:s4] =	ssyncadd.s32 $0xFFFFFE00  }
0x32: {  	[tilespmem:s8], [sflag:$0x5] =	stream.linear.gather [hbm4b:s19+s5], $0x80, $0x38;
	[tilespmem:$0x5E80] =	vst v63  }
0x33: {  	_ =	swait.ge [sflag:s4], $0x80  }
0x34: {  	[sflag:s4] =	ssyncset.done $0x0  }
0x35: {  	[sflag:s4] =	ssyncadd.s32 $0xFFFFFF80  }
0x36: {  	v2 =	vld [tilespmem:s5+$0x0];
	_ =	sdelay $0x1  }
0x37: {  	v1 =	vld [tilespmem:s17+$0x0]  }
0x38: {  	v0 =	vld [tilespmem:s2+$0x0];
	_ =	sdelay $0x1  }
0x39: {  	(v2sf) =	vpush v2, $0x0;
	_ =	sdelay $0x1  }
0x3a: {  	(v2sf) =	vpush v1, $0x0  }
0x3b: {  	(v2sf) =	vpush v0, $0x0  }
0x3c: {  	(v2sf) =	vpush v2, $0x1  }
0x3d: {  	(v2sf) =	vpush v1, $0x1  }
0x3e: {  	(v2sf) =	vpush v0, $0x1  }
0x3f: {  	(v2sf) =	vpush v2, $0x2  }
0x40: {  	(v2sf) =	vpush v1, $0x2  }
0x41: {  	(v2sf) =	vpush v0, $0x2  }
0x42: {  	(v2sf) =	vpush v2, $0x3  }
0x43: {  	(v2sf) =	vpush v1, $0x3  }
0x44: {  	(v2sf) =	vpush v0, $0x3  }
0x45: {  	(v2sf) =	vpush v2, $0x4  }
0x46: {  	(v2sf) =	vpush v1, $0x4  }
0x47: {  	(v2sf) =	vpush v0, $0x4;
	s20 =	spop (v2sf)  }
0x48: {  	(v2sf) =	vpush v2, $0x5;
	[smem:$0x0] =	sst s20  }
0x49: {  	s0 =	spop (v2sf)  }
0x4a: {  	(v2sf) =	vpush v1, $0x5;
	[smem:$0x200] =	sst s0  }
0x4b: {  	s21 =	simm.s32 $0x400;
	s23 =	spop (v2sf)  }
0x4c: {  	(v2sf) =	vpush v0, $0x5;
	[smem:s21] =	sst s23;
	s24 =	spop (v2sf)  }
0x4d: {  	(v2sf) =	vpush v2, $0x6;
	[smem:$0x1] =	sst s24  }
0x4e: {  	s0 =	spop (v2sf)  }
0x4f: {  	(v2sf) =	vpush v1, $0x6;
	[smem:$0x201] =	sst s0  }
0x50: {  	s25 =	simm.s32 $0x401;
	s26 =	spop (v2sf)  }
0x51: {  	(v2sf) =	vpush v0, $0x6;
	[smem:s25] =	sst s26;
	s29 =	spop (v2sf)  }
0x52: {  	(v2sf) =	vpush v2, $0x7;
	[smem:$0x2] =	sst s29  }
0x53: {  	s0 =	spop (v2sf)  }
0x54: {  	(v2sf) =	vpush v1, $0x7;
	[smem:$0x202] =	sst s0  }
0x55: {  	s30 =	simm.s32 $0x402;
	s31 =	spop (v2sf)  }
0x56: {  	(v2sf) =	vpush v0, $0x7;
	[smem:s30] =	sst s31;
	s4 =	spop (v2sf)  }
0x57: {  	(v2sf) =	vpush v2, $0x8;
	[smem:$0x3] =	sst s4  }
0x58: {  	s0 =	spop (v2sf)  }
0x59: {  	(v2sf) =	vpush v1, $0x8;
	[smem:$0x203] =	sst s0  }
0x5a: {  	s8 =	simm.s32 $0x403;
	s10 =	spop (v2sf)  }
0x5b: {  	(v2sf) =	vpush v0, $0x8;
	[smem:s8] =	sst s10;
	s12 =	spop (v2sf)  }
0x5c: {  	(v2sf) =	vpush v2, $0x9;
	[smem:$0x4] =	sst s12  }
0x5d: {  	s0 =	spop (v2sf)  }
0x5e: {  	(v2sf) =	vpush v1, $0x9;
	[smem:$0x204] =	sst s0  }
0x5f: {  	s13 =	simm.s32 $0x404;
	s14 =	spop (v2sf)  }
0x60: {  	(v2sf) =	vpush v0, $0x9;
	[smem:s13] =	sst s14;
	s16 =	spop (v2sf)  }
0x61: {  	(v2sf) =	vpush v2, $0xA;
	[smem:$0x5] =	sst s16  }
0x62: {  	s0 =	spop (v2sf)  }
0x63: {  	(v2sf) =	vpush v1, $0xA;
	[smem:$0x205] =	sst s0  }
0x64: {  	s17 =	simm.s32 $0x405;
	s18 =	spop (v2sf)  }
0x65: {  	(v2sf) =	vpush v0, $0xA;
	[smem:s17] =	sst s18;
	s19 =	spop (v2sf)  }
0x66: {  	(v2sf) =	vpush v2, $0xB;
	[smem:$0x6] =	sst s19  }
0x67: {  	s0 =	spop (v2sf)  }
0x68: {  	(v2sf) =	vpush v1, $0xB;
	[smem:$0x206] =	sst s0  }
0x69: {  	s20 =	simm.s32 $0x406;
	s21 =	spop (v2sf)  }
0x6a: {  	(v2sf) =	vpush v0, $0xB;
	[smem:s20] =	sst s21;
	s23 =	spop (v2sf)  }
0x6b: {  	(v2sf) =	vpush v2, $0xC;
	[smem:$0x7] =	sst s23  }
0x6c: {  	s0 =	spop (v2sf)  }
0x6d: {  	(v2sf) =	vpush v1, $0xC;
	[smem:$0x207] =	sst s0  }
0x6e: {  	s24 =	simm.s32 $0x407;
	s25 =	spop (v2sf)  }
0x6f: {  	s3 =	simm.s32 $0x8;
	(v2sf) =	vpush v0, $0xC;
	[smem:s24] =	sst s25;
	s26 =	spop (v2sf)  }
0x70: {  	s4 =	simm.s32 $0x208;
	(v2sf) =	vpush v2, $0xD;
	[smem:s3] =	sst s26;
	s29 =	spop (v2sf)  }
0x71: {  	s8 =	simm.s32 $0x408;
	(v2sf) =	vpush v1, $0xD;
	[smem:s4] =	sst s29;
	s30 =	spop (v2sf)  }
0x72: {  	(v2sf) =	vpush v0, $0xD;
	[smem:s8] =	sst s30;
	s31 =	spop (v2sf)  }
0x73: {  	s10 =	simm.s32 $0x10;
	(v2sf) =	vpush v2, $0xE;
	[smem:$0x9] =	sst s31  }
0x74: {  	s12 =	simm.s32 $0x210;
	s13 =	simm.s32 $0x0;
	s0 =	spop (v2sf);
	(v2sf) =	vpush v1, $0xE  }
.LBB2_2:
0x75: {  	v3 =	vld [tilespmem:s10+$0x0];
	[smem:s4+$0x1] =	sst s0;
	s0 =	sadd.s32 $0x1, s8;
	s14 =	spop (v2sf);
	(v2sf) =	vpush v0, $0xE  }
0x76: {  	s2 =	sadd.s32 $0x10, s2;
	v4 =	vld [tilespmem:s12+$0x0];
	[smem:s0] =	sst s14;
	s0 =	spop (v2sf);
	(v2sf) =	vpush v2, $0xF  }
0x77: {  	v5 =	vld [tilespmem:s2+$0x0];
	[smem:s3+$0x2] =	sst s0;
	s0 =	spop (v2sf);
	(v2sf) =	vpush v1, $0xF  }
0x78: {  	[smem:s4+$0x2] =	sst s0;
	s0 =	sadd.s32 $0x2, s8;
	s14 =	spop (v2sf);
	(v2sf) =	vpush v0, $0xF  }
0x79: {  	[smem:s0] =	sst s14;
	s0 =	spop (v2sf)  }
0x7a: {  	(v2sf) =	vpush v3, $0x0;
	[smem:s3+$0x3] =	sst s0;
	s0 =	spop (v2sf);
	v2 =	vmov v3  }
0x7b: {  	(v2sf) =	vpush v4, $0x0;
	[smem:s4+$0x3] =	sst s0;
	s0 =	sadd.s32 $0x3, s8;
	s14 =	spop (v2sf);
	v1 =	vmov v4  }
0x7c: {  	(v2sf) =	vpush v5, $0x0;
	[smem:s0] =	sst s14;
	s0 =	spop (v2sf);
	v0 =	vmov v5  }
0x7d: {  	(v2sf) =	vpush v2, $0x1;
	[smem:s3+$0x4] =	sst s0;
	s0 =	spop (v2sf)  }
0x7e: {  	(v2sf) =	vpush v1, $0x1;
	[smem:s4+$0x4] =	sst s0;
	s0 =	sadd.s32 $0x4, s8;
	s14 =	spop (v2sf)  }
0x7f: {  	(v2sf) =	vpush v0, $0x1;
	[smem:s0] =	sst s14;
	s0 =	spop (v2sf)  }
0x80: {  	(v2sf) =	vpush v2, $0x2;
	[smem:s3+$0x5] =	sst s0;
	s0 =	spop (v2sf)  }
0x81: {  	(v2sf) =	vpush v1, $0x2;
	[smem:s4+$0x5] =	sst s0;
	s0 =	sadd.s32 $0x5, s8;
	s14 =	spop (v2sf)  }
0x82: {  	(v2sf) =	vpush v0, $0x2;
	[smem:s0] =	sst s14;
	s0 =	spop (v2sf)  }
0x83: {  	(v2sf) =	vpush v2, $0x3;
	[smem:s3+$0x6] =	sst s0;
	s0 =	spop (v2sf)  }
0x84: {  	(v2sf) =	vpush v1, $0x3;
	[smem:s4+$0x6] =	sst s0;
	s0 =	sadd.s32 $0x6, s8;
	s14 =	spop (v2sf)  }
0x85: {  	(v2sf) =	vpush v0, $0x3;
	[smem:s0] =	sst s14;
	s0 =	spop (v2sf)  }
0x86: {  	(v2sf) =	vpush v2, $0x4;
	[smem:s3+$0x7] =	sst s0;
	s0 =	spop (v2sf)  }
0x87: {  	(v2sf) =	vpush v1, $0x4;
	[smem:s4+$0x7] =	sst s0;
	s0 =	sadd.s32 $0x7, s8;
	s14 =	spop (v2sf)  }
0x88: {  	p0 =	por $0x1, $0x1;
	(v2sf) =	vpush v0, $0x4;
	[smem:s0] =	sst s14  }
0x89: {  	s3 =	sadd.s32 $0x10, s3;
	s4 =	sadd.s32 $0x10, s4;
	s0 =	spop (v2sf);
	(v2sf) =	vpush v2, $0x5  }
0x8a: {  	s8 =	sadd.s32 $0x10, s8;
	[smem:s3+$0xFFFFFFF8] =	sst s0;
	s0 =	spop (v2sf);
	(v2sf) =	vpush v1, $0x5  }
0x8b: {  	[smem:s4+$0xFFFFFFF8] =	sst s0;
	s0 =	sadd.s32 $0xFFFFFFF8, s8;
	s14 =	spop (v2sf);
	(v2sf) =	vpush v0, $0x5  }
0x8c: {  	[smem:s0] =	sst s14;
	s0 =	spop (v2sf);
	(v2sf) =	vpush v2, $0x6  }
0x8d: {  	[smem:s3+$0xFFFFFFF9] =	sst s0;
	s0 =	spop (v2sf);
	(v2sf) =	vpush v1, $0x6  }
0x8e: {  	[smem:s4+$0xFFFFFFF9] =	sst s0;
	s0 =	sadd.s32 $0xFFFFFFF9, s8;
	s14 =	spop (v2sf);
	(v2sf) =	vpush v0, $0x6  }
0x8f: {  	[smem:s0] =	sst s14;
	s0 =	spop (v2sf);
	(v2sf) =	vpush v2, $0x7  }
0x90: {  	[smem:s3+$0xFFFFFFFA] =	sst s0;
	s0 =	spop (v2sf);
	(v2sf) =	vpush v1, $0x7  }
0x91: {  	[smem:s4+$0xFFFFFFFA] =	sst s0;
	s0 =	sadd.s32 $0xFFFFFFFA, s8;
	s14 =	spop (v2sf);
	(v2sf) =	vpush v0, $0x7  }
0x92: {  	[smem:s0] =	sst s14;
	s0 =	spop (v2sf);
	(v2sf) =	vpush v2, $0x8  }
0x93: {  	[smem:s3+$0xFFFFFFFB] =	sst s0;
	s0 =	spop (v2sf);
	(v2sf) =	vpush v1, $0x8  }
0x94: {  	[smem:s4+$0xFFFFFFFB] =	sst s0;
	s0 =	sadd.s32 $0xFFFFFFFB, s8;
	s14 =	spop (v2sf);
	(v2sf) =	vpush v0, $0x8  }
0x95: {  	[smem:s0] =	sst s14;
	s0 =	spop (v2sf);
	(v2sf) =	vpush v2, $0x9  }
0x96: {  	[smem:s3+$0xFFFFFFFC] =	sst s0;
	s0 =	spop (v2sf);
	(v2sf) =	vpush v1, $0x9  }
0x97: {  	[smem:s4+$0xFFFFFFFC] =	sst s0;
	s0 =	sadd.s32 $0xFFFFFFFC, s8;
	s14 =	spop (v2sf);
	(v2sf) =	vpush v0, $0x9  }
0x98: {  	[smem:s0] =	sst s14;
	s0 =	spop (v2sf);
	(v2sf) =	vpush v2, $0xA  }
0x99: {  	[smem:s3+$0xFFFFFFFD] =	sst s0;
	s0 =	spop (v2sf);
	(v2sf) =	vpush v1, $0xA  }
0x9a: {  	[smem:s4+$0xFFFFFFFD] =	sst s0;
	s0 =	sadd.s32 $0xFFFFFFFD, s8;
	s14 =	spop (v2sf);
	(v2sf) =	vpush v0, $0xA  }
0x9b: {  	[smem:s0] =	sst s14;
	s0 =	spop (v2sf);
	(v2sf) =	vpush v2, $0xB  }
0x9c: {  	[smem:s3+$0xFFFFFFFE] =	sst s0;
	s0 =	spop (v2sf);
	(v2sf) =	vpush v1, $0xB  }
0x9d: {  	[smem:s4+$0xFFFFFFFE] =	sst s0;
	s0 =	sadd.s32 $0xFFFFFFFE, s8;
	s14 =	spop (v2sf);
	(v2sf) =	vpush v0, $0xB  }
0x9e: {  	[smem:s0] =	sst s14;
	s0 =	spop (v2sf);
	(v2sf) =	vpush v2, $0xC  }
0x9f: {  	s13 =	sadd.s32 $0x10, s13;
	[smem:s3+$0xFFFFFFFF] =	sst s0;
	s0 =	spop (v2sf);
	(v2sf) =	vpush v1, $0xC  }
0xa0: {  	[smem:s4+$0xFFFFFFFF] =	sst s0;
	s0 =	sadd.s32 $0xFFFFFFFF, s8;
	s14 =	spop (v2sf);
	(v2sf) =	vpush v0, $0xC  }
0xa1: {  	p1 =	slt.u32 s13, $0x1F0;
	[smem:s0] =	sst s14  }
.Ltmp2:
0xa2: {  	s0 =	spop (v2sf);
	(v2sf) =	vpush v2, $0xD;
	(pc) =	sbr.rel @p1 .LBB2_2-.Ltmp2, $4  }
0xa3: {  	s10 =	sadd.s32 $0x10, s10;
	[smem:s3] =	sst s0;
	s0 =	spop (v2sf);
	(v2sf) =	vpush v1, $0xD  }
0xa4: {  	s12 =	sadd.s32 $0x10, s12;
	[smem:s4] =	sst s0;
	s0 =	spop (v2sf);
	(v2sf) =	vpush v0, $0xD  }
0xa5: {  	[smem:s8] =	sst s0;
	s0 =	spop (v2sf);
	(v2sf) =	vpush v2, $0xE  }
0xa6: {  	[smem:s3+$0x1] =	sst s0;
	s0 =	spop (v2sf);
	(v2sf) =	vpush v1, $0xE  }
0xa7: {  	[smem:s4+$0x1] =	sst s0;
	s23 =	sadd.s32 $0x1, s8;
	s2 =	spop (v2sf);
	(v2sf) =	vpush v0, $0xE  }
0xa8: {  	[smem:s23] =	sst s2;
	s24 =	spop (v2sf);
	(v2sf) =	vpush v2, $0xF  }
0xa9: {  	[smem:s3+$0x2] =	sst s24;
	s25 =	spop (v2sf);
	(v2sf) =	vpush v1, $0xF  }
0xaa: {  	s26 =	sadd.s32 $0x2, s8;
	[smem:s4+$0x2] =	sst s25;
	s29 =	spop (v2sf);
	(v2sf) =	vpush v0, $0xF  }
0xab: {  	[smem:s26] =	sst s29;
	s30 =	spop (v2sf)  }
0xac: {  	[smem:s3+$0x3] =	sst s30;
	s31 =	spop (v2sf)  }
0xad: {  	s2 =	sadd.s32 $0x3, s8;
	[smem:s4+$0x3] =	sst s31;
	s10 =	spop (v2sf)  }
0xae: {  	[smem:s2] =	sst s10;
	s12 =	spop (v2sf)  }
0xaf: {  	[smem:s3+$0x4] =	sst s12;
	s13 =	spop (v2sf)  }
0xb0: {  	s14 =	sadd.s32 $0x4, s8;
	[smem:s4+$0x4] =	sst s13;
	s16 =	spop (v2sf)  }
0xb1: {  	[smem:s14] =	sst s16;
	s17 =	spop (v2sf)  }
0xb2: {  	[smem:s3+$0x5] =	sst s17;
	s18 =	spop (v2sf)  }
0xb3: {  	s19 =	sadd.s32 $0x5, s8;
	[smem:s4+$0x5] =	sst s18;
	s20 =	spop (v2sf)  }
0xb4: {  	[smem:s19] =	sst s20;
	s21 =	spop (v2sf)  }
0xb5: {  	[smem:s3+$0x6] =	sst s21;
	s23 =	spop (v2sf)  }
0xb6: {  	s24 =	sadd.s32 $0x6, s8;
	[smem:s4+$0x6] =	sst s23;
	s25 =	spop (v2sf)  }
0xb7: {  	[smem:s24] =	sst s25;
	s26 =	spop (v2sf)  }
0xb8: {  	[smem:s3+$0x7] =	sst s26;
	s29 =	spop (v2sf)  }
0xb9: {  	s30 =	sadd.s32 $0x7, s8;
	[smem:s4+$0x7] =	sst s29;
	s31 =	spop (v2sf)  }
0xba: {  	s0 =	simm.s32 $0x0;
	[smem:s30] =	sst s31  }
.LBB2_4:
0xbb: {  	v0 =	vld [tilespmem:s0+$0x600];
	_ =	sdelay $0x4  }
0xbc: {  	(v2sf) =	vpush v0, $0x0  }
0xbd: {  	(v2sf) =	vpush v0, $0x1  }
0xbe: {  	(v2sf) =	vpush v0, $0x2  }
0xbf: {  	(v2sf) =	vpush v0, $0x3  }
0xc0: {  	(v2sf) =	vpush v0, $0x4  }
0xc1: {  	(v2sf) =	vpush v0, $0x5  }
0xc2: {  	(v2sf) =	vpush v0, $0x6  }
0xc3: {  	(v2sf) =	vpush v0, $0x7  }
0xc4: {  	(v2sf) =	vpush v0, $0x8  }
0xc5: {  	(v2sf) =	vpush v0, $0x9  }
0xc6: {  	(v2sf) =	vpush v0, $0xA  }
0xc7: {  	(v2sf) =	vpush v0, $0xB;
	_ =	sdelay $0x1  }
0xc8: {  	(v2sf) =	vpush v0, $0xC  }
0xc9: {  	(v2sf) =	vpush v0, $0xD  }
0xca: {  	(v2sf) =	vpush v0, $0xE;
	s2 =	spop (v2sf)  }
0xcb: {  	(v2sf) =	vpush v0, $0xF;
	[smem:s0+$0x600] =	sst s2;
	s13 =	spop (v2sf)  }
0xcc: {  	[smem:s0+$0x601] =	sst s13;
	s14 =	spop (v2sf)  }
0xcd: {  	[smem:s0+$0x602] =	sst s14;
	s16 =	spop (v2sf)  }
0xce: {  	[smem:s0+$0x603] =	sst s16;
	s17 =	spop (v2sf)  }
0xcf: {  	[smem:s0+$0x604] =	sst s17;
	s18 =	spop (v2sf)  }
0xd0: {  	[smem:s0+$0x605] =	sst s18;
	s19 =	spop (v2sf)  }
0xd1: {  	[smem:s0+$0x606] =	sst s19;
	s20 =	spop (v2sf)  }
0xd2: {  	[smem:s0+$0x607] =	sst s20;
	s21 =	spop (v2sf)  }
0xd3: {  	[smem:s0+$0x608] =	sst s21;
	s23 =	spop (v2sf)  }
0xd4: {  	[smem:s0+$0x609] =	sst s23;
	s24 =	spop (v2sf)  }
0xd5: {  	[smem:s0+$0x60A] =	sst s24;
	s25 =	spop (v2sf)  }
0xd6: {  	p1 =	por p0, p0;
	[smem:s0+$0x60B] =	sst s25  }
.Ltmp3:
0xd7: {  	s26 =	spop (v2sf);
	(pc) =	sbr.rel @p1 .LBB2_4-.Ltmp3, $4  }
0xd8: {  	[smem:s0+$0x60C] =	sst s26;
	s29 =	spop (v2sf)  }
0xd9: {  	[smem:s0+$0x60D] =	sst s29;
	s30 =	spop (v2sf)  }
0xda: {  	[smem:s0+$0x60E] =	sst s30;
	s31 =	spop (v2sf)  }
0xdb: {  	p0 =	por $0x0, $0x0;
	[smem:s0+$0x60F] =	sst s31;
	s0 =	simm.s32 $0x10  }
0xdc: {  	s4 =	simm.s32 $0x0;
	s0 =	rddreg [dreg:$0x7];
	s2 =	simm.s32 $0x680  }
0xdd: {  	[tilespmem:s2], [sflag:$0x1] =	stream.linear.gather [hbm4b:s0+s4], $0x800, $0x38;
	[tilespmem:$0x5E80] =	vst v63  }
.Ltmp4:
0xde: {  	_ = 	snop;
	(pc) =	sbr.rel .LBB2_6-.Ltmp4, $4  }
0xdf: {  	s26 =	rddreg [dreg:$0x8];
	s29 =	simm.s32 $0xE80  }
0xe0: {  	[tilespmem:s29], [sflag:$0x1] =	stream.linear.gather [hbm4b:s26+s4], $0x800, $0x38;
	[tilespmem:$0x5E80] =	vst v63  }
0xe1: {  	s30 =	rddreg [dreg:$0x9];
	s31 =	simm.s32 $0x1680  }
0xe2: {  	[tilespmem:s31], [sflag:$0x1] =	stream.linear.gather [hbm4b:s30+s4], $0x1100, $0x38;
	[tilespmem:$0x5E80] =	vst v63  }
.LBB2_24:
0xe3: {  	s4 =	sadd.s32 $0x1, s4  }
0xe4: {  	p0 =	sne.s32 s4, $0x5  }
.Ltmp5:
0xe5: {  	_ = 	snop;
	(pc) =	sbr.rel @!p0 .LBB2_25-.Ltmp5, $3  }
0xe6: {  	_ =	sdelay $0x1  }
0xe7: {  	s0 =	sadd.s32 s11, s2;
	s31 =	simm.s32 $0x5680  }
0xe8: {  	[hbm4b:s0+s5] =	stream.linear.scatter [tilespmem:s31], [sflag:$0x4], $0x800, $0x38;
	[tilespmem:$0x5E80] =	vst v63  }
.LBB2_6:
0xe9: {  	_ =	swait.ge [sflag:s22], $0x800  }
0xea: {  	[sflag:s22] =	ssyncset.done $0x0  }
0xeb: {  	[sflag:s22] =	ssyncadd.s32 $0xFFFFF800  }
0xec: {  	s3 =	sshll.u32 s4, $0x1;
	_ =	swait.ge [sflag:s22], $0x800  }
0xed: {  	s18 =	sadd.s32 s9, s3;
	[sflag:s22] =	ssyncset.done $0x0  }
0xee: {  	s0 =	sadd.s32 $0x1, s18;
	[sflag:s22] =	ssyncadd.s32 $0xFFFFF800  }
0xef: {  	s2 =	sshll.u32 s0, $0x8;
	_ =	swait.ge [sflag:s22], $0x1100  }
0xf0: {  	s2 =	sand.u32 $0x1FFFFF00, s2;
	[sflag:s22] =	ssyncset.done $0x0  }
0xf1: {  	s10 =	simm.s32 $0x2A80;
	s8 =	sadd.s32 s6, s2;
	[sflag:s22] =	ssyncadd.s32 $0xFFFFEF00  }
0xf2: {  	[tilespmem:s10], [sflag:$0x2] =	stream.linear.gather [hbm4b:s8+s5], $0x800, $0x38;
	[tilespmem:$0x5E80] =	vst v63  }
0xf3: {  	s30 =	simm.s32 $0x3280;
	s0 =	smul.u32 $0x280, s0;
	s29 =	sadd.s32 s7, s2  }
0xf4: {  	[tilespmem:s30], [sflag:$0x2] =	stream.linear.gather [hbm4b:s29+s5], $0x800, $0x38;
	[tilespmem:$0x5E80] =	vst v63  }
0xf5: {  	s31 =	simm.s32 $0x3A80;
	s0 =	sadd.s32 s1, s0  }
0xf6: {  	[tilespmem:s31], [sflag:$0x2] =	stream.linear.gather [hbm4b:s0+s5], $0x1100, $0x38;
	[tilespmem:$0x5E80] =	vst v63  }
.Ltmp6:
0xf7: {  	p0 =	seq.s32 s4, $0x0;
	(pc) =	sbr.rel .LBB2_7-.Ltmp6, $4  }
0xf8: {  	s0 =	simm.s32 @!p0 $0x3  }
0xf9: {  	_ =	swait.ge @!p0 [sflag:s0], $0x800  }
0xfa: {  	[sflag:s0] =	ssyncset.done @!p0 $0x0  }
0xfb: {  	s8 =	simm.s32 $0x0;
	[sflag:s0] =	ssyncadd.s32 @!p0 $0xFFFFF800  }
.LBB2_14:
0xfc: {  	s0 =	sshll.u32 s8, $0x7  }
0xfd: {  	s0 =	sand.u32 $0x3FFFFF80, s0  }
0xfe: {  	[tilespmem:s0+$0x4E80] =	vst v2  }
0xff: {  	s8 =	sadd.s32 $0x1, s8;
	[tilespmem:s0+$0x4E90] =	vst v3  }
0x100: {  	p1 =	sne.s32 s8, $0x10;
	[tilespmem:s0+$0x4EA0] =	vst v7  }
.Ltmp7:
0x101: {  	[tilespmem:s0+$0x4EB0] =	vst v1;
	(pc) =	sbr.rel @!p1 .LBB2_15-.Ltmp7, $4  }
0x102: {  	[tilespmem:s0+$0x4EC0] =	vst v0  }
0x103: {  	[tilespmem:s0+$0x4ED0] =	vst v4  }
0x104: {  	[tilespmem:s0+$0x4EE0] =	vst v5  }
0x105: {  	[tilespmem:s0+$0x4EF0] =	vst v6  }
.LBB2_7:
0x106: {  	s0 =	sld [smem:s8+$0x600]  }
0x107: {  	s10 =	sld [smem:s8+$0x601];
	_ =	sdelay $0x2  }
0x108: {  	s12 =	ssub.s32 s10, s0  }
0x109: {  	s13 =	sshrl.u32 s12, $0x1F  }
0x10a: {  	s13 =	sadd.s32 s13, s12  }
0x10b: {  	s13 =	sand.u32 $0xFFFFFFFE, s13  }
0x10c: {  	s14 =	sadd.s32 s0, s13  }
0x10d: {  	p1 =	sge.s32 s0, s14  }
.Ltmp8:
0x10e: {  	_ = 	snop;
	(pc) =	sbr.rel @p1 .LBB2_11-.Ltmp8, $4  }
0x10f: {  	_ = 	snop  }
0x110: {  	v2 =	vimm.f32 $0.0e+00;
	v3 =	vimm.f32 $0.0e+00  }
0x111: {  	v7 =	vimm.f32 $0.0e+00;
	v1 =	vimm.f32 $0.0e+00;
	v0 =	vimm.f32 $0.0e+00  }
0x112: {  	v4 =	vimm.f32 $0.0e+00;
	v5 =	vimm.f32 $0.0e+00;
	v6 =	vimm.f32 $0.0e+00  }
0x113: {  	s16 =	sshll.u32 s0, $0x2  }
0x114: {  	s16 =	sshra.s32 s16, $0x2  }
0x115: {  	s19 =	sadd.s32 $0x1, s16  }
0x116: {  	s25 =	sadd.s32 $0x201, s16;
	s17 =	sld [smem:s19+$0xFFFFFFFF]  }
0x117: {  	s23 =	sld [smem:s25+$0x0];
	_ =	sdelay $0x1  }
0x118: {  	s20 =	sshll.u32 s17, $0x7  }
0x119: {  	s23 =	sshll.u32 s23, $0x9;
	s20 =	sand.u32 $0x7F80, s20  }
0x11a: {  	s30 =	sshra.s32 s23, $0x2;
	v3 =	vld [tilespmem:s20+$0x690]  }
0x11b: {  	v4 =	vld [tilespmem:s30+$0x16B0]  }
0x11c: {  	v5 =	vld [tilespmem:s30+$0x16C0]  }
0x11d: {  	v2 =	vld [tilespmem:s30+$0x16F0]  }
0x11e: {  	s17 =	sshrl.u32 s17, $0x1;
	v6 =	vld [tilespmem:s30+$0x16A0]  }
0x11f: {  	s24 =	sand.u32 $0x7FFFFF80, s17;
	v1 =	vld [tilespmem:s30+$0x16E0]  }
0x120: {  	v7 =	vld [tilespmem:s24+$0xEA0]  }
0x121: {  	v9 =	vld [tilespmem:s30+$0x16D0]  }
0x122: {  	v8 =	vld [tilespmem:s24+$0xE90]  }
0x123: {  	v10 =	vld [tilespmem:s30+$0x1680]  }
0x124: {  	s26 =	sld [smem:s19+$0x0];
	v11 =	vld [tilespmem:s20+$0x6B0]  }
0x125: {  	v13 =	vld [tilespmem:s24+$0xEB0]  }
0x126: {  	v12 =	vld [tilespmem:s20+$0x6C0]  }
0x127: {  	s29 =	sshrl.u32 s26, $0x1;
	v16 =	vld [tilespmem:s20+$0x6A0]  }
0x128: {  	s23 =	sand.u32 $0x7FFFFF80, s29;
	v18 =	vld [tilespmem:s24+$0xEF0]  }
0x129: {  	v19 =	vld [tilespmem:s23+$0xEA0]  }
0x12a: {  	v20 =	vld [tilespmem:s23+$0xEC0]  }
0x12b: {  	v22 =	vld [tilespmem:s20+$0x6D0]  }
0x12c: {  	v14 =	vld [tilespmem:s24+$0xEE0]  }
0x12d: {  	v24 =	vld [tilespmem:s24+$0xED0]  }
0x12e: {  	v25 =	vld [tilespmem:s20+$0x6F0]  }
0x12f: {  	v15 =	vld [tilespmem:s23+$0xEF0]  }
0x130: {  	v28 =	vld [tilespmem:s23+$0xEB0]  }
0x131: {  	v29 =	vld [tilespmem:s20+$0x680]  }
0x132: {  	v30 =	vld [tilespmem:s23+$0xED0]  }
0x133: {  	s17 =	sshll.u32 s26, $0x7;
	v31 =	vld [tilespmem:s23+$0xE80]  }
0x134: {  	s26 =	sld [smem:s25+$0xFFFFFFFF];
	s17 =	sand.u32 $0x7F80, s17;
	v32 =	vld [tilespmem:s24+$0xE80]  }
0x135: {  	v23 =	vld [tilespmem:s17+$0x6A0]  }
0x136: {  	v21 =	vld [tilespmem:s17+$0x6B0]  }
0x137: {  	v26 =	vld [tilespmem:s17+$0x6C0];
	s26 =	sshll.u32 s26, $0x9  }
0x138: {  	v27 =	vld [tilespmem:s17+$0x680];
	s26 =	sshra.s32 s26, $0x2  }
0x139: {  	v33 =	vld [tilespmem:s26+$0x1680];
	v17 =	vmul.f32 v8, v3  }
0x13a: {  	s16 =	sadd.s32 $0x401, s16;
	v7 =	vmul.f32 v7, v16;
	v16 =	vld [tilespmem:s26+$0x16A0];
	v3 =	vmul.f32 v19, v23  }
0x13b: {  	s31 =	sld [smem:s16+$0x0];
	v11 =	vmul.f32 v13, v11;
	v13 =	vmul.f32 v24, v22;
	v19 =	vld [tilespmem:s17+$0x6D0]  }
0x13c: {  	v24 =	vmul.f32 v18, v25;
	v22 =	vld [tilespmem:s26+$0x16B0];
	v3 =	vmul.f32 v6, v3  }
0x13d: {  	v23 =	vld [tilespmem:s23+$0xEE0];
	v6 =	vmul.f32 v31, v27;
	v31 =	vmul.f32 v20, v26  }
0x13e: {  	s0 =	sadd.s32 $0x2, s0;
	v27 =	vld [tilespmem:s26+$0x1690];
	v8 =	vmul.f32 s31, v3;
	v3 =	vmul.f32 v32, v29  }
0x13f: {  	p1 =	slt.s32 s0, s14;
	v26 =	vld [tilespmem:s26+$0x16F0];
	v16 =	vmul.f32 v16, v7;
	v7 =	vmul.f32 v28, v21  }
.Ltmp9:
0x140: {  	v0 =	vimm.f32 $0.0e+00;
	v29 =	vld [tilespmem:s24+$0xEC0];
	v32 =	vmul.f32 v5, v31;
	v18 =	vmul.f32 v30, v19;
	(pc) =	sbr.rel @!p1 .LBB2_10-.Ltmp9, $4  }
0x141: {  	v28 =	vld [tilespmem:s17+$0x6F0];
	v5 =	vimm.f32 $0.0e+00;
	v25 =	vmul.f32 v33, v3;
	v3 =	vmul.f32 v10, v6  }
0x142: {  	v31 =	vld [tilespmem:s20+$0x6E0];
	v20 =	vmul.f32 v4, v7;
	v10 =	vimm.f32 $0.0e+00;
	v7 =	vimm.f32 $0.0e+00  }
0x143: {  	v30 =	vld [tilespmem:s26+$0x16C0];
	v4 =	vimm.f32 $0.0e+00;
	v6 =	vimm.f32 $0.0e+00;
	v21 =	vmul.f32 v9, v18  }
0x144: {  	s25 =	sadd.s32 $0x2, s25;
	s20 =	sld [smem:s16+$0xFFFFFFFF];
	s24 =	sadd.s32 $0x2, s19;
	v19 =	vld [tilespmem:s17+$0x6E0];
	v9 =	vimm.f32 $0.0e+00;
	v18 =	vmul.f32 s31, v3;
	v3 =	vimm.f32 $0.0e+00  }
.LBB2_9:
0x145: {  	s19 =	sld [smem:s24+$0xFFFFFFFF];
	s0 =	sadd.s32 $0x2, s0;
	v17 =	vmul.f32 v27, v17;
	v27 =	vld [tilespmem:s23+$0xE90];
	v33 =	vmul.f32 s31, v20;
	s16 =	sadd.s32 $0x2, s16  }
0x146: {  	v12 =	vmul.f32 v29, v12;
	s23 =	sld [smem:s25+$0x0];
	p1 =	slt.s32 s0, s14;
	v29 =	vld [tilespmem:s17+$0x690];
	v32 =	vmul.f32 s31, v32  }
0x147: {  	v24 =	vmul.f32 v26, v24;
	v15 =	vmul.f32 v15, v28;
	s21 =	sld [smem:s24+$0x0];
	v34 =	vld [tilespmem:s26+$0x16D0]  }
0x148: {  	v12 =	vmul.f32 v30, v12;
	s17 =	sshll.u32 s19, $0x7;
	s19 =	sshrl.u32 s19, $0x1;
	v14 =	vmul.f32 v14, v31;
	v26 =	vld [tilespmem:s30+$0x1690]  }
0x149: {  	v15 =	vmul.f32 v2, v15;
	s29 =	sand.u32 $0x7F80, s17;
	s17 =	sshll.u32 s23, $0x9;
	v28 =	vld [tilespmem:s26+$0x16E0];
	v23 =	vmul.f32 v23, v19  }
0x14a: {  	v25 =	vmul.f32 s20, v25;
	s19 =	sand.u32 $0x7FFFFF80, s19;
	v2 =	vmul.f32 s20, v12;
	v30 =	vld [tilespmem:s29+$0x690];
	s23 =	sshll.u32 s21, $0x7;
	s30 =	sshra.s32 s17, $0x2  }
0x14b: {  	v11 =	vmul.f32 v22, v11;
	v12 =	vmul.f32 s20, v24;
	v20 =	vld [tilespmem:s30+$0x16B0]  }
0x14c: {  	v0 =	vadd.f32 v2, v0;
	v22 =	vmul.f32 v27, v29;
	v1 =	vmul.f32 v1, v23;
	v19 =	vld [tilespmem:s30+$0x16C0]  }
0x14d: {  	v11 =	vmul.f32 s20, v11;
	v10 =	vadd.f32 v25, v10;
	v13 =	vmul.f32 v34, v13;
	v2 =	vld [tilespmem:s30+$0x16F0]  }
0x14e: {  	v17 =	vmul.f32 s20, v17;
	v0 =	vadd.f32 v32, v0;
	v23 =	vmul.f32 s31, v1;
	v25 =	vld [tilespmem:s30+$0x16A0]  }
0x14f: {  	v7 =	vadd.f32 v11, v7;
	v11 =	vmul.f32 v28, v14;
	v14 =	vmul.f32 s31, v21;
	v1 =	vld [tilespmem:s30+$0x16E0]  }
0x150: {  	v16 =	vmul.f32 s20, v16;
	s21 =	sshrl.u32 s21, $0x1;
	s17 =	sand.u32 $0x7F80, s23;
	v9 =	vadd.f32 v12, v9;
	v12 =	vmul.f32 v26, v22;
	v21 =	vld [tilespmem:s19+$0xEA0]  }
0x151: {  	s23 =	sand.u32 $0x7FFFFF80, s21;
	v7 =	vadd.f32 v33, v7;
	v13 =	vmul.f32 s20, v13;
	v11 =	vmul.f32 s20, v11;
	v32 =	vld [tilespmem:s30+$0x16D0]  }
0x152: {  	v4 =	vadd.f32 v17, v4;
	v10 =	vadd.f32 v18, v10;
	v12 =	vmul.f32 s31, v12;
	v22 =	vld [tilespmem:s19+$0xE90]  }
0x153: {  	v5 =	vadd.f32 v13, v5;
	v6 =	vadd.f32 v11, v6;
	v11 =	vmul.f32 s31, v15;
	v18 =	vld [tilespmem:s30+$0x1680]  }
0x154: {  	v3 =	vadd.f32 v16, v3;
	v4 =	vadd.f32 v12, v4;
	v13 =	vld [tilespmem:s29+$0x6B0]  }
0x155: {  	v5 =	vadd.f32 v14, v5;
	v6 =	vadd.f32 v23, v6;
	s20 =	sld [smem:s25+$0xFFFFFFFF];
	v15 =	vld [tilespmem:s19+$0xEB0]  }
0x156: {  	v3 =	vadd.f32 v8, v3;
	v9 =	vadd.f32 v11, v9;
	v12 =	vld [tilespmem:s29+$0x6C0]  }
0x157: {  	v17 =	vmul.f32 v22, v30;
	v8 =	vld [tilespmem:s29+$0x6A0]  }
0x158: {  	s20 =	sshll.u32 s20, $0x9;
	v16 =	vld [tilespmem:s19+$0xEF0]  }
0x159: {  	s26 =	sshra.s32 s20, $0x2;
	v22 =	vld [tilespmem:s23+$0xEA0]  }
0x15a: {  	v11 =	vmul.f32 v15, v13;
	v28 =	vld [tilespmem:s23+$0xEC0]  }
0x15b: {  	v30 =	vld [tilespmem:s17+$0x6B0]  }
0x15c: {  	v21 =	vmul.f32 v21, v8;
	v8 =	vld [tilespmem:s29+$0x6D0]  }
0x15d: {  	v14 =	vld [tilespmem:s19+$0xEE0]  }
0x15e: {  	v26 =	vld [tilespmem:s17+$0x6A0]  }
0x15f: {  	v13 =	vld [tilespmem:s19+$0xED0]  }
0x160: {  	v23 =	vld [tilespmem:s29+$0x6F0]  }
0x161: {  	v15 =	vld [tilespmem:s23+$0xEF0]  }
0x162: {  	v31 =	vld [tilespmem:s23+$0xEB0]  }
0x163: {  	v33 =	vld [tilespmem:s17+$0x6C0]  }
0x164: {  	v34 =	vld [tilespmem:s26+$0x1680];
	v13 =	vmul.f32 v13, v8  }
0x165: {  	v24 =	vmul.f32 v16, v23;
	v8 =	vld [tilespmem:s17+$0x680]  }
0x166: {  	v16 =	vld [tilespmem:s29+$0x680]  }
0x167: {  	v35 =	vld [tilespmem:s23+$0xED0]  }
0x168: {  	v27 =	vld [tilespmem:s23+$0xE80]  }
0x169: {  	v23 =	vld [tilespmem:s23+$0xEE0]  }
0x16a: {  	v22 =	vmul.f32 v22, v26;
	v29 =	vld [tilespmem:s19+$0xE80]  }
0x16b: {  	s31 =	sld [smem:s16+$0x0];
	v36 =	vld [tilespmem:s17+$0x6D0]  }
0x16c: {  	v25 =	vmul.f32 v25, v22;
	v37 =	vld [tilespmem:s26+$0x16A0]  }
0x16d: {  	v22 =	vld [tilespmem:s26+$0x16B0];
	v38 =	vmul.f32 v27, v8  }
0x16e: {  	v27 =	vld [tilespmem:s26+$0x1690];
	v8 =	vmul.f32 s31, v25  }
0x16f: {  	v25 =	vmul.f32 v29, v16;
	v26 =	vld [tilespmem:s26+$0x16F0]  }
.Ltmp10:
0x170: {  	v33 =	vmul.f32 v28, v33;
	v29 =	vld [tilespmem:s19+$0xEC0];
	v35 =	vmul.f32 v35, v36;
	(pc) =	sbr.rel @p1 .LBB2_9-.Ltmp10, $4  }
0x171: {  	v16 =	vmul.f32 v37, v21;
	v21 =	vmul.f32 v31, v30;
	v28 =	vld [tilespmem:s17+$0x6F0]  }
0x172: {  	v18 =	vmul.f32 v18, v38;
	v25 =	vmul.f32 v34, v25;
	v30 =	vld [tilespmem:s26+$0x16C0]  }
0x173: {  	v31 =	vld [tilespmem:s29+$0x6E0];
	v20 =	vmul.f32 v20, v21;
	v21 =	vmul.f32 v32, v35  }
0x174: {  	s24 =	sadd.s32 $0x2, s24;
	s25 =	sadd.s32 $0x2, s25;
	v18 =	vmul.f32 s31, v18;
	v32 =	vmul.f32 v19, v33;
	s20 =	sld [smem:s16+$0xFFFFFFFF];
	v19 =	vld [tilespmem:s17+$0x6E0]  }
.LBB2_10:
0x175: {  	v17 =	vmul.f32 v27, v17;
	v20 =	vmul.f32 s31, v20  }
0x176: {  	v12 =	vmul.f32 v29, v12;
	v24 =	vmul.f32 v26, v24  }
0x177: {  	v54 =	vld [tilespmem:s23+$0xE90];
	v11 =	vmul.f32 v22, v11;
	v32 =	vmul.f32 s31, v32  }
0x178: {  	v55 =	vld [tilespmem:s17+$0x690];
	v15 =	vmul.f32 v15, v28;
	v25 =	vmul.f32 s20, v25  }
0x179: {  	v56 =	vld [tilespmem:s26+$0x16D0];
	v59 =	vmul.f32 s20, v24;
	v11 =	vmul.f32 s20, v11  }
0x17a: {  	v57 =	vld [tilespmem:s26+$0x16E0];
	v17 =	vmul.f32 s20, v17;
	v12 =	vmul.f32 v30, v12  }
0x17b: {  	v58 =	vld [tilespmem:s30+$0x1690];
	v60 =	vmul.f32 s20, v16;
	v19 =	vmul.f32 v23, v19  }
0x17c: {  	v15 =	vmul.f32 v2, v15;
	v2 =	vmul.f32 s20, v12  }
0x17d: {  	v14 =	vmul.f32 v14, v31;
	v10 =	vadd.f32 v25, v10;
	v1 =	vmul.f32 v1, v19  }
0x17e: {  	v13 =	vmul.f32 v56, v13;
	v0 =	vadd.f32 v2, v0;
	v2 =	vmul.f32 v54, v55  }
0x17f: {  	v19 =	vmul.f32 s31, v1;
	v1 =	vadd.f32 v11, v7;
	v7 =	vmul.f32 v57, v14  }
0x180: {  	v9 =	vadd.f32 v59, v9;
	v13 =	vmul.f32 s20, v13;
	v12 =	vmul.f32 v58, v2  }
0x181: {  	v4 =	vadd.f32 v17, v4;
	v0 =	vadd.f32 v32, v0;
	v7 =	vmul.f32 s20, v7  }
0x182: {  	v2 =	vadd.f32 v18, v10;
	v5 =	vadd.f32 v13, v5;
	v61 =	vmul.f32 s31, v12  }
0x183: {  	v62 =	vmul.f32 s31, v21;
	v1 =	vadd.f32 v20, v1;
	v6 =	vadd.f32 v7, v6  }
0x184: {  	v63 =	vmul.f32 s31, v15;
	v7 =	vadd.f32 v60, v3;
	v3 =	vadd.f32 v61, v4  }
0x185: {  	v4 =	vadd.f32 v62, v5;
	v5 =	vadd.f32 v19, v6  }
0x186: {  	v7 =	vadd.f32 v8, v7;
	v6 =	vadd.f32 v63, v9  }
.LBB2_11:
0x187: {  	p1 =	sge.s32 s14, s10  }
.Ltmp11:
0x188: {  	_ = 	snop;
	(pc) =	sbr.rel @p1 .LBB2_14-.Ltmp11, $1  }
0x189: {  	_ =	sdelay $0x3  }
0x18a: {  	s0 =	ssub.s32 s12, s13  }
0x18b: {  	s10 =	sshll.u32 s10, $0x2;
	s12 =	sshll.u32 s0, $0x2  }
0x18c: {  	s10 =	ssub.s32 s10, s12  }
0x18d: {  	s10 =	sshra.s32 s10, $0x2  }
0x18e: {  	s12 =	sadd.s32 $0x400, s10;
	s13 =	sadd.s32 $0x200, s10  }
.LBB2_13:
0x18f: {  	s14 =	sld [smem:s10+$0x0];
	_ =	sdelay $0x1  }
0x190: {  	s16 =	sld [smem:s13+$0x0]  }
0x191: {  	s17 =	sshll.u32 s14, $0x7  }
0x192: {  	s14 =	sshrl.u32 s14, $0x1;
	s17 =	sand.u32 $0x7F80, s17  }
0x193: {  	s16 =	sshll.u32 s16, $0x9;
	s14 =	sand.u32 $0x7FFFFF80, s14;
	v8 =	vld [tilespmem:s17+$0x680]  }
0x194: {  	s16 =	sshra.s32 s16, $0x2;
	v9 =	vld [tilespmem:s14+$0xE80]  }
0x195: {  	v10 =	vld [tilespmem:s16+$0x1680]  }
0x196: {  	v11 =	vld [tilespmem:s17+$0x690]  }
0x197: {  	v12 =	vld [tilespmem:s14+$0xE90]  }
0x198: {  	v13 =	vld [tilespmem:s16+$0x1690]  }
0x199: {  	v14 =	vld [tilespmem:s17+$0x6A0]  }
0x19a: {  	v15 =	vld [tilespmem:s14+$0xEA0]  }
0x19b: {  	v16 =	vld [tilespmem:s16+$0x16A0]  }
0x19c: {  	v17 =	vld [tilespmem:s17+$0x6B0]  }
0x19d: {  	v18 =	vld [tilespmem:s14+$0xEB0]  }
0x19e: {  	v19 =	vld [tilespmem:s16+$0x16B0]  }
0x19f: {  	v20 =	vld [tilespmem:s17+$0x6C0]  }
0x1a0: {  	v21 =	vld [tilespmem:s14+$0xEC0]  }
0x1a1: {  	v23 =	vld [tilespmem:s17+$0x6D0]  }
0x1a2: {  	v24 =	vld [tilespmem:s14+$0xED0]  }
0x1a3: {  	v49 =	vld [tilespmem:s17+$0x6E0]  }
0x1a4: {  	v50 =	vld [tilespmem:s14+$0xEE0]  }
0x1a5: {  	v22 =	vld [tilespmem:s16+$0x16C0]  }
0x1a6: {  	v25 =	vld [tilespmem:s16+$0x16D0];
	v8 =	vmul.f32 v9, v8  }
0x1a7: {  	v51 =	vld [tilespmem:s17+$0x6F0];
	v48 =	vmul.f32 v12, v11;
	v52 =	vmul.f32 v15, v14  }
0x1a8: {  	v54 =	vld [tilespmem:s14+$0xEF0];
	v53 =	vmul.f32 v18, v17;
	v55 =	vmul.f32 v21, v20  }
0x1a9: {  	v56 =	vmul.f32 v24, v23;
	v11 =	vmul.f32 v50, v49  }
0x1aa: {  	s31 =	sld [smem:s12+$0x0];
	v58 =	vld [tilespmem:s16+$0x16F0];
	v8 =	vmul.f32 v10, v8;
	v9 =	vmul.f32 v13, v48  }
0x1ab: {  	v57 =	vld [tilespmem:s16+$0x16E0];
	v13 =	vmul.f32 v16, v52;
	v14 =	vmul.f32 v19, v53  }
0x1ac: {  	v17 =	vmul.f32 v22, v55;
	v18 =	vmul.f32 v25, v56  }
0x1ad: {  	v10 =	vmul.f32 v54, v51;
	v8 =	vmul.f32 s31, v8  }
0x1ae: {  	v9 =	vmul.f32 s31, v9;
	v59 =	vmul.f32 s31, v13  }
0x1af: {  	p1 =	sne.s32 s0, $0x1;
	v60 =	vmul.f32 v58, v10;
	v61 =	vmul.f32 s31, v14  }
.Ltmp12:
0x1b0: {  	v62 =	vmul.f32 s31, v17;
	v2 =	vadd.f32 v8, v2;
	v8 =	vmul.f32 v57, v11;
	(pc) =	sbr.rel @p1 .LBB2_13-.Ltmp12, $4  }
0x1b1: {  	v63 =	vmul.f32 s31, v18;
	v3 =	vadd.f32 v9, v3;
	v7 =	vadd.f32 v59, v7  }
0x1b2: {  	v1 =	vadd.f32 v61, v1;
	v9 =	vmul.f32 s31, v60;
	v8 =	vmul.f32 s31, v8  }
0x1b3: {  	s12 =	sadd.s32 $0x1, s12;
	v0 =	vadd.f32 v62, v0;
	v4 =	vadd.f32 v63, v4  }
0x1b4: {  	s13 =	sadd.s32 $0x1, s13;
	s10 =	sadd.s32 $0x1, s10;
	s0 =	sadd.s32 $0xFFFFFFFF, s0;
	v6 =	vadd.f32 v9, v6;
	v5 =	vadd.f32 v8, v5  }
.Ltmp13:
0x1b5: {  	_ = 	snop;
	(pc) =	sbr.rel .LBB2_14-.Ltmp13, $1  }
0x1b6: {  	_ =	sdelay $0x3  }
.LBB2_15:
0x1b7: {  	s0 =	sshll.u32 s18, $0x8  }
0x1b8: {  	s8 =	simm.s32 $0x4E80;
	s0 =	sadd.s32 s11, s0  }
0x1b9: {  	[hbm4b:s0+s5] =	stream.linear.scatter [tilespmem:s8], [sflag:$0x3], $0x800, $0x38;
	[tilespmem:$0x5E80] =	vst v63  }
0x1ba: {  	_ =	swait.ge [sflag:s28], $0x800  }
0x1bb: {  	[sflag:s28] =	ssyncset.done $0x0  }
0x1bc: {  	[sflag:s28] =	ssyncadd.s32 $0xFFFFF800  }
0x1bd: {  	_ =	swait.ge [sflag:s28], $0x800  }
0x1be: {  	[sflag:s28] =	ssyncset.done $0x0  }
0x1bf: {  	s25 =	smin.u32 s3, $0x7;
	[sflag:s28] =	ssyncadd.s32 $0xFFFFF800  }
0x1c0: {  	s0 =	sadd.s32 s25, s15;
	_ =	swait.ge [sflag:s28], $0x1100  }
0x1c1: {  	s26 =	sshll.u32 s0, $0x8;
	[sflag:s28] =	ssyncset.done $0x0  }
0x1c2: {  	s10 =	simm.s32 $0x680;
	s29 =	sadd.s32 s6, s26;
	[sflag:s28] =	ssyncadd.s32 $0xFFFFEF00  }
0x1c3: {  	[tilespmem:s10], [sflag:$0x1] =	stream.linear.gather [hbm4b:s29+s5], $0x800, $0x38;
	[tilespmem:$0x5E80] =	vst v63  }
0x1c4: {  	s30 =	simm.s32 $0xE80;
	s0 =	smul.u32 $0x280, s0;
	s3 =	sadd.s32 s7, s26  }
0x1c5: {  	[tilespmem:s30], [sflag:$0x1] =	stream.linear.gather [hbm4b:s3+s5], $0x800, $0x38;
	[tilespmem:$0x5E80] =	vst v63  }
0x1c6: {  	s31 =	simm.s32 $0x1680;
	s0 =	sadd.s32 s1, s0  }
0x1c7: {  	[tilespmem:s31], [sflag:$0x1] =	stream.linear.gather [hbm4b:s0+s5], $0x1100, $0x38;
	[tilespmem:$0x5E80] =	vst v63  }
.Ltmp14:
0x1c8: {  	_ = 	snop;
	(pc) =	sbr.rel .LBB2_16-.Ltmp14, $4  }
0x1c9: {  	s0 =	simm.s32 @!p0 $0x4  }
0x1ca: {  	_ =	swait.ge @!p0 [sflag:s0], $0x800  }
0x1cb: {  	[sflag:s0] =	ssyncset.done @!p0 $0x0  }
0x1cc: {  	s3 =	simm.s32 $0x0;
	[sflag:s0] =	ssyncadd.s32 @!p0 $0xFFFFF800  }
.LBB2_23:
0x1cd: {  	s0 =	sshll.u32 s3, $0x7  }
0x1ce: {  	s0 =	sand.u32 $0x3FFFFF80, s0  }
0x1cf: {  	[tilespmem:s0+$0x5680] =	vst v2  }
0x1d0: {  	s3 =	sadd.s32 $0x1, s3;
	[tilespmem:s0+$0x5690] =	vst v3  }
0x1d1: {  	p0 =	sne.s32 s3, $0x10;
	[tilespmem:s0+$0x56A0] =	vst v7  }
.Ltmp15:
0x1d2: {  	[tilespmem:s0+$0x56B0] =	vst v1;
	(pc) =	sbr.rel @!p0 .LBB2_24-.Ltmp15, $4  }
0x1d3: {  	[tilespmem:s0+$0x56C0] =	vst v0  }
0x1d4: {  	[tilespmem:s0+$0x56D0] =	vst v4  }
0x1d5: {  	[tilespmem:s0+$0x56E0] =	vst v5  }
0x1d6: {  	[tilespmem:s0+$0x56F0] =	vst v6  }
.LBB2_16:
0x1d7: {  	s0 =	sld [smem:s3+$0x600]  }
0x1d8: {  	s8 =	sld [smem:s3+$0x601];
	_ =	sdelay $0x2  }
0x1d9: {  	s10 =	ssub.s32 s8, s0  }
0x1da: {  	s12 =	sshrl.u32 s10, $0x1F  }
0x1db: {  	s12 =	sadd.s32 s12, s10  }
0x1dc: {  	s12 =	sand.u32 $0xFFFFFFFE, s12  }
0x1dd: {  	s13 =	sadd.s32 s0, s12  }
0x1de: {  	p0 =	sge.s32 s0, s13  }
.Ltmp16:
0x1df: {  	_ = 	snop;
	(pc) =	sbr.rel @p0 .LBB2_20-.Ltmp16, $4  }
0x1e0: {  	_ = 	snop  }
0x1e1: {  	v2 =	vimm.f32 $0.0e+00;
	v3 =	vimm.f32 $0.0e+00  }
0x1e2: {  	v7 =	vimm.f32 $0.0e+00;
	v1 =	vimm.f32 $0.0e+00;
	v0 =	vimm.f32 $0.0e+00  }
0x1e3: {  	v4 =	vimm.f32 $0.0e+00;
	v5 =	vimm.f32 $0.0e+00;
	v6 =	vimm.f32 $0.0e+00  }
0x1e4: {  	s14 =	sshll.u32 s0, $0x2  }
0x1e5: {  	s14 =	sshra.s32 s14, $0x2  }
0x1e6: {  	s19 =	sadd.s32 $0x1, s14  }
0x1e7: {  	s25 =	sadd.s32 $0x201, s14;
	s17 =	sld [smem:s19+$0xFFFFFFFF]  }
0x1e8: {  	s16 =	sld [smem:s25+$0x0];
	_ =	sdelay $0x1  }
0x1e9: {  	s18 =	sshll.u32 s17, $0x7  }
0x1ea: {  	s16 =	sshll.u32 s16, $0x9;
	s20 =	sand.u32 $0x7F80, s18  }
0x1eb: {  	s16 =	sshra.s32 s16, $0x2;
	v3 =	vld [tilespmem:s20+$0x2A90]  }
0x1ec: {  	v4 =	vld [tilespmem:s16+$0x3AB0]  }
0x1ed: {  	v5 =	vld [tilespmem:s16+$0x3AC0]  }
0x1ee: {  	v2 =	vld [tilespmem:s16+$0x3AF0]  }
0x1ef: {  	s17 =	sshrl.u32 s17, $0x1;
	v6 =	vld [tilespmem:s16+$0x3AA0]  }
0x1f0: {  	s21 =	sand.u32 $0x7FFFFF80, s17;
	v1 =	vld [tilespmem:s16+$0x3AE0]  }
0x1f1: {  	v7 =	vld [tilespmem:s21+$0x32A0]  }
0x1f2: {  	v9 =	vld [tilespmem:s16+$0x3AD0]  }
0x1f3: {  	v8 =	vld [tilespmem:s21+$0x3290]  }
0x1f4: {  	v10 =	vld [tilespmem:s16+$0x3A80]  }
0x1f5: {  	s29 =	sld [smem:s19+$0x0];
	v11 =	vld [tilespmem:s20+$0x2AB0]  }
0x1f6: {  	v13 =	vld [tilespmem:s21+$0x32B0]  }
0x1f7: {  	v12 =	vld [tilespmem:s20+$0x2AC0]  }
0x1f8: {  	s30 =	sshrl.u32 s29, $0x1;
	v16 =	vld [tilespmem:s20+$0x2AA0]  }
0x1f9: {  	s23 =	sand.u32 $0x7FFFFF80, s30;
	v18 =	vld [tilespmem:s21+$0x32F0]  }
0x1fa: {  	v19 =	vld [tilespmem:s23+$0x32A0]  }
0x1fb: {  	v20 =	vld [tilespmem:s23+$0x32C0]  }
0x1fc: {  	v22 =	vld [tilespmem:s20+$0x2AD0]  }
0x1fd: {  	v14 =	vld [tilespmem:s21+$0x32E0]  }
0x1fe: {  	v24 =	vld [tilespmem:s21+$0x32D0]  }
0x1ff: {  	v25 =	vld [tilespmem:s20+$0x2AF0]  }
0x200: {  	v15 =	vld [tilespmem:s23+$0x32F0]  }
0x201: {  	v28 =	vld [tilespmem:s23+$0x32B0]  }
0x202: {  	v29 =	vld [tilespmem:s20+$0x2A80]  }
0x203: {  	v30 =	vld [tilespmem:s23+$0x32D0]  }
0x204: {  	s17 =	sshll.u32 s29, $0x7;
	v31 =	vld [tilespmem:s23+$0x3280]  }
0x205: {  	s31 =	sld [smem:s25+$0xFFFFFFFF];
	s17 =	sand.u32 $0x7F80, s17;
	v32 =	vld [tilespmem:s21+$0x3280]  }
0x206: {  	v23 =	vld [tilespmem:s17+$0x2AA0]  }
0x207: {  	v21 =	vld [tilespmem:s17+$0x2AB0]  }
0x208: {  	s18 =	sshll.u32 s31, $0x9;
	v26 =	vld [tilespmem:s17+$0x2AC0]  }
0x209: {  	s26 =	sshra.s32 s18, $0x2;
	v27 =	vld [tilespmem:s17+$0x2A80]  }
0x20a: {  	v33 =	vld [tilespmem:s26+$0x3A80];
	v17 =	vmul.f32 v8, v3  }
0x20b: {  	s14 =	sadd.s32 $0x401, s14;
	v7 =	vmul.f32 v7, v16;
	v16 =	vld [tilespmem:s26+$0x3AA0];
	v3 =	vmul.f32 v19, v23  }
0x20c: {  	s18 =	sld [smem:s14+$0x0];
	v11 =	vmul.f32 v13, v11;
	v13 =	vmul.f32 v24, v22;
	v19 =	vld [tilespmem:s17+$0x2AD0]  }
0x20d: {  	v24 =	vmul.f32 v18, v25;
	v22 =	vld [tilespmem:s26+$0x3AB0];
	v3 =	vmul.f32 v6, v3  }
0x20e: {  	v23 =	vld [tilespmem:s23+$0x32E0];
	v6 =	vmul.f32 v31, v27;
	v31 =	vmul.f32 v20, v26  }
0x20f: {  	s0 =	sadd.s32 $0x2, s0;
	v27 =	vld [tilespmem:s26+$0x3A90];
	v8 =	vmul.f32 s18, v3;
	v3 =	vmul.f32 v32, v29  }
0x210: {  	p0 =	slt.s32 s0, s13;
	v26 =	vld [tilespmem:s26+$0x3AF0];
	v16 =	vmul.f32 v16, v7;
	v7 =	vmul.f32 v28, v21  }
.Ltmp17:
0x211: {  	v0 =	vimm.f32 $0.0e+00;
	v29 =	vld [tilespmem:s21+$0x32C0];
	v32 =	vmul.f32 v5, v31;
	v18 =	vmul.f32 v30, v19;
	(pc) =	sbr.rel @!p0 .LBB2_19-.Ltmp17, $4  }
0x212: {  	v28 =	vld [tilespmem:s17+$0x2AF0];
	v5 =	vimm.f32 $0.0e+00;
	v25 =	vmul.f32 v33, v3;
	v3 =	vmul.f32 v10, v6  }
0x213: {  	v31 =	vld [tilespmem:s20+$0x2AE0];
	v20 =	vmul.f32 v4, v7;
	v10 =	vimm.f32 $0.0e+00;
	v7 =	vimm.f32 $0.0e+00  }
0x214: {  	v30 =	vld [tilespmem:s26+$0x3AC0];
	v4 =	vimm.f32 $0.0e+00;
	v6 =	vimm.f32 $0.0e+00;
	v21 =	vmul.f32 v9, v18  }
0x215: {  	s24 =	sadd.s32 $0x2, s19;
	s25 =	sadd.s32 $0x2, s25;
	s20 =	sld [smem:s14+$0xFFFFFFFF];
	v19 =	vld [tilespmem:s17+$0x2AE0];
	v9 =	vimm.f32 $0.0e+00;
	v18 =	vmul.f32 s18, v3;
	v3 =	vimm.f32 $0.0e+00  }
.LBB2_18:
0x216: {  	s19 =	sld [smem:s24+$0xFFFFFFFF];
	s0 =	sadd.s32 $0x2, s0;
	v17 =	vmul.f32 v27, v17;
	v27 =	vld [tilespmem:s23+$0x3290];
	v33 =	vmul.f32 s18, v20;
	s14 =	sadd.s32 $0x2, s14  }
0x217: {  	v12 =	vmul.f32 v29, v12;
	s21 =	sld [smem:s25+$0x0];
	p0 =	slt.s32 s0, s13;
	v29 =	vld [tilespmem:s17+$0x2A90];
	v32 =	vmul.f32 s18, v32  }
0x218: {  	v24 =	vmul.f32 v26, v24;
	v15 =	vmul.f32 v15, v28;
	s23 =	sld [smem:s24+$0x0];
	v34 =	vld [tilespmem:s26+$0x3AD0]  }
0x219: {  	v12 =	vmul.f32 v30, v12;
	s17 =	sshll.u32 s19, $0x7;
	s19 =	sshrl.u32 s19, $0x1;
	v14 =	vmul.f32 v14, v31;
	v26 =	vld [tilespmem:s16+$0x3A90]  }
0x21a: {  	v15 =	vmul.f32 v2, v15;
	s29 =	sand.u32 $0x7F80, s17;
	s16 =	sshll.u32 s21, $0x9;
	v28 =	vld [tilespmem:s26+$0x3AE0];
	v23 =	vmul.f32 v23, v19  }
0x21b: {  	v25 =	vmul.f32 s20, v25;
	s19 =	sand.u32 $0x7FFFFF80, s19;
	v2 =	vmul.f32 s20, v12;
	v30 =	vld [tilespmem:s29+$0x2A90];
	s17 =	sshll.u32 s23, $0x7;
	s16 =	sshra.s32 s16, $0x2  }
0x21c: {  	v11 =	vmul.f32 v22, v11;
	v12 =	vmul.f32 s20, v24;
	v20 =	vld [tilespmem:s16+$0x3AB0]  }
0x21d: {  	v0 =	vadd.f32 v2, v0;
	v22 =	vmul.f32 v27, v29;
	v1 =	vmul.f32 v1, v23;
	v19 =	vld [tilespmem:s16+$0x3AC0]  }
0x21e: {  	v11 =	vmul.f32 s20, v11;
	v10 =	vadd.f32 v25, v10;
	v13 =	vmul.f32 v34, v13;
	v2 =	vld [tilespmem:s16+$0x3AF0]  }
0x21f: {  	v17 =	vmul.f32 s20, v17;
	v0 =	vadd.f32 v32, v0;
	v23 =	vmul.f32 s18, v1;
	v25 =	vld [tilespmem:s16+$0x3AA0]  }
0x220: {  	v7 =	vadd.f32 v11, v7;
	v11 =	vmul.f32 v28, v14;
	v14 =	vmul.f32 s18, v21;
	v1 =	vld [tilespmem:s16+$0x3AE0]  }
0x221: {  	v16 =	vmul.f32 s20, v16;
	s21 =	sshrl.u32 s23, $0x1;
	s17 =	sand.u32 $0x7F80, s17;
	v9 =	vadd.f32 v12, v9;
	v12 =	vmul.f32 v26, v22;
	v21 =	vld [tilespmem:s19+$0x32A0]  }
0x222: {  	s23 =	sand.u32 $0x7FFFFF80, s21;
	v7 =	vadd.f32 v33, v7;
	v13 =	vmul.f32 s20, v13;
	v11 =	vmul.f32 s20, v11;
	v32 =	vld [tilespmem:s16+$0x3AD0]  }
0x223: {  	v4 =	vadd.f32 v17, v4;
	v10 =	vadd.f32 v18, v10;
	v12 =	vmul.f32 s18, v12;
	v22 =	vld [tilespmem:s19+$0x3290]  }
0x224: {  	v5 =	vadd.f32 v13, v5;
	v6 =	vadd.f32 v11, v6;
	v11 =	vmul.f32 s18, v15;
	v18 =	vld [tilespmem:s16+$0x3A80]  }
0x225: {  	v3 =	vadd.f32 v16, v3;
	v4 =	vadd.f32 v12, v4;
	v13 =	vld [tilespmem:s29+$0x2AB0]  }
0x226: {  	v5 =	vadd.f32 v14, v5;
	v6 =	vadd.f32 v23, v6;
	s18 =	sld [smem:s25+$0xFFFFFFFF];
	v15 =	vld [tilespmem:s19+$0x32B0]  }
0x227: {  	v3 =	vadd.f32 v8, v3;
	v9 =	vadd.f32 v11, v9;
	v12 =	vld [tilespmem:s29+$0x2AC0]  }
0x228: {  	v17 =	vmul.f32 v22, v30;
	v8 =	vld [tilespmem:s29+$0x2AA0]  }
0x229: {  	s18 =	sshll.u32 s18, $0x9;
	v16 =	vld [tilespmem:s19+$0x32F0]  }
0x22a: {  	s26 =	sshra.s32 s18, $0x2;
	v22 =	vld [tilespmem:s23+$0x32A0]  }
0x22b: {  	v11 =	vmul.f32 v15, v13;
	v28 =	vld [tilespmem:s23+$0x32C0]  }
0x22c: {  	v30 =	vld [tilespmem:s17+$0x2AB0]  }
0x22d: {  	v21 =	vmul.f32 v21, v8;
	v8 =	vld [tilespmem:s29+$0x2AD0]  }
0x22e: {  	v14 =	vld [tilespmem:s19+$0x32E0]  }
0x22f: {  	v26 =	vld [tilespmem:s17+$0x2AA0]  }
0x230: {  	v13 =	vld [tilespmem:s19+$0x32D0]  }
0x231: {  	v23 =	vld [tilespmem:s29+$0x2AF0]  }
0x232: {  	v15 =	vld [tilespmem:s23+$0x32F0]  }
0x233: {  	v31 =	vld [tilespmem:s23+$0x32B0]  }
0x234: {  	v33 =	vld [tilespmem:s17+$0x2AC0]  }
0x235: {  	v34 =	vld [tilespmem:s26+$0x3A80];
	v13 =	vmul.f32 v13, v8  }
0x236: {  	v24 =	vmul.f32 v16, v23;
	v8 =	vld [tilespmem:s17+$0x2A80]  }
0x237: {  	v16 =	vld [tilespmem:s29+$0x2A80]  }
0x238: {  	v35 =	vld [tilespmem:s23+$0x32D0]  }
0x239: {  	v27 =	vld [tilespmem:s23+$0x3280]  }
0x23a: {  	v23 =	vld [tilespmem:s23+$0x32E0]  }
0x23b: {  	v22 =	vmul.f32 v22, v26;
	v29 =	vld [tilespmem:s19+$0x3280]  }
0x23c: {  	s18 =	sld [smem:s14+$0x0];
	v36 =	vld [tilespmem:s17+$0x2AD0]  }
0x23d: {  	v25 =	vmul.f32 v25, v22;
	v37 =	vld [tilespmem:s26+$0x3AA0]  }
0x23e: {  	v22 =	vld [tilespmem:s26+$0x3AB0];
	v38 =	vmul.f32 v27, v8  }
0x23f: {  	v27 =	vld [tilespmem:s26+$0x3A90];
	v8 =	vmul.f32 s18, v25  }
0x240: {  	v25 =	vmul.f32 v29, v16;
	v26 =	vld [tilespmem:s26+$0x3AF0]  }
.Ltmp18:
0x241: {  	v33 =	vmul.f32 v28, v33;
	v29 =	vld [tilespmem:s19+$0x32C0];
	v35 =	vmul.f32 v35, v36;
	(pc) =	sbr.rel @p0 .LBB2_18-.Ltmp18, $4  }
0x242: {  	v16 =	vmul.f32 v37, v21;
	v21 =	vmul.f32 v31, v30;
	v28 =	vld [tilespmem:s17+$0x2AF0]  }
0x243: {  	v18 =	vmul.f32 v18, v38;
	v25 =	vmul.f32 v34, v25;
	v30 =	vld [tilespmem:s26+$0x3AC0]  }
0x244: {  	v31 =	vld [tilespmem:s29+$0x2AE0];
	v20 =	vmul.f32 v20, v21;
	v21 =	vmul.f32 v32, v35  }
0x245: {  	s24 =	sadd.s32 $0x2, s24;
	s25 =	sadd.s32 $0x2, s25;
	v18 =	vmul.f32 s18, v18;
	v32 =	vmul.f32 v19, v33;
	s20 =	sld [smem:s14+$0xFFFFFFFF];
	v19 =	vld [tilespmem:s17+$0x2AE0]  }
.LBB2_19:
0x246: {  	v17 =	vmul.f32 v27, v17;
	v20 =	vmul.f32 s18, v20  }
0x247: {  	v12 =	vmul.f32 v29, v12;
	v24 =	vmul.f32 v26, v24  }
0x248: {  	v54 =	vld [tilespmem:s23+$0x3290];
	v11 =	vmul.f32 v22, v11;
	v32 =	vmul.f32 s18, v32  }
0x249: {  	v55 =	vld [tilespmem:s17+$0x2A90];
	v15 =	vmul.f32 v15, v28;
	v25 =	vmul.f32 s20, v25  }
0x24a: {  	v56 =	vld [tilespmem:s26+$0x3AD0];
	v59 =	vmul.f32 s20, v24;
	v11 =	vmul.f32 s20, v11  }
0x24b: {  	v57 =	vld [tilespmem:s26+$0x3AE0];
	v17 =	vmul.f32 s20, v17;
	v12 =	vmul.f32 v30, v12  }
0x24c: {  	v58 =	vld [tilespmem:s16+$0x3A90];
	v60 =	vmul.f32 s20, v16;
	v19 =	vmul.f32 v23, v19  }
0x24d: {  	v15 =	vmul.f32 v2, v15;
	v2 =	vmul.f32 s20, v12  }
0x24e: {  	v14 =	vmul.f32 v14, v31;
	v10 =	vadd.f32 v25, v10;
	v1 =	vmul.f32 v1, v19  }
0x24f: {  	v13 =	vmul.f32 v56, v13;
	v0 =	vadd.f32 v2, v0;
	v2 =	vmul.f32 v54, v55  }
0x250: {  	v19 =	vmul.f32 s18, v1;
	v1 =	vadd.f32 v11, v7;
	v7 =	vmul.f32 v57, v14  }
0x251: {  	v9 =	vadd.f32 v59, v9;
	v13 =	vmul.f32 s20, v13;
	v12 =	vmul.f32 v58, v2  }
0x252: {  	v4 =	vadd.f32 v17, v4;
	v0 =	vadd.f32 v32, v0;
	v7 =	vmul.f32 s20, v7  }
0x253: {  	v2 =	vadd.f32 v18, v10;
	v5 =	vadd.f32 v13, v5;
	v61 =	vmul.f32 s18, v12  }
0x254: {  	v62 =	vmul.f32 s18, v21;
	v1 =	vadd.f32 v20, v1;
	v6 =	vadd.f32 v7, v6  }
0x255: {  	v63 =	vmul.f32 s18, v15;
	v7 =	vadd.f32 v60, v3;
	v3 =	vadd.f32 v61, v4  }
0x256: {  	v4 =	vadd.f32 v62, v5;
	v5 =	vadd.f32 v19, v6  }
0x257: {  	v7 =	vadd.f32 v8, v7;
	v6 =	vadd.f32 v63, v9  }
.LBB2_20:
0x258: {  	p0 =	sge.s32 s13, s8  }
.Ltmp19:
0x259: {  	_ = 	snop;
	(pc) =	sbr.rel @p0 .LBB2_23-.Ltmp19, $1  }
0x25a: {  	_ =	sdelay $0x3  }
0x25b: {  	s0 =	ssub.s32 s10, s12  }
0x25c: {  	s8 =	sshll.u32 s8, $0x2;
	s10 =	sshll.u32 s0, $0x2  }
0x25d: {  	s8 =	ssub.s32 s8, s10  }
0x25e: {  	s8 =	sshra.s32 s8, $0x2  }
0x25f: {  	s10 =	sadd.s32 $0x400, s8;
	s12 =	sadd.s32 $0x200, s8  }
.LBB2_22:
0x260: {  	s13 =	sld [smem:s8+$0x0];
	_ =	sdelay $0x1  }
0x261: {  	s14 =	sld [smem:s12+$0x0]  }
0x262: {  	s16 =	sshll.u32 s13, $0x7  }
0x263: {  	s13 =	sshrl.u32 s13, $0x1;
	s16 =	sand.u32 $0x7F80, s16  }
0x264: {  	s14 =	sshll.u32 s14, $0x9;
	s13 =	sand.u32 $0x7FFFFF80, s13;
	v8 =	vld [tilespmem:s16+$0x2A80]  }
0x265: {  	s14 =	sshra.s32 s14, $0x2;
	v9 =	vld [tilespmem:s13+$0x3280]  }
0x266: {  	v10 =	vld [tilespmem:s14+$0x3A80]  }
0x267: {  	v11 =	vld [tilespmem:s16+$0x2A90]  }
0x268: {  	v12 =	vld [tilespmem:s13+$0x3290]  }
0x269: {  	v13 =	vld [tilespmem:s14+$0x3A90]  }
0x26a: {  	v14 =	vld [tilespmem:s16+$0x2AA0]  }
0x26b: {  	v15 =	vld [tilespmem:s13+$0x32A0]  }
0x26c: {  	v16 =	vld [tilespmem:s14+$0x3AA0]  }
0x26d: {  	v17 =	vld [tilespmem:s16+$0x2AB0]  }
0x26e: {  	v18 =	vld [tilespmem:s13+$0x32B0]  }
0x26f: {  	v19 =	vld [tilespmem:s14+$0x3AB0]  }
0x270: {  	v20 =	vld [tilespmem:s16+$0x2AC0]  }
0x271: {  	v21 =	vld [tilespmem:s13+$0x32C0]  }
0x272: {  	v23 =	vld [tilespmem:s16+$0x2AD0]  }
0x273: {  	v24 =	vld [tilespmem:s13+$0x32D0]  }
0x274: {  	v49 =	vld [tilespmem:s16+$0x2AE0]  }
0x275: {  	v50 =	vld [tilespmem:s13+$0x32E0]  }
0x276: {  	v22 =	vld [tilespmem:s14+$0x3AC0]  }
0x277: {  	v25 =	vld [tilespmem:s14+$0x3AD0];
	v8 =	vmul.f32 v9, v8  }
0x278: {  	v51 =	vld [tilespmem:s16+$0x2AF0];
	v48 =	vmul.f32 v12, v11;
	v52 =	vmul.f32 v15, v14  }
0x279: {  	v54 =	vld [tilespmem:s13+$0x32F0];
	v53 =	vmul.f32 v18, v17;
	v55 =	vmul.f32 v21, v20  }
0x27a: {  	v56 =	vmul.f32 v24, v23;
	v11 =	vmul.f32 v50, v49  }
0x27b: {  	s31 =	sld [smem:s10+$0x0];
	v58 =	vld [tilespmem:s14+$0x3AF0];
	v8 =	vmul.f32 v10, v8;
	v9 =	vmul.f32 v13, v48  }
0x27c: {  	v57 =	vld [tilespmem:s14+$0x3AE0];
	v13 =	vmul.f32 v16, v52;
	v14 =	vmul.f32 v19, v53  }
0x27d: {  	v17 =	vmul.f32 v22, v55;
	v18 =	vmul.f32 v25, v56  }
0x27e: {  	v10 =	vmul.f32 v54, v51;
	v8 =	vmul.f32 s31, v8  }
0x27f: {  	v9 =	vmul.f32 s31, v9;
	v59 =	vmul.f32 s31, v13  }
0x280: {  	p0 =	sne.s32 s0, $0x1;
	v60 =	vmul.f32 v58, v10;
	v61 =	vmul.f32 s31, v14  }
.Ltmp20:
0x281: {  	v62 =	vmul.f32 s31, v17;
	v2 =	vadd.f32 v8, v2;
	v8 =	vmul.f32 v57, v11;
	(pc) =	sbr.rel @p0 .LBB2_22-.Ltmp20, $4  }
0x282: {  	v63 =	vmul.f32 s31, v18;
	v3 =	vadd.f32 v9, v3;
	v7 =	vadd.f32 v59, v7  }
0x283: {  	v1 =	vadd.f32 v61, v1;
	v9 =	vmul.f32 s31, v60;
	v8 =	vmul.f32 s31, v8  }
0x284: {  	s10 =	sadd.s32 $0x1, s10;
	v0 =	vadd.f32 v62, v0;
	v4 =	vadd.f32 v63, v4  }
0x285: {  	s12 =	sadd.s32 $0x1, s12;
	s8 =	sadd.s32 $0x1, s8;
	s0 =	sadd.s32 $0xFFFFFFFF, s0;
	v6 =	vadd.f32 v9, v6;
	v5 =	vadd.f32 v8, v5  }
.Ltmp21:
0x286: {  	_ = 	snop;
	(pc) =	sbr.rel .LBB2_23-.Ltmp21, $1  }
0x287: {  	_ =	sdelay $0x3  }
.LBB2_26:
0x288: {  	_ =	sfence.sel $0x180000  }
0x289: {  	[bflag:$0x0] =	sbarrier.arrive $0xFFFF  }
0x28a: {  	_ =	strace $0x90000047  }
0x28b: {  	s0 =	stileid.u32;
	[bflag:$0x2] =	sbarrier.arrive $0xFFFF  }
0x28c: {  	p0 =	sne.s32 s0, $0x0;
	s0 =	rddreg [dreg:$0x4]  }
0x28d: {  	s0 =	sadd.s32 @!p0 $0x100000, s0  }
0x28e: {  	[sflag:s0] =	ssyncadd.tile.s32 @!p0 $0x1;
	_ =	shalt  }
.Lfunc_end2:
_tile_overlayer_lowered:
.L_overlay_start_2:
0x28f: {  	(tag) =	ssettag $0x2  }
0x290: {  	s0 =	rddreg [dreg:$0x0];
	s2 =	stileid.u32  }
0x291: {  	s1 =	rddreg [dreg:$0x1];
	p0 =	sne.s32 s2, $0x0  }
0x292: {  	s3 =	rddreg [dreg:$0x2];
	[bflag:$0x3] =	sbarrier.arrive $0xFFFF;
	s2 =	simm.s32 @!p0 $0x1C05  }
0x293: {  	[timem:s3], [sflag:s2] =	dma.local @!p0 [hbm:s0], s1  }
0x294: {  	s0 =	simm.s32 @!p0 $0x5  }
0x295: {  	_ =	swait.ge @!p0 [sflag:s0], s1  }
0x296: {  	s1 =	ssub.s32 @!p0 $0x0, s1;
	[sflag:s0] =	ssyncset.done @!p0 $0x0  }
0x297: {  	[sflag:s0] =	ssyncadd.s32 @!p0 s1  }
0x298: {  	[bflag:$0x3] =	sbarrier.arrive $0xFFFF  }
0x299: {  	_ =	shalt  }

</sc_bundles>
